<compile_context>
chip_gen: v7x
topology: tpu7x:2x2x1
jax: 0.10.2.dev20260603
libtpu: 0.0.44.dev20260713+nightly
codegen_flags: <defaults>
</compile_context>

<pallas_src>
import functools

import jax
import jax.numpy as jnp
from jax import lax
from jax.experimental import pallas as pl
from jax.experimental.pallas import tpu as pltpu
from jax.experimental.pallas import tpu_sc as plsc

N_NODES = 10000
IN_CH = 128
HID_CH = 128
OUT_CH = 64
N_EDGES = 320000

NC, NS, LANES = 2, 16, 16
NW = NC * NS

EPT_RAW = N_EDGES // NW
CHUNK = 128
NCHUNK = 80
EPT = NCHUNK * CHUNK
NPAD = 10112
RPT = NPAD // NS

_mesh = plsc.VectorSubcoreMesh(core_axis_name="c", subcore_axis_name="s")


def _deg_body(dst_hbm, out_hbm, idx_v, hist_v):
    c = lax.axis_index("c")
    s = lax.axis_index("s")
    wid = c * NS + s
    pltpu.sync_copy(dst_hbm.at[wid], idx_v)
    zero16 = jnp.zeros((LANES,), jnp.float32)

    def zrow(r, carry):
        for cc in range(CHUNK // LANES):
            hist_v[r, pl.ds(cc * LANES, LANES)] = zero16
        return carry

    lax.fori_loop(0, NCHUNK, zrow, 0)

    ones = jnp.ones((LANES,), jnp.float32)

    def edge(j, carry):
        idx = idx_v[pl.ds(j * LANES, LANES)]
        hi = lax.shift_right_logical(idx, 7)
        lo = lax.bitwise_and(idx, 127)
        plsc.addupdate_scatter(hist_v, [hi, lo], ones)
        return carry

    lax.fori_loop(0, EPT_RAW // LANES, edge, 0)
    pltpu.sync_copy(hist_v, out_hbm.at[wid])


_deg_call = pl.kernel(
    _deg_body,
    out_type=jax.ShapeDtypeStruct((NW, NCHUNK, CHUNK), jnp.float32),
    mesh=_mesh,
    scratch_types=[
        pltpu.VMEM((EPT_RAW,), jnp.int32),
        pltpu.VMEM((NCHUNK, CHUNK), jnp.float32),
    ],
    compiler_params=pltpu.CompilerParams(needs_layout_passes=False),
)


NF = 150
NSL = 8
ACH = 128
TOTCH = 16 * (NF + NSL)
STAGE = 17 * NF + 15 * NSL


def _make_agg(d, depth):

    def body(hs_hbm, src_hbm, dst_hbm, zeros_hbm, out_hbm,
             src_v, dst_v, rows_v, acc_sh, sem_g, sem_s):
        c = lax.axis_index("c")
        s = lax.axis_index("s")
        nch = jnp.where(c == 0, NF, NSL)
        off = jnp.where(c == 0, s * NF, 16 * NF + s * NSL)
        pltpu.sync_copy(src_hbm.at[pl.ds(off, NF)], src_v)
        pltpu.sync_copy(dst_hbm.at[pl.ds(off, NF)], dst_v)
        pltpu.sync_copy(zeros_hbm, acc_sh.at[pl.ds(s * RPT, RPT)])
        plsc.subcore_barrier()

        for k in range(depth):
            pltpu.async_copy(hs_hbm.at[src_v.at[k]], rows_v.at[k], sem_g)

        def step(j, carry):
            buf = lax.rem(j, depth)
            pltpu.make_async_copy(hs_hbm.at[src_v.at[j]], rows_v.at[buf],
                                  sem_g).wait()
            pltpu.async_copy(rows_v.at[buf], acc_sh.at[dst_v.at[j]], sem_s,
                             add=True)

            @pl.when(jnp.logical_and(j >= 1, j - 1 + depth < nch))
            def _():
                pbuf = lax.rem(j - 1, depth)
                pltpu.make_async_copy(rows_v.at[pbuf],
                                      acc_sh.at[dst_v.at[j - 1]], sem_s).wait()
                pltpu.async_copy(hs_hbm.at[src_v.at[j - 1 + depth]],
                                 rows_v.at[pbuf], sem_g)

            return carry

        lax.fori_loop(0, nch, step, 0)
        for k in range(depth):
            pltpu.make_async_copy(rows_v.at[k],
                                  acc_sh.at[dst_v.at[0]], sem_s).wait()
        plsc.subcore_barrier()
        pltpu.sync_copy(acc_sh.at[pl.ds(s * RPT, RPT)],
                        out_hbm.at[c].at[pl.ds(s * RPT, RPT)])

    return pl.kernel(
        body,
        out_type=jax.ShapeDtypeStruct((NC, NPAD, d), jnp.float32),
        mesh=_mesh,
        scratch_types=[
            pltpu.VMEM((NF, ACH), jnp.int32),
            pltpu.VMEM((NF, ACH), jnp.int32),
            pltpu.VMEM((depth, ACH, d), jnp.float32),
            pltpu.VMEM_SHARED((NPAD, d), jnp.float32),
            pltpu.SemaphoreType.DMA,
            pltpu.SemaphoreType.DMA,
        ],
        compiler_params=pltpu.CompilerParams(use_tc_tiling_on_sc=False),
    )


_agg64 = _make_agg(OUT_CH, 6)


def _dinv_body(degp_ref, out_ref):
    deg = jnp.sum(degp_ref[...], axis=0) + 1.0
    out_ref[...] = lax.rsqrt(deg)


def _hs1_body(x_ref, w_ref, dinv_ref, outa_ref, outb_ref):
    y = jnp.dot(x_ref[...], w_ref[...], preferred_element_type=jnp.float32)
    y = y * dinv_ref[...]
    outa_ref[...] = y[:, :OUT_CH]
    outb_ref[...] = y[:, OUT_CH:]


def _hs2_body(aggA0, aggA1, aggB0, aggB1, hs1a_ref, hs1b_ref, dinv_ref,
              b1_ref, w2_ref, out_ref):
    dinv = dinv_ref[...]
    ha = (aggA0[0] + aggA1[0] + hs1a_ref[...]) * dinv + b1_ref[:, :OUT_CH]
    hb = (aggB0[0] + aggB1[0] + hs1b_ref[...]) * dinv + b1_ref[:, OUT_CH:]
    ha = jnp.maximum(ha, 0.0)
    hb = jnp.maximum(hb, 0.0)
    out_ref[...] = (
        jnp.dot(ha, w2_ref[:OUT_CH], preferred_element_type=jnp.float32)
        + jnp.dot(hb, w2_ref[OUT_CH:], preferred_element_type=jnp.float32)
    ) * dinv


def _z_body(aggp_ref0, aggp_ref1, hs2_ref, dinv_ref, b2_ref, out_ref):
    out_ref[...] = (
        (aggp_ref0[0] + aggp_ref1[0] + hs2_ref[...]) * dinv_ref[...]
        + b2_ref[...]
    )


def _adj_body(zr_ref, zc_ref, out_ref):
    g = lax.dot_general(zr_ref[...], zc_ref[...],
                        (((1,), (1,)), ((), ())),
                        preferred_element_type=jnp.float32)
    out_ref[...] = 0.5 * jnp.tanh(0.5 * g) + 0.5


_BM = 512
_GM = -(-N_NODES // _BM)

_dinv_call = pl.pallas_call(
    _dinv_body,
    out_shape=jax.ShapeDtypeStruct((NCHUNK, CHUNK), jnp.float32),
    in_specs=[pl.BlockSpec((NW, NCHUNK, CHUNK), lambda: (0, 0, 0))],
    out_specs=pl.BlockSpec((NCHUNK, CHUNK), lambda: (0, 0)),
)

_hs1_call = pl.pallas_call(
    _hs1_body,
    grid=(_GM,),
    out_shape=[jax.ShapeDtypeStruct((N_NODES, OUT_CH), jnp.float32),
               jax.ShapeDtypeStruct((N_NODES, OUT_CH), jnp.float32)],
    in_specs=[
        pl.BlockSpec((_BM, IN_CH), lambda i: (i, 0)),
        pl.BlockSpec((IN_CH, HID_CH), lambda i: (0, 0)),
        pl.BlockSpec((_BM, 1), lambda i: (i, 0)),
    ],
    out_specs=[pl.BlockSpec((_BM, OUT_CH), lambda i: (i, 0)),
               pl.BlockSpec((_BM, OUT_CH), lambda i: (i, 0))],
)

_hs2_call = pl.pallas_call(
    _hs2_body,
    grid=(_GM,),
    out_shape=jax.ShapeDtypeStruct((N_NODES, OUT_CH), jnp.float32),
    in_specs=[
        pl.BlockSpec((1, _BM, OUT_CH), lambda i: (0, i, 0)),
        pl.BlockSpec((1, _BM, OUT_CH), lambda i: (1, i, 0)),
        pl.BlockSpec((1, _BM, OUT_CH), lambda i: (0, i, 0)),
        pl.BlockSpec((1, _BM, OUT_CH), lambda i: (1, i, 0)),
        pl.BlockSpec((_BM, OUT_CH), lambda i: (i, 0)),
        pl.BlockSpec((_BM, OUT_CH), lambda i: (i, 0)),
        pl.BlockSpec((_BM, 1), lambda i: (i, 0)),
        pl.BlockSpec((1, HID_CH), lambda i: (0, 0)),
        pl.BlockSpec((HID_CH, OUT_CH), lambda i: (0, 0)),
    ],
    out_specs=pl.BlockSpec((_BM, OUT_CH), lambda i: (i, 0)),
)

_z_call = pl.pallas_call(
    _z_body,
    grid=(_GM,),
    out_shape=jax.ShapeDtypeStruct((N_NODES, OUT_CH), jnp.float32),
    in_specs=[
        pl.BlockSpec((1, _BM, OUT_CH), lambda i: (0, i, 0)),
        pl.BlockSpec((1, _BM, OUT_CH), lambda i: (1, i, 0)),
        pl.BlockSpec((_BM, OUT_CH), lambda i: (i, 0)),
        pl.BlockSpec((_BM, 1), lambda i: (i, 0)),
        pl.BlockSpec((1, OUT_CH), lambda i: (0, 0)),
    ],
    out_specs=pl.BlockSpec((_BM, OUT_CH), lambda i: (i, 0)),
)

_BN = 4096
_GN = -(-N_NODES // _BN)

_adj_call = pl.pallas_call(
    _adj_body,
    grid=(_GM, _GN),
    out_shape=jax.ShapeDtypeStruct((N_NODES, N_NODES), jnp.float32),
    in_specs=[
        pl.BlockSpec((_BM, OUT_CH), lambda i, j: (i, 0)),
        pl.BlockSpec((_BN, OUT_CH), lambda i, j: (j, 0)),
    ],
    out_specs=pl.BlockSpec((_BM, _BN), lambda i, j: (i, j)),
    compiler_params=pltpu.CompilerParams(
        dimension_semantics=("parallel", "parallel")),
)


def kernel(x, edge_index, W1, b1, W2, b2):
    ei = edge_index.astype(jnp.int32)
    src, dst = ei[0], ei[1]

    degp = _deg_call(dst.reshape(NW, EPT_RAW))
    dinv2d = _dinv_call(degp)
    dinv = dinv2d.reshape(-1)[:N_NODES, None]

    padn = STAGE * ACH - N_EDGES
    trash = N_NODES + jnp.arange(padn, dtype=jnp.int32) % (NPAD - N_NODES)
    dstp = jnp.concatenate([dst, trash]).reshape(STAGE, ACH)
    srcp = jnp.concatenate(
        [src, jnp.zeros((padn,), jnp.int32)]).reshape(STAGE, ACH)

    zeros64 = jnp.zeros((RPT, OUT_CH), jnp.float32)
    hs1a, hs1b = _hs1_call(x, W1, dinv)
    aggp1a = _agg64(hs1a, srcp, dstp, zeros64)
    aggp1b = _agg64(hs1b, srcp, dstp, zeros64)
    hs2 = _hs2_call(aggp1a, aggp1a, aggp1b, aggp1b, hs1a, hs1b, dinv,
                    b1.reshape(1, HID_CH), W2)
    aggp2 = _agg64(hs2, srcp, dstp, zeros64)
    z = _z_call(aggp2, aggp2, hs2, dinv, b2.reshape(1, OUT_CH))
    adj = _adj_call(z, z)
    return (z, adj)

# --- scband reference (transcript-rebuilt; emitter-appended) ---
"""Pipeline reference for scband-graph-autoencoder-36301063586565 (READ-ONLY COPY).

The authoritative reference and input builder live on the scoring server;
editing this copy changes nothing except your own understanding.
"""

import jax, jax.numpy as jnp
import numpy as np

N_NODES = 10000
IN_CH = 128
HID_CH = 128
OUT_CH = 64
N_EDGES = 320000


def gcn_conv(x, edge_index, W, b, num_nodes):
    # GCNConv: add self-loops, symmetric normalization D^{-1/2}(A+I)D^{-1/2} X W + b
    src = edge_index[0]
    dst = edge_index[1]
    loop = jnp.arange(num_nodes, dtype=edge_index.dtype)
    src = jnp.concatenate([src, loop])
    dst = jnp.concatenate([dst, loop])
    deg = jnp.zeros((num_nodes,), dtype=x.dtype).at[dst].add(1.0)
    deg_inv_sqrt = jnp.where(deg > 0, jax.lax.rsqrt(jnp.maximum(deg, 1e-12)), 0.0)
    norm = deg_inv_sqrt[src] * deg_inv_sqrt[dst]
    h = x @ W
    msg = h[src] * norm[:, None]
    out = jnp.zeros((num_nodes, h.shape[1]), dtype=h.dtype).at[dst].add(msg)
    return out + b


def setup_inputs(seed: int = 0) -> dict:
    key = jax.random.key(seed)
    k1, k2, k3, k4, k5, k6 = jax.random.split(key, 6)
    x = jax.random.normal(k1, (N_NODES, IN_CH), dtype=jnp.float32)
    edge_index = jax.random.randint(k2, (2, N_EDGES), 0, N_NODES, dtype=jnp.int64)
    s1 = 1.0 / np.sqrt(IN_CH)
    s2 = 1.0 / np.sqrt(HID_CH)
    W1 = jax.random.uniform(k3, (IN_CH, HID_CH), dtype=jnp.float32, minval=-s1, maxval=s1)
    b1 = jax.random.uniform(k4, (HID_CH,), dtype=jnp.float32, minval=-s1, maxval=s1)
    W2 = jax.random.uniform(k5, (HID_CH, OUT_CH), dtype=jnp.float32, minval=-s2, maxval=s2)
    b2 = jax.random.uniform(k6, (OUT_CH,), dtype=jnp.float32, minval=-s2, maxval=s2)
    return {"x": x, "edge_index": edge_index, "W1": W1, "b1": b1, "W2": W2, "b2": b2}


def reference(x, edge_index, W1, b1, W2, b2):
    num_nodes = x.shape[0]
    h = gcn_conv(x, edge_index, W1, b1, num_nodes)
    h = jax.nn.relu(h)
    z = gcn_conv(h, edge_index, W2, b2, num_nodes)
    adj_rec = jax.nn.sigmoid(z @ z.T)
    return (z, adj_rec)

if __name__ == "__main__":
    import jax
    _d = setup_inputs()
    print(jax.jit(kernel)(*tuple(_d.values())))

</pallas_src>

<mosaic_0001>
#map = affine_map<(d0, d1) -> (0, 0)>
#map1 = affine_map<(d0, d1) -> (0, 0, 0)>
module attributes {stable_mosaic.version = 14 : i64} {
  func.func @_deg_body(%arg0: i32, %arg1: i32, %arg2: memref<32x10000xi32, #tpu.memory_space<hbm>>, %arg3: memref<32x80x128xf32, #tpu.memory_space<hbm>>, %arg4: memref<10000xi32, #tpu.memory_space<vmem>>, %arg5: memref<80x128xf32, #tpu.memory_space<vmem>>) attributes {dimension_semantics = [#tpu.dimension_semantics<core_parallel>, #tpu.dimension_semantics<subcore_parallel>], iteration_bounds = array<i64: 2, 16>, scalar_prefetch = 0 : i64, scratch_operands = 2 : i64, tpu.core_type = #tpu.core_type<sc_vector_subcore>, window_params = [{transform_indices = #map}, {transform_indices = #map1}]} {
    %mul3A = arith.constant 16 : i32
    %mul3A_0 = arith.muli %arg0, %mul3A : i32
    %add3A = arith.addi %mul3A_0, %arg1 : i32
    "tpu.region"() ({
      %run_scoped3A = tpu.sem_alloc : memref<!tpu.dma_semaphore, #tpu.memory_space<semaphore_mem>>
      %dma_start3A = arith.constant 0 : i32
      %dma_start3A_15 = tpu.memref_slice %arg2[%add3A, %dma_start3A] : memref<32x10000xi32, #tpu.memory_space<hbm>> -> memref<1x10000xi32, #tpu.memory_space<hbm>>
      %dma_start3A_16 = tpu.memref_squeeze %dma_start3A_15 : memref<1x10000xi32, #tpu.memory_space<hbm>> -> memref<10000xi32, #tpu.memory_space<hbm>>
      %dma_start3A_17 = arith.constant 0 : i32
      %dma_start3A_18 = tpu.memref_slice %arg2[%add3A, %dma_start3A_17] : memref<32x10000xi32, #tpu.memory_space<hbm>> -> memref<1x10000xi32, #tpu.memory_space<hbm>>
      %dma_start3A_19 = tpu.memref_squeeze %dma_start3A_18 : memref<1x10000xi32, #tpu.memory_space<hbm>> -> memref<10000xi32, #tpu.memory_space<hbm>>
      tpu.enqueue_dma source(%dma_start3A_19 : memref<10000xi32, #tpu.memory_space<hbm>>) target(%arg4 : memref<10000xi32, #tpu.memory_space<vmem>>) target_semaphore(%run_scoped3A : memref<!tpu.dma_semaphore, #tpu.memory_space<semaphore_mem>>)
      %dma_wait3A = arith.constant 0 : i32
      %dma_wait3A_20 = tpu.memref_slice %arg2[%add3A, %dma_wait3A] : memref<32x10000xi32, #tpu.memory_space<hbm>> -> memref<1x10000xi32, #tpu.memory_space<hbm>>
      %dma_wait3A_21 = tpu.memref_squeeze %dma_wait3A_20 : memref<1x10000xi32, #tpu.memory_space<hbm>> -> memref<10000xi32, #tpu.memory_space<hbm>>
      %dma_wait3A_22 = arith.constant 0 : i32
      %dma_wait3A_23 = tpu.memref_slice %arg2[%add3A, %dma_wait3A_22] : memref<32x10000xi32, #tpu.memory_space<hbm>> -> memref<1x10000xi32, #tpu.memory_space<hbm>>
      %dma_wait3A_24 = tpu.memref_squeeze %dma_wait3A_23 : memref<1x10000xi32, #tpu.memory_space<hbm>> -> memref<10000xi32, #tpu.memory_space<hbm>>
      tpu.wait_dma2 semaphore(%run_scoped3A : memref<!tpu.dma_semaphore, #tpu.memory_space<semaphore_mem>>) src(%dma_wait3A_24 : memref<10000xi32, #tpu.memory_space<hbm>>) dst(%arg4 : memref<10000xi32, #tpu.memory_space<vmem>>)
      tpu.yield
    }) : () -> ()
    %broadcast_in_dim3A = arith.constant 0.000000e+00 : f32
    %broadcast_in_dim3A_1 = vector.broadcast %broadcast_in_dim3A : f32 to vector<16xf32>
    %scan3A = arith.constant 0 : i32
    %scan3A_2 = arith.constant 0 : i32
    %scan3A_3 = arith.constant 80 : i32
    %scan3A_4 = arith.addi %scan3A_2, %scan3A_3 : i32
    %scan3A_5 = arith.constant 1 : i32
    scf.for %scan3A_15 = %scan3A_2 to %scan3A_4 step %scan3A_5  : i32 {
      %swap3A = arith.index_cast %scan3A_15 : i32 to index
      %swap3A_16 = arith.constant 0 : index
      %swap3A_17 = tpu.vector_load %arg5[%swap3A, %swap3A_16] {strides = array<i32>} : memref<80x128xf32, #tpu.memory_space<vmem>>, vector<16xf32>,
      tpu.vector_store %arg5[%swap3A, %swap3A_16], %broadcast_in_dim3A_1 {strides = array<i32>} : memref<80x128xf32, #tpu.memory_space<vmem>>, vector<16xf32>,
      %swap3A_18 = arith.index_cast %scan3A_15 : i32 to index
      %swap3A_19 = arith.constant 16 : index
      %swap3A_20 = tpu.vector_load %arg5[%swap3A_18, %swap3A_19] {strides = array<i32>} : memref<80x128xf32, #tpu.memory_space<vmem>>, vector<16xf32>,
      tpu.vector_store %arg5[%swap3A_18, %swap3A_19], %broadcast_in_dim3A_1 {strides = array<i32>} : memref<80x128xf32, #tpu.memory_space<vmem>>, vector<16xf32>,
      %swap3A_21 = arith.index_cast %scan3A_15 : i32 to index
      %swap3A_22 = arith.constant 32 : index
      %swap3A_23 = tpu.vector_load %arg5[%swap3A_21, %swap3A_22] {strides = array<i32>} : memref<80x128xf32, #tpu.memory_space<vmem>>, vector<16xf32>,
      tpu.vector_store %arg5[%swap3A_21, %swap3A_22], %broadcast_in_dim3A_1 {strides = array<i32>} : memref<80x128xf32, #tpu.memory_space<vmem>>, vector<16xf32>,
      %swap3A_24 = arith.index_cast %scan3A_15 : i32 to index
      %swap3A_25 = arith.constant 48 : index
      %swap3A_26 = tpu.vector_load %arg5[%swap3A_24, %swap3A_25] {strides = array<i32>} : memref<80x128xf32, #tpu.memory_space<vmem>>, vector<16xf32>,
      tpu.vector_store %arg5[%swap3A_24, %swap3A_25], %broadcast_in_dim3A_1 {strides = array<i32>} : memref<80x128xf32, #tpu.memory_space<vmem>>, vector<16xf32>,
      %swap3A_27 = arith.index_cast %scan3A_15 : i32 to index
      %swap3A_28 = arith.constant 64 : index
      %swap3A_29 = tpu.vector_load %arg5[%swap3A_27, %swap3A_28] {strides = array<i32>} : memref<80x128xf32, #tpu.memory_space<vmem>>, vector<16xf32>,
      tpu.vector_store %arg5[%swap3A_27, %swap3A_28], %broadcast_in_dim3A_1 {strides = array<i32>} : memref<80x128xf32, #tpu.memory_space<vmem>>, vector<16xf32>,
      %swap3A_30 = arith.index_cast %scan3A_15 : i32 to index
      %swap3A_31 = arith.constant 80 : index
      %swap3A_32 = tpu.vector_load %arg5[%swap3A_30, %swap3A_31] {strides = array<i32>} : memref<80x128xf32, #tpu.memory_space<vmem>>, vector<16xf32>,
      tpu.vector_store %arg5[%swap3A_30, %swap3A_31], %broadcast_in_dim3A_1 {strides = array<i32>} : memref<80x128xf32, #tpu.memory_space<vmem>>, vector<16xf32>,
      %swap3A_33 = arith.index_cast %scan3A_15 : i32 to index
      %swap3A_34 = arith.constant 96 : index
      %swap3A_35 = tpu.vector_load %arg5[%swap3A_33, %swap3A_34] {strides = array<i32>} : memref<80x128xf32, #tpu.memory_space<vmem>>, vector<16xf32>,
      tpu.vector_store %arg5[%swap3A_33, %swap3A_34], %broadcast_in_dim3A_1 {strides = array<i32>} : memref<80x128xf32, #tpu.memory_space<vmem>>, vector<16xf32>,
      %swap3A_36 = arith.index_cast %scan3A_15 : i32 to index
      %swap3A_37 = arith.constant 112 : index
      %swap3A_38 = tpu.vector_load %arg5[%swap3A_36, %swap3A_37] {strides = array<i32>} : memref<80x128xf32, #tpu.memory_space<vmem>>, vector<16xf32>,
      tpu.vector_store %arg5[%swap3A_36, %swap3A_37], %broadcast_in_dim3A_1 {strides = array<i32>} : memref<80x128xf32, #tpu.memory_space<vmem>>, vector<16xf32>,
    }
    %scan3A_6 = arith.constant 80 : i32
    %broadcast_in_dim3A_7 = arith.constant 1.000000e+00 : f32
    %broadcast_in_dim3A_8 = vector.broadcast %broadcast_in_dim3A_7 : f32 to vector<16xf32>
    %scan3A_9 = arith.constant 0 : i32
    %scan3A_10 = arith.constant 0 : i32
    %scan3A_11 = arith.constant 625 : i32
    %scan3A_12 = arith.addi %scan3A_10, %scan3A_11 : i32
    %scan3A_13 = arith.constant 1 : i32
    scf.for %scan3A_15 = %scan3A_10 to %scan3A_12 step %scan3A_13  : i32 {
      %mul3A_16 = arith.constant 16 : i32
      %mul3A_17 = arith.muli %scan3A_15, %mul3A_16 : i32
      %get3A = arith.index_cast %mul3A_17 : i32 to index
      %get3A_18 = tpu.vector_load %arg4[%get3A] {strides = array<i32>} : memref<10000xi32, #tpu.memory_space<vmem>>, vector<16xi32>,
      %shift_right_logical3A = arith.constant 7 : i32
      %shift_right_logical3A_19 = vector.broadcast %shift_right_logical3A : i32 to vector<16xi32>
      %shift_right_logical3A_20 = arith.shrui %get3A_18, %shift_right_logical3A_19 : vector<16xi32>
      %and3A = arith.constant 127 : i32
      %and3A_21 = vector.broadcast %and3A : i32 to vector<16xi32>
      %and3A_22 = arith.andi %get3A_18, %and3A_21 : vector<16xi32>
      tpu.vector_store_idx %arg5[%shift_right_logical3A_20, %and3A_22], %broadcast_in_dim3A_8 {add = true} : memref<80x128xf32, #tpu.memory_space<vmem>>[vector<16xi32>, vector<16xi32>], vector<16xf32>,
    }
    %scan3A_14 = arith.constant 625 : i32
    "tpu.region"() ({
      %run_scoped3A = tpu.sem_alloc : memref<!tpu.dma_semaphore, #tpu.memory_space<semaphore_mem>>
      %dma_start3A = arith.constant 0 : i32
      %dma_start3A_15 = arith.constant 0 : i32
      %dma_start3A_16 = tpu.memref_slice %arg3[%add3A, %dma_start3A, %dma_start3A_15] : memref<32x80x128xf32, #tpu.memory_space<hbm>> -> memref<1x80x128xf32, #tpu.memory_space<hbm>>
      %dma_start3A_17 = tpu.memref_squeeze %dma_start3A_16 : memref<1x80x128xf32, #tpu.memory_space<hbm>> -> memref<80x128xf32, #tpu.memory_space<hbm>>
      %dma_start3A_18 = arith.constant 0 : i32
      %dma_start3A_19 = arith.constant 0 : i32
      %dma_start3A_20 = tpu.memref_slice %arg3[%add3A, %dma_start3A_18, %dma_start3A_19] : memref<32x80x128xf32, #tpu.memory_space<hbm>> -> memref<1x80x128xf32, #tpu.memory_space<hbm>>
      %dma_start3A_21 = tpu.memref_squeeze %dma_start3A_20 : memref<1x80x128xf32, #tpu.memory_space<hbm>> -> memref<80x128xf32, #tpu.memory_space<hbm>>
      tpu.enqueue_dma source(%arg5 : memref<80x128xf32, #tpu.memory_space<vmem>>) target(%dma_start3A_21 : memref<80x128xf32, #tpu.memory_space<hbm>>) target_semaphore(%run_scoped3A : memref<!tpu.dma_semaphore, #tpu.memory_space<semaphore_mem>>)
      %dma_wait3A = arith.constant 0 : i32
      %dma_wait3A_22 = arith.constant 0 : i32
      %dma_wait3A_23 = tpu.memref_slice %arg3[%add3A, %dma_wait3A, %dma_wait3A_22] : memref<32x80x128xf32, #tpu.memory_space<hbm>> -> memref<1x80x128xf32, #tpu.memory_space<hbm>>
      %dma_wait3A_24 = tpu.memref_squeeze %dma_wait3A_23 : memref<1x80x128xf32, #tpu.memory_space<hbm>> -> memref<80x128xf32, #tpu.memory_space<hbm>>
      %dma_wait3A_25 = arith.constant 0 : i32
      %dma_wait3A_26 = arith.constant 0 : i32
      %dma_wait3A_27 = tpu.memref_slice %arg3[%add3A, %dma_wait3A_25, %dma_wait3A_26] : memref<32x80x128xf32, #tpu.memory_space<hbm>> -> memref<1x80x128xf32, #tpu.memory_space<hbm>>
      %dma_wait3A_28 = tpu.memref_squeeze %dma_wait3A_27 : memref<1x80x128xf32, #tpu.memory_space<hbm>> -> memref<80x128xf32, #tpu.memory_space<hbm>>
      tpu.wait_dma2 semaphore(%run_scoped3A : memref<!tpu.dma_semaphore, #tpu.memory_space<semaphore_mem>>) src(%arg5 : memref<80x128xf32, #tpu.memory_space<vmem>>) dst(%dma_wait3A_28 : memref<80x128xf32, #tpu.memory_space<hbm>>)
      tpu.yield
    }) : () -> ()
    return
  }
}

#map = affine_map<(d0, d1) -> (0, 0)>
#map1 = affine_map<(d0, d1) -> (0, 0, 0)>
module attributes {stable_mosaic.version = 14 : i64} {
  func.func @body(%arg0: i32, %arg1: i32, %arg2: memref<10000x64xf32, #tpu.memory_space<hbm>>, %arg3: memref<2670x128xi32, #tpu.memory_space<hbm>>, %arg4: memref<2670x128xi32, #tpu.memory_space<hbm>>, %arg5: memref<632x64xf32, #tpu.memory_space<hbm>>, %arg6: memref<2x10112x64xf32, #tpu.memory_space<hbm>>, %arg7: memref<150x128xi32, #tpu.memory_space<vmem>>, %arg8: memref<150x128xi32, #tpu.memory_space<vmem>>, %arg9: memref<6x128x64xf32, #tpu.memory_space<vmem>>, %arg10: memref<10112x64xf32, #tpu.memory_space<vmem_shared>>, %arg11: memref<!tpu.dma_semaphore, #tpu.memory_space<semaphore_mem>>, %arg12: memref<!tpu.dma_semaphore, #tpu.memory_space<semaphore_mem>>) attributes {dimension_semantics = [#tpu.dimension_semantics<core_parallel>, #tpu.dimension_semantics<subcore_parallel>], iteration_bounds = array<i64: 2, 16>, scalar_prefetch = 0 : i64, scratch_operands = 6 : i64, tpu.core_type = #tpu.core_type<sc_vector_subcore>, window_params = [{transform_indices = #map}, {transform_indices = #map}, {transform_indices = #map}, {transform_indices = #map}, {transform_indices = #map1}]} {
    %eq3A = arith.constant 0 : i32
    %eq3A_0 = arith.cmpi eq, %arg0, %eq3A : i32
    %jit3A = arith.constant 150 : i32
    %jit3A_1 = arith.constant 8 : i32
    %select_n3A = arith.select %eq3A_0, %jit3A, %jit3A_1 : i32
    %eq3A_2 = arith.constant 0 : i32
    %eq3A_3 = arith.cmpi eq, %arg0, %eq3A_2 : i32
    %mul3A = arith.constant 150 : i32
    %mul3A_4 = arith.muli %arg1, %mul3A : i32
    %mul3A_5 = arith.constant 8 : i32
    %mul3A_6 = arith.muli %arg1, %mul3A_5 : i32
    %add3A = arith.constant 2400 : i32
    %add3A_7 = arith.addi %add3A, %mul3A_6 : i32
    %select_n3A_8 = arith.select %eq3A_3, %mul3A_4, %add3A_7 : i32
    "tpu.region"() ({
      %run_scoped3A = tpu.sem_alloc : memref<!tpu.dma_semaphore, #tpu.memory_space<semaphore_mem>>
      %dma_start3A_167 = arith.constant 0 : i32
      %dma_start3A_168 = tpu.memref_slice %arg3[%select_n3A_8, %dma_start3A_167] : memref<2670x128xi32, #tpu.memory_space<hbm>> -> memref<150x128xi32, #tpu.memory_space<hbm>>
      %dma_start3A_169 = arith.constant 0 : i32
      %dma_start3A_170 = tpu.memref_slice %arg3[%select_n3A_8, %dma_start3A_169] : memref<2670x128xi32, #tpu.memory_space<hbm>> -> memref<150x128xi32, #tpu.memory_space<hbm>>
      tpu.enqueue_dma source(%dma_start3A_170 : memref<150x128xi32, #tpu.memory_space<hbm>>) target(%arg7 : memref<150x128xi32, #tpu.memory_space<vmem>>) target_semaphore(%run_scoped3A : memref<!tpu.dma_semaphore, #tpu.memory_space<semaphore_mem>>)
      %dma_wait3A_171 = arith.constant 0 : i32
      %dma_wait3A_172 = tpu.memref_slice %arg3[%select_n3A_8, %dma_wait3A_171] : memref<2670x128xi32, #tpu.memory_space<hbm>> -> memref<150x128xi32, #tpu.memory_space<hbm>>
      %dma_wait3A_173 = arith.constant 0 : i32
      %dma_wait3A_174 = tpu.memref_slice %arg3[%select_n3A_8, %dma_wait3A_173] : memref<2670x128xi32, #tpu.memory_space<hbm>> -> memref<150x128xi32, #tpu.memory_space<hbm>>
      tpu.wait_dma2 semaphore(%run_scoped3A : memref<!tpu.dma_semaphore, #tpu.memory_space<semaphore_mem>>) src(%dma_wait3A_174 : memref<150x128xi32, #tpu.memory_space<hbm>>) dst(%arg7 : memref<150x128xi32, #tpu.memory_space<vmem>>)
      tpu.yield
    }) : () -> ()
    "tpu.region"() ({
      %run_scoped3A = tpu.sem_alloc : memref<!tpu.dma_semaphore, #tpu.memory_space<semaphore_mem>>
      %dma_start3A_167 = arith.constant 0 : i32
      %dma_start3A_168 = tpu.memref_slice %arg4[%select_n3A_8, %dma_start3A_167] : memref<2670x128xi32, #tpu.memory_space<hbm>> -> memref<150x128xi32, #tpu.memory_space<hbm>>
      %dma_start3A_169 = arith.constant 0 : i32
      %dma_start3A_170 = tpu.memref_slice %arg4[%select_n3A_8, %dma_start3A_169] : memref<2670x128xi32, #tpu.memory_space<hbm>> -> memref<150x128xi32, #tpu.memory_space<hbm>>
      tpu.enqueue_dma source(%dma_start3A_170 : memref<150x128xi32, #tpu.memory_space<hbm>>) target(%arg8 : memref<150x128xi32, #tpu.memory_space<vmem>>) target_semaphore(%run_scoped3A : memref<!tpu.dma_semaphore, #tpu.memory_space<semaphore_mem>>)
      %dma_wait3A_171 = arith.constant 0 : i32
      %dma_wait3A_172 = tpu.memref_slice %arg4[%select_n3A_8, %dma_wait3A_171] : memref<2670x128xi32, #tpu.memory_space<hbm>> -> memref<150x128xi32, #tpu.memory_space<hbm>>
      %dma_wait3A_173 = arith.constant 0 : i32
      %dma_wait3A_174 = tpu.memref_slice %arg4[%select_n3A_8, %dma_wait3A_173] : memref<2670x128xi32, #tpu.memory_space<hbm>> -> memref<150x128xi32, #tpu.memory_space<hbm>>
      tpu.wait_dma2 semaphore(%run_scoped3A : memref<!tpu.dma_semaphore, #tpu.memory_space<semaphore_mem>>) src(%dma_wait3A_174 : memref<150x128xi32, #tpu.memory_space<hbm>>) dst(%arg8 : memref<150x128xi32, #tpu.memory_space<vmem>>)
      tpu.yield
    }) : () -> ()
    %mul3A_9 = arith.constant 632 : i32
    %mul3A_10 = arith.muli %arg1, %mul3A_9 : i32
    "tpu.region"() ({
      %run_scoped3A = tpu.sem_alloc : memref<!tpu.dma_semaphore, #tpu.memory_space<semaphore_mem>>
      %dma_start3A_167 = arith.constant 0 : i32
      %dma_start3A_168 = tpu.memref_slice %arg10[%mul3A_10, %dma_start3A_167] : memref<10112x64xf32, #tpu.memory_space<vmem_shared>> -> memref<632x64xf32, #tpu.memory_space<vmem_shared>>
      tpu.enqueue_dma source(%arg5 : memref<632x64xf32, #tpu.memory_space<hbm>>) target(%dma_start3A_168 : memref<632x64xf32, #tpu.memory_space<vmem_shared>>) target_semaphore(%run_scoped3A : memref<!tpu.dma_semaphore, #tpu.memory_space<semaphore_mem>>)
      %dma_wait3A_169 = arith.constant 0 : i32
      %dma_wait3A_170 = tpu.memref_slice %arg10[%mul3A_10, %dma_wait3A_169] : memref<10112x64xf32, #tpu.memory_space<vmem_shared>> -> memref<632x64xf32, #tpu.memory_space<vmem_shared>>
      tpu.wait_dma2 semaphore(%run_scoped3A : memref<!tpu.dma_semaphore, #tpu.memory_space<semaphore_mem>>) src(%arg5 : memref<632x64xf32, #tpu.memory_space<hbm>>) dst(%dma_wait3A_170 : memref<632x64xf32, #tpu.memory_space<vmem_shared>>)
      tpu.yield
    }) : () -> ()
    %barrier3A = arith.constant 0 : index
    tpu.barrier barrier_id(%barrier3A)
    %dma_start3A = arith.constant 0 : i32
    %dma_start3A_11 = arith.constant 0 : i32
    %dma_start3A_12 = arith.constant 0 : i32
    %dma_start3A_13 = arith.constant 0 : i32
    %dma_start3A_14 = tpu.memref_slice %arg9[%dma_start3A_11, %dma_start3A_12, %dma_start3A_13] : memref<6x128x64xf32, #tpu.memory_space<vmem>> -> memref<1x128x64xf32, #tpu.memory_space<vmem>>
    %dma_start3A_15 = tpu.memref_squeeze %dma_start3A_14 : memref<1x128x64xf32, #tpu.memory_space<vmem>> -> memref<128x64xf32, #tpu.memory_space<vmem>>
    %dma_start3A_16 = arith.constant 0 : i32
    %dma_start3A_17 = tpu.memref_slice %arg7[%dma_start3A, %dma_start3A_16] : memref<150x128xi32, #tpu.memory_space<vmem>> -> memref<1x128xi32, #tpu.memory_space<vmem>>
    %dma_start3A_18 = tpu.memref_squeeze %dma_start3A_17 : memref<1x128xi32, #tpu.memory_space<vmem>> -> memref<128xi32, #tpu.memory_space<vmem>>
    %dma_start3A_19 = arith.constant 0 : i32
    %dma_start3A_20 = arith.constant 0 : i32
    %dma_start3A_21 = tpu.memref_slice %arg2[%dma_start3A_19, %dma_start3A_20] : memref<10000x64xf32, #tpu.memory_space<hbm>> -> memref<10000x64xf32, #tpu.memory_space<hbm>>
    tpu.enqueue_indirect_dma source(%dma_start3A_21 : memref<10000x64xf32, #tpu.memory_space<hbm>>) target(%dma_start3A_15 : memref<128x64xf32, #tpu.memory_space<vmem>>) offsets(%dma_start3A_18 : memref<128xi32, #tpu.memory_space<vmem>>) semaphore(%arg11 : memref<!tpu.dma_semaphore, #tpu.memory_space<semaphore_mem>>)
    %dma_start3A_22 = arith.constant 1 : i32
    %dma_start3A_23 = arith.constant 1 : i32
    %dma_start3A_24 = arith.constant 0 : i32
    %dma_start3A_25 = arith.constant 0 : i32
    %dma_start3A_26 = tpu.memref_slice %arg9[%dma_start3A_23, %dma_start3A_24, %dma_start3A_25] : memref<6x128x64xf32, #tpu.memory_space<vmem>> -> memref<1x128x64xf32, #tpu.memory_space<vmem>>
    %dma_start3A_27 = tpu.memref_squeeze %dma_start3A_26 : memref<1x128x64xf32, #tpu.memory_space<vmem>> -> memref<128x64xf32, #tpu.memory_space<vmem>>
    %dma_start3A_28 = arith.constant 0 : i32
    %dma_start3A_29 = tpu.memref_slice %arg7[%dma_start3A_22, %dma_start3A_28] : memref<150x128xi32, #tpu.memory_space<vmem>> -> memref<1x128xi32, #tpu.memory_space<vmem>>
    %dma_start3A_30 = tpu.memref_squeeze %dma_start3A_29 : memref<1x128xi32, #tpu.memory_space<vmem>> -> memref<128xi32, #tpu.memory_space<vmem>>
    %dma_start3A_31 = arith.constant 0 : i32
    %dma_start3A_32 = arith.constant 0 : i32
    %dma_start3A_33 = tpu.memref_slice %arg2[%dma_start3A_31, %dma_start3A_32] : memref<10000x64xf32, #tpu.memory_space<hbm>> -> memref<10000x64xf32, #tpu.memory_space<hbm>>
    tpu.enqueue_indirect_dma source(%dma_start3A_33 : memref<10000x64xf32, #tpu.memory_space<hbm>>) target(%dma_start3A_27 : memref<128x64xf32, #tpu.memory_space<vmem>>) offsets(%dma_start3A_30 : memref<128xi32, #tpu.memory_space<vmem>>) semaphore(%arg11 : memref<!tpu.dma_semaphore, #tpu.memory_space<semaphore_mem>>)
    %dma_start3A_34 = arith.constant 2 : i32
    %dma_start3A_35 = arith.constant 2 : i32
    %dma_start3A_36 = arith.constant 0 : i32
    %dma_start3A_37 = arith.constant 0 : i32
    %dma_start3A_38 = tpu.memref_slice %arg9[%dma_start3A_35, %dma_start3A_36, %dma_start3A_37] : memref<6x128x64xf32, #tpu.memory_space<vmem>> -> memref<1x128x64xf32, #tpu.memory_space<vmem>>
    %dma_start3A_39 = tpu.memref_squeeze %dma_start3A_38 : memref<1x128x64xf32, #tpu.memory_space<vmem>> -> memref<128x64xf32, #tpu.memory_space<vmem>>
    %dma_start3A_40 = arith.constant 0 : i32
    %dma_start3A_41 = tpu.memref_slice %arg7[%dma_start3A_34, %dma_start3A_40] : memref<150x128xi32, #tpu.memory_space<vmem>> -> memref<1x128xi32, #tpu.memory_space<vmem>>
    %dma_start3A_42 = tpu.memref_squeeze %dma_start3A_41 : memref<1x128xi32, #tpu.memory_space<vmem>> -> memref<128xi32, #tpu.memory_space<vmem>>
    %dma_start3A_43 = arith.constant 0 : i32
    %dma_start3A_44 = arith.constant 0 : i32
    %dma_start3A_45 = tpu.memref_slice %arg2[%dma_start3A_43, %dma_start3A_44] : memref<10000x64xf32, #tpu.memory_space<hbm>> -> memref<10000x64xf32, #tpu.memory_space<hbm>>
    tpu.enqueue_indirect_dma source(%dma_start3A_45 : memref<10000x64xf32, #tpu.memory_space<hbm>>) target(%dma_start3A_39 : memref<128x64xf32, #tpu.memory_space<vmem>>) offsets(%dma_start3A_42 : memref<128xi32, #tpu.memory_space<vmem>>) semaphore(%arg11 : memref<!tpu.dma_semaphore, #tpu.memory_space<semaphore_mem>>)
    %dma_start3A_46 = arith.constant 3 : i32
    %dma_start3A_47 = arith.constant 3 : i32
    %dma_start3A_48 = arith.constant 0 : i32
    %dma_start3A_49 = arith.constant 0 : i32
    %dma_start3A_50 = tpu.memref_slice %arg9[%dma_start3A_47, %dma_start3A_48, %dma_start3A_49] : memref<6x128x64xf32, #tpu.memory_space<vmem>> -> memref<1x128x64xf32, #tpu.memory_space<vmem>>
    %dma_start3A_51 = tpu.memref_squeeze %dma_start3A_50 : memref<1x128x64xf32, #tpu.memory_space<vmem>> -> memref<128x64xf32, #tpu.memory_space<vmem>>
    %dma_start3A_52 = arith.constant 0 : i32
    %dma_start3A_53 = tpu.memref_slice %arg7[%dma_start3A_46, %dma_start3A_52] : memref<150x128xi32, #tpu.memory_space<vmem>> -> memref<1x128xi32, #tpu.memory_space<vmem>>
    %dma_start3A_54 = tpu.memref_squeeze %dma_start3A_53 : memref<1x128xi32, #tpu.memory_space<vmem>> -> memref<128xi32, #tpu.memory_space<vmem>>
    %dma_start3A_55 = arith.constant 0 : i32
    %dma_start3A_56 = arith.constant 0 : i32
    %dma_start3A_57 = tpu.memref_slice %arg2[%dma_start3A_55, %dma_start3A_56] : memref<10000x64xf32, #tpu.memory_space<hbm>> -> memref<10000x64xf32, #tpu.memory_space<hbm>>
    tpu.enqueue_indirect_dma source(%dma_start3A_57 : memref<10000x64xf32, #tpu.memory_space<hbm>>) target(%dma_start3A_51 : memref<128x64xf32, #tpu.memory_space<vmem>>) offsets(%dma_start3A_54 : memref<128xi32, #tpu.memory_space<vmem>>) semaphore(%arg11 : memref<!tpu.dma_semaphore, #tpu.memory_space<semaphore_mem>>)
    %dma_start3A_58 = arith.constant 4 : i32
    %dma_start3A_59 = arith.constant 4 : i32
    %dma_start3A_60 = arith.constant 0 : i32
    %dma_start3A_61 = arith.constant 0 : i32
    %dma_start3A_62 = tpu.memref_slice %arg9[%dma_start3A_59, %dma_start3A_60, %dma_start3A_61] : memref<6x128x64xf32, #tpu.memory_space<vmem>> -> memref<1x128x64xf32, #tpu.memory_space<vmem>>
    %dma_start3A_63 = tpu.memref_squeeze %dma_start3A_62 : memref<1x128x64xf32, #tpu.memory_space<vmem>> -> memref<128x64xf32, #tpu.memory_space<vmem>>
    %dma_start3A_64 = arith.constant 0 : i32
    %dma_start3A_65 = tpu.memref_slice %arg7[%dma_start3A_58, %dma_start3A_64] : memref<150x128xi32, #tpu.memory_space<vmem>> -> memref<1x128xi32, #tpu.memory_space<vmem>>
    %dma_start3A_66 = tpu.memref_squeeze %dma_start3A_65 : memref<1x128xi32, #tpu.memory_space<vmem>> -> memref<128xi32, #tpu.memory_space<vmem>>
    %dma_start3A_67 = arith.constant 0 : i32
    %dma_start3A_68 = arith.constant 0 : i32
    %dma_start3A_69 = tpu.memref_slice %arg2[%dma_start3A_67, %dma_start3A_68] : memref<10000x64xf32, #tpu.memory_space<hbm>> -> memref<10000x64xf32, #tpu.memory_space<hbm>>
    tpu.enqueue_indirect_dma source(%dma_start3A_69 : memref<10000x64xf32, #tpu.memory_space<hbm>>) target(%dma_start3A_63 : memref<128x64xf32, #tpu.memory_space<vmem>>) offsets(%dma_start3A_66 : memref<128xi32, #tpu.memory_space<vmem>>) semaphore(%arg11 : memref<!tpu.dma_semaphore, #tpu.memory_space<semaphore_mem>>)
    %dma_start3A_70 = arith.constant 5 : i32
    %dma_start3A_71 = arith.constant 5 : i32
    %dma_start3A_72 = arith.constant 0 : i32
    %dma_start3A_73 = arith.constant 0 : i32
    %dma_start3A_74 = tpu.memref_slice %arg9[%dma_start3A_71, %dma_start3A_72, %dma_start3A_73] : memref<6x128x64xf32, #tpu.memory_space<vmem>> -> memref<1x128x64xf32, #tpu.memory_space<vmem>>
    %dma_start3A_75 = tpu.memref_squeeze %dma_start3A_74 : memref<1x128x64xf32, #tpu.memory_space<vmem>> -> memref<128x64xf32, #tpu.memory_space<vmem>>
    %dma_start3A_76 = arith.constant 0 : i32
    %dma_start3A_77 = tpu.memref_slice %arg7[%dma_start3A_70, %dma_start3A_76] : memref<150x128xi32, #tpu.memory_space<vmem>> -> memref<1x128xi32, #tpu.memory_space<vmem>>
    %dma_start3A_78 = tpu.memref_squeeze %dma_start3A_77 : memref<1x128xi32, #tpu.memory_space<vmem>> -> memref<128xi32, #tpu.memory_space<vmem>>
    %dma_start3A_79 = arith.constant 0 : i32
    %dma_start3A_80 = arith.constant 0 : i32
    %dma_start3A_81 = tpu.memref_slice %arg2[%dma_start3A_79, %dma_start3A_80] : memref<10000x64xf32, #tpu.memory_space<hbm>> -> memref<10000x64xf32, #tpu.memory_space<hbm>>
    tpu.enqueue_indirect_dma source(%dma_start3A_81 : memref<10000x64xf32, #tpu.memory_space<hbm>>) target(%dma_start3A_75 : memref<128x64xf32, #tpu.memory_space<vmem>>) offsets(%dma_start3A_78 : memref<128xi32, #tpu.memory_space<vmem>>) semaphore(%arg11 : memref<!tpu.dma_semaphore, #tpu.memory_space<semaphore_mem>>)
    %while3A = arith.constant 0 : i32
    %while3A_82 = arith.constant 0 : i32
    %while3A_83 = arith.subi %select_n3A, %while3A_82 : i32
    %while3A_84 = arith.addi %while3A_82, %while3A_83 : i32
    %while3A_85 = arith.constant 1 : i32
    %while3A_86 = arith.divsi %while3A_83, %while3A_85 : i32
    %while3A_87 = arith.muli %while3A_86, %while3A_85 : i32
    %while3A_88 = arith.addi %while3A_82, %while3A_87 : i32
    %while3A_89 = arith.constant 1 : i32
    scf.for %while3A_167 = %while3A_82 to %while3A_88 step %while3A_89  : i32 {
      %rem3A = arith.constant 6 : i32
      %rem3A_168 = arith.remsi %while3A_167, %rem3A : i32
      %dma_wait3A_169 = arith.constant 0 : i32
      %dma_wait3A_170 = arith.constant 0 : i32
      %dma_wait3A_171 = tpu.memref_slice %arg9[%rem3A_168, %dma_wait3A_169, %dma_wait3A_170] : memref<6x128x64xf32, #tpu.memory_space<vmem>> -> memref<1x128x64xf32, #tpu.memory_space<vmem>>
      %dma_wait3A_172 = tpu.memref_squeeze %dma_wait3A_171 : memref<1x128x64xf32, #tpu.memory_space<vmem>> -> memref<128x64xf32, #tpu.memory_space<vmem>>
      %dma_wait3A_173 = arith.constant 0 : i32
      %dma_wait3A_174 = tpu.memref_slice %arg7[%while3A_167, %dma_wait3A_173] : memref<150x128xi32, #tpu.memory_space<vmem>> -> memref<1x128xi32, #tpu.memory_space<vmem>>
      %dma_wait3A_175 = tpu.memref_squeeze %dma_wait3A_174 : memref<1x128xi32, #tpu.memory_space<vmem>> -> memref<128xi32, #tpu.memory_space<vmem>>
      %dma_wait3A_176 = arith.constant 0 : i32
      %dma_wait3A_177 = arith.constant 0 : i32
      %dma_wait3A_178 = tpu.memref_slice %arg2[%dma_wait3A_176, %dma_wait3A_177] : memref<10000x64xf32, #tpu.memory_space<hbm>> -> memref<10000x64xf32, #tpu.memory_space<hbm>>
      tpu.wait_indirect_dma semaphore(%arg11 : memref<!tpu.dma_semaphore, #tpu.memory_space<semaphore_mem>>) src(%dma_wait3A_178 : memref<10000x64xf32, #tpu.memory_space<hbm>>) dst(%dma_wait3A_172 : memref<128x64xf32, #tpu.memory_space<vmem>>)
      %dma_start3A_179 = arith.constant 0 : i32
      %dma_start3A_180 = arith.constant 0 : i32
      %dma_start3A_181 = tpu.memref_slice %arg9[%rem3A_168, %dma_start3A_179, %dma_start3A_180] : memref<6x128x64xf32, #tpu.memory_space<vmem>> -> memref<1x128x64xf32, #tpu.memory_space<vmem>>
      %dma_start3A_182 = tpu.memref_squeeze %dma_start3A_181 : memref<1x128x64xf32, #tpu.memory_space<vmem>> -> memref<128x64xf32, #tpu.memory_space<vmem>>
      %dma_start3A_183 = arith.constant 0 : i32
      %dma_start3A_184 = tpu.memref_slice %arg8[%while3A_167, %dma_start3A_183] : memref<150x128xi32, #tpu.memory_space<vmem>> -> memref<1x128xi32, #tpu.memory_space<vmem>>
      %dma_start3A_185 = tpu.memref_squeeze %dma_start3A_184 : memref<1x128xi32, #tpu.memory_space<vmem>> -> memref<128xi32, #tpu.memory_space<vmem>>
      %dma_start3A_186 = arith.constant 0 : i32
      %dma_start3A_187 = arith.constant 0 : i32
      %dma_start3A_188 = tpu.memref_slice %arg10[%dma_start3A_186, %dma_start3A_187] : memref<10112x64xf32, #tpu.memory_space<vmem_shared>> -> memref<10112x64xf32, #tpu.memory_space<vmem_shared>>
      tpu.enqueue_indirect_dma source(%dma_start3A_182 : memref<128x64xf32, #tpu.memory_space<vmem>>) target(%dma_start3A_188 : memref<10112x64xf32, #tpu.memory_space<vmem_shared>>) offsets(%dma_start3A_185 : memref<128xi32, #tpu.memory_space<vmem>>) semaphore(%arg12 : memref<!tpu.dma_semaphore, #tpu.memory_space<semaphore_mem>>) {add = true}
      %ge3A = arith.constant 1 : i32
      %ge3A_189 = arith.cmpi sge, %while3A_167, %ge3A : i32
      %sub3A = arith.constant 1 : i32
      %sub3A_190 = arith.subi %while3A_167, %sub3A : i32
      %add3A_191 = arith.constant 6 : i32
      %add3A_192 = arith.addi %sub3A_190, %add3A_191 : i32
      %lt3A = arith.cmpi slt, %add3A_192, %select_n3A : i32
      %and3A = arith.andi %ge3A_189, %lt3A : i1
      %convert_element_type3A = arith.extui %and3A : i1 to i32
      %cond3A = arith.constant 0 : i32
      %cond3A_193 = arith.cmpi ne, %convert_element_type3A, %cond3A : i32
      scf.if %cond3A_193 {
        %sub3A_194 = arith.constant 1 : i32
        %sub3A_195 = arith.subi %while3A_167, %sub3A_194 : i32
        %rem3A_196 = arith.constant 6 : i32
        %rem3A_197 = arith.remsi %sub3A_195, %rem3A_196 : i32
        %sub3A_198 = arith.constant 1 : i32
        %sub3A_199 = arith.subi %while3A_167, %sub3A_198 : i32
        %dma_wait3A_200 = arith.constant 0 : i32
        %dma_wait3A_201 = arith.constant 0 : i32
        %dma_wait3A_202 = tpu.memref_slice %arg9[%rem3A_197, %dma_wait3A_200, %dma_wait3A_201] : memref<6x128x64xf32, #tpu.memory_space<vmem>> -> memref<1x128x64xf32, #tpu.memory_space<vmem>>
        %dma_wait3A_203 = tpu.memref_squeeze %dma_wait3A_202 : memref<1x128x64xf32, #tpu.memory_space<vmem>> -> memref<128x64xf32, #tpu.memory_space<vmem>>
        %dma_wait3A_204 = arith.constant 0 : i32
        %dma_wait3A_205 = tpu.memref_slice %arg8[%sub3A_199, %dma_wait3A_204] : memref<150x128xi32, #tpu.memory_space<vmem>> -> memref<1x128xi32, #tpu.memory_space<vmem>>
        %dma_wait3A_206 = tpu.memref_squeeze %dma_wait3A_205 : memref<1x128xi32, #tpu.memory_space<vmem>> -> memref<128xi32, #tpu.memory_space<vmem>>
        %dma_wait3A_207 = arith.constant 0 : i32
        %dma_wait3A_208 = arith.constant 0 : i32
        %dma_wait3A_209 = tpu.memref_slice %arg10[%dma_wait3A_207, %dma_wait3A_208] : memref<10112x64xf32, #tpu.memory_space<vmem_shared>> -> memref<10112x64xf32, #tpu.memory_space<vmem_shared>>
        tpu.wait_indirect_dma semaphore(%arg12 : memref<!tpu.dma_semaphore, #tpu.memory_space<semaphore_mem>>) src(%dma_wait3A_203 : memref<128x64xf32, #tpu.memory_space<vmem>>) dst(%dma_wait3A_209 : memref<10112x64xf32, #tpu.memory_space<vmem_shared>>)
        %sub3A_210 = arith.constant 1 : i32
        %sub3A_211 = arith.subi %while3A_167, %sub3A_210 : i32
        %add3A_212 = arith.constant 6 : i32
        %add3A_213 = arith.addi %sub3A_211, %add3A_212 : i32
        %dma_start3A_214 = arith.constant 0 : i32
        %dma_start3A_215 = arith.constant 0 : i32
        %dma_start3A_216 = tpu.memref_slice %arg9[%rem3A_197, %dma_start3A_214, %dma_start3A_215] : memref<6x128x64xf32, #tpu.memory_space<vmem>> -> memref<1x128x64xf32, #tpu.memory_space<vmem>>
        %dma_start3A_217 = tpu.memref_squeeze %dma_start3A_216 : memref<1x128x64xf32, #tpu.memory_space<vmem>> -> memref<128x64xf32, #tpu.memory_space<vmem>>
        %dma_start3A_218 = arith.constant 0 : i32
        %dma_start3A_219 = tpu.memref_slice %arg7[%add3A_213, %dma_start3A_218] : memref<150x128xi32, #tpu.memory_space<vmem>> -> memref<1x128xi32, #tpu.memory_space<vmem>>
        %dma_start3A_220 = tpu.memref_squeeze %dma_start3A_219 : memref<1x128xi32, #tpu.memory_space<vmem>> -> memref<128xi32, #tpu.memory_space<vmem>>
        %dma_start3A_221 = arith.constant 0 : i32
        %dma_start3A_222 = arith.constant 0 : i32
        %dma_start3A_223 = tpu.memref_slice %arg2[%dma_start3A_221, %dma_start3A_222] : memref<10000x64xf32, #tpu.memory_space<hbm>> -> memref<10000x64xf32, #tpu.memory_space<hbm>>
        tpu.enqueue_indirect_dma source(%dma_start3A_223 : memref<10000x64xf32, #tpu.memory_space<hbm>>) target(%dma_start3A_217 : memref<128x64xf32, #tpu.memory_space<vmem>>) offsets(%dma_start3A_220 : memref<128xi32, #tpu.memory_space<vmem>>) semaphore(%arg11 : memref<!tpu.dma_semaphore, #tpu.memory_space<semaphore_mem>>)
      } else {
      }
    }
    %while3A_90 = arith.constant 1 : i32
    scf.for %while3A_167 = %while3A_88 to %while3A_84 step %while3A_90  : i32 {
      %rem3A = arith.constant 6 : i32
      %rem3A_168 = arith.remsi %while3A_167, %rem3A : i32
      %dma_wait3A_169 = arith.constant 0 : i32
      %dma_wait3A_170 = arith.constant 0 : i32
      %dma_wait3A_171 = tpu.memref_slice %arg9[%rem3A_168, %dma_wait3A_169, %dma_wait3A_170] : memref<6x128x64xf32, #tpu.memory_space<vmem>> -> memref<1x128x64xf32, #tpu.memory_space<vmem>>
      %dma_wait3A_172 = tpu.memref_squeeze %dma_wait3A_171 : memref<1x128x64xf32, #tpu.memory_space<vmem>> -> memref<128x64xf32, #tpu.memory_space<vmem>>
      %dma_wait3A_173 = arith.constant 0 : i32
      %dma_wait3A_174 = tpu.memref_slice %arg7[%while3A_167, %dma_wait3A_173] : memref<150x128xi32, #tpu.memory_space<vmem>> -> memref<1x128xi32, #tpu.memory_space<vmem>>
      %dma_wait3A_175 = tpu.memref_squeeze %dma_wait3A_174 : memref<1x128xi32, #tpu.memory_space<vmem>> -> memref<128xi32, #tpu.memory_space<vmem>>
      %dma_wait3A_176 = arith.constant 0 : i32
      %dma_wait3A_177 = arith.constant 0 : i32
      %dma_wait3A_178 = tpu.memref_slice %arg2[%dma_wait3A_176, %dma_wait3A_177] : memref<10000x64xf32, #tpu.memory_space<hbm>> -> memref<10000x64xf32, #tpu.memory_space<hbm>>
      tpu.wait_indirect_dma semaphore(%arg11 : memref<!tpu.dma_semaphore, #tpu.memory_space<semaphore_mem>>) src(%dma_wait3A_178 : memref<10000x64xf32, #tpu.memory_space<hbm>>) dst(%dma_wait3A_172 : memref<128x64xf32, #tpu.memory_space<vmem>>)
      %dma_start3A_179 = arith.constant 0 : i32
      %dma_start3A_180 = arith.constant 0 : i32
      %dma_start3A_181 = tpu.memref_slice %arg9[%rem3A_168, %dma_start3A_179, %dma_start3A_180] : memref<6x128x64xf32, #tpu.memory_space<vmem>> -> memref<1x128x64xf32, #tpu.memory_space<vmem>>
      %dma_start3A_182 = tpu.memref_squeeze %dma_start3A_181 : memref<1x128x64xf32, #tpu.memory_space<vmem>> -> memref<128x64xf32, #tpu.memory_space<vmem>>
      %dma_start3A_183 = arith.constant 0 : i32
      %dma_start3A_184 = tpu.memref_slice %arg8[%while3A_167, %dma_start3A_183] : memref<150x128xi32, #tpu.memory_space<vmem>> -> memref<1x128xi32, #tpu.memory_space<vmem>>
      %dma_start3A_185 = tpu.memref_squeeze %dma_start3A_184 : memref<1x128xi32, #tpu.memory_space<vmem>> -> memref<128xi32, #tpu.memory_space<vmem>>
      %dma_start3A_186 = arith.constant 0 : i32
      %dma_start3A_187 = arith.constant 0 : i32
      %dma_start3A_188 = tpu.memref_slice %arg10[%dma_start3A_186, %dma_start3A_187] : memref<10112x64xf32, #tpu.memory_space<vmem_shared>> -> memref<10112x64xf32, #tpu.memory_space<vmem_shared>>
      tpu.enqueue_indirect_dma source(%dma_start3A_182 : memref<128x64xf32, #tpu.memory_space<vmem>>) target(%dma_start3A_188 : memref<10112x64xf32, #tpu.memory_space<vmem_shared>>) offsets(%dma_start3A_185 : memref<128xi32, #tpu.memory_space<vmem>>) semaphore(%arg12 : memref<!tpu.dma_semaphore, #tpu.memory_space<semaphore_mem>>) {add = true}
      %ge3A = arith.constant 1 : i32
      %ge3A_189 = arith.cmpi sge, %while3A_167, %ge3A : i32
      %sub3A = arith.constant 1 : i32
      %sub3A_190 = arith.subi %while3A_167, %sub3A : i32
      %add3A_191 = arith.constant 6 : i32
      %add3A_192 = arith.addi %sub3A_190, %add3A_191 : i32
      %lt3A = arith.cmpi slt, %add3A_192, %select_n3A : i32
      %and3A = arith.andi %ge3A_189, %lt3A : i1
      %convert_element_type3A = arith.extui %and3A : i1 to i32
      %cond3A = arith.constant 0 : i32
      %cond3A_193 = arith.cmpi ne, %convert_element_type3A, %cond3A : i32
      scf.if %cond3A_193 {
        %sub3A_194 = arith.constant 1 : i32
        %sub3A_195 = arith.subi %while3A_167, %sub3A_194 : i32
        %rem3A_196 = arith.constant 6 : i32
        %rem3A_197 = arith.remsi %sub3A_195, %rem3A_196 : i32
        %sub3A_198 = arith.constant 1 : i32
        %sub3A_199 = arith.subi %while3A_167, %sub3A_198 : i32
        %dma_wait3A_200 = arith.constant 0 : i32
        %dma_wait3A_201 = arith.constant 0 : i32
        %dma_wait3A_202 = tpu.memref_slice %arg9[%rem3A_197, %dma_wait3A_200, %dma_wait3A_201] : memref<6x128x64xf32, #tpu.memory_space<vmem>> -> memref<1x128x64xf32, #tpu.memory_space<vmem>>
        %dma_wait3A_203 = tpu.memref_squeeze %dma_wait3A_202 : memref<1x128x64xf32, #tpu.memory_space<vmem>> -> memref<128x64xf32, #tpu.memory_space<vmem>>
        %dma_wait3A_204 = arith.constant 0 : i32
        %dma_wait3A_205 = tpu.memref_slice %arg8[%sub3A_199, %dma_wait3A_204] : memref<150x128xi32, #tpu.memory_space<vmem>> -> memref<1x128xi32, #tpu.memory_space<vmem>>
        %dma_wait3A_206 = tpu.memref_squeeze %dma_wait3A_205 : memref<1x128xi32, #tpu.memory_space<vmem>> -> memref<128xi32, #tpu.memory_space<vmem>>
        %dma_wait3A_207 = arith.constant 0 : i32
        %dma_wait3A_208 = arith.constant 0 : i32
        %dma_wait3A_209 = tpu.memref_slice %arg10[%dma_wait3A_207, %dma_wait3A_208] : memref<10112x64xf32, #tpu.memory_space<vmem_shared>> -> memref<10112x64xf32, #tpu.memory_space<vmem_shared>>
        tpu.wait_indirect_dma semaphore(%arg12 : memref<!tpu.dma_semaphore, #tpu.memory_space<semaphore_mem>>) src(%dma_wait3A_203 : memref<128x64xf32, #tpu.memory_space<vmem>>) dst(%dma_wait3A_209 : memref<10112x64xf32, #tpu.memory_space<vmem_shared>>)
        %sub3A_210 = arith.constant 1 : i32
        %sub3A_211 = arith.subi %while3A_167, %sub3A_210 : i32
        %add3A_212 = arith.constant 6 : i32
        %add3A_213 = arith.addi %sub3A_211, %add3A_212 : i32
        %dma_start3A_214 = arith.constant 0 : i32
        %dma_start3A_215 = arith.constant 0 : i32
        %dma_start3A_216 = tpu.memref_slice %arg9[%rem3A_197, %dma_start3A_214, %dma_start3A_215] : memref<6x128x64xf32, #tpu.memory_space<vmem>> -> memref<1x128x64xf32, #tpu.memory_space<vmem>>
        %dma_start3A_217 = tpu.memref_squeeze %dma_start3A_216 : memref<1x128x64xf32, #tpu.memory_space<vmem>> -> memref<128x64xf32, #tpu.memory_space<vmem>>
        %dma_start3A_218 = arith.constant 0 : i32
        %dma_start3A_219 = tpu.memref_slice %arg7[%add3A_213, %dma_start3A_218] : memref<150x128xi32, #tpu.memory_space<vmem>> -> memref<1x128xi32, #tpu.memory_space<vmem>>
        %dma_start3A_220 = tpu.memref_squeeze %dma_start3A_219 : memref<1x128xi32, #tpu.memory_space<vmem>> -> memref<128xi32, #tpu.memory_space<vmem>>
        %dma_start3A_221 = arith.constant 0 : i32
        %dma_start3A_222 = arith.constant 0 : i32
        %dma_start3A_223 = tpu.memref_slice %arg2[%dma_start3A_221, %dma_start3A_222] : memref<10000x64xf32, #tpu.memory_space<hbm>> -> memref<10000x64xf32, #tpu.memory_space<hbm>>
        tpu.enqueue_indirect_dma source(%dma_start3A_223 : memref<10000x64xf32, #tpu.memory_space<hbm>>) target(%dma_start3A_217 : memref<128x64xf32, #tpu.memory_space<vmem>>) offsets(%dma_start3A_220 : memref<128xi32, #tpu.memory_space<vmem>>) semaphore(%arg11 : memref<!tpu.dma_semaphore, #tpu.memory_space<semaphore_mem>>)
      } else {
      }
    }
    %dma_wait3A = arith.constant 0 : i32
    %dma_wait3A_91 = arith.constant 0 : i32
    %dma_wait3A_92 = arith.constant 0 : i32
    %dma_wait3A_93 = arith.constant 0 : i32
    %dma_wait3A_94 = tpu.memref_slice %arg9[%dma_wait3A, %dma_wait3A_92, %dma_wait3A_93] : memref<6x128x64xf32, #tpu.memory_space<vmem>> -> memref<1x128x64xf32, #tpu.memory_space<vmem>>
    %dma_wait3A_95 = tpu.memref_squeeze %dma_wait3A_94 : memref<1x128x64xf32, #tpu.memory_space<vmem>> -> memref<128x64xf32, #tpu.memory_space<vmem>>
    %dma_wait3A_96 = arith.constant 0 : i32
    %dma_wait3A_97 = tpu.memref_slice %arg8[%dma_wait3A_91, %dma_wait3A_96] : memref<150x128xi32, #tpu.memory_space<vmem>> -> memref<1x128xi32, #tpu.memory_space<vmem>>
    %dma_wait3A_98 = tpu.memref_squeeze %dma_wait3A_97 : memref<1x128xi32, #tpu.memory_space<vmem>> -> memref<128xi32, #tpu.memory_space<vmem>>
    %dma_wait3A_99 = arith.constant 0 : i32
    %dma_wait3A_100 = arith.constant 0 : i32
    %dma_wait3A_101 = tpu.memref_slice %arg10[%dma_wait3A_99, %dma_wait3A_100] : memref<10112x64xf32, #tpu.memory_space<vmem_shared>> -> memref<10112x64xf32, #tpu.memory_space<vmem_shared>>
    tpu.wait_indirect_dma semaphore(%arg12 : memref<!tpu.dma_semaphore, #tpu.memory_space<semaphore_mem>>) src(%dma_wait3A_95 : memref<128x64xf32, #tpu.memory_space<vmem>>) dst(%dma_wait3A_101 : memref<10112x64xf32, #tpu.memory_space<vmem_shared>>)
    %dma_wait3A_102 = arith.constant 1 : i32
    %dma_wait3A_103 = arith.constant 0 : i32
    %dma_wait3A_104 = arith.constant 0 : i32
    %dma_wait3A_105 = arith.constant 0 : i32
    %dma_wait3A_106 = tpu.memref_slice %arg9[%dma_wait3A_102, %dma_wait3A_104, %dma_wait3A_105] : memref<6x128x64xf32, #tpu.memory_space<vmem>> -> memref<1x128x64xf32, #tpu.memory_space<vmem>>
    %dma_wait3A_107 = tpu.memref_squeeze %dma_wait3A_106 : memref<1x128x64xf32, #tpu.memory_space<vmem>> -> memref<128x64xf32, #tpu.memory_space<vmem>>
    %dma_wait3A_108 = arith.constant 0 : i32
    %dma_wait3A_109 = tpu.memref_slice %arg8[%dma_wait3A_103, %dma_wait3A_108] : memref<150x128xi32, #tpu.memory_space<vmem>> -> memref<1x128xi32, #tpu.memory_space<vmem>>
    %dma_wait3A_110 = tpu.memref_squeeze %dma_wait3A_109 : memref<1x128xi32, #tpu.memory_space<vmem>> -> memref<128xi32, #tpu.memory_space<vmem>>
    %dma_wait3A_111 = arith.constant 0 : i32
    %dma_wait3A_112 = arith.constant 0 : i32
    %dma_wait3A_113 = tpu.memref_slice %arg10[%dma_wait3A_111, %dma_wait3A_112] : memref<10112x64xf32, #tpu.memory_space<vmem_shared>> -> memref<10112x64xf32, #tpu.memory_space<vmem_shared>>
    tpu.wait_indirect_dma semaphore(%arg12 : memref<!tpu.dma_semaphore, #tpu.memory_space<semaphore_mem>>) src(%dma_wait3A_107 : memref<128x64xf32, #tpu.memory_space<vmem>>) dst(%dma_wait3A_113 : memref<10112x64xf32, #tpu.memory_space<vmem_shared>>)
    %dma_wait3A_114 = arith.constant 2 : i32
    %dma_wait3A_115 = arith.constant 0 : i32
    %dma_wait3A_116 = arith.constant 0 : i32
    %dma_wait3A_117 = arith.constant 0 : i32
    %dma_wait3A_118 = tpu.memref_slice %arg9[%dma_wait3A_114, %dma_wait3A_116, %dma_wait3A_117] : memref<6x128x64xf32, #tpu.memory_space<vmem>> -> memref<1x128x64xf32, #tpu.memory_space<vmem>>
    %dma_wait3A_119 = tpu.memref_squeeze %dma_wait3A_118 : memref<1x128x64xf32, #tpu.memory_space<vmem>> -> memref<128x64xf32, #tpu.memory_space<vmem>>
    %dma_wait3A_120 = arith.constant 0 : i32
    %dma_wait3A_121 = tpu.memref_slice %arg8[%dma_wait3A_115, %dma_wait3A_120] : memref<150x128xi32, #tpu.memory_space<vmem>> -> memref<1x128xi32, #tpu.memory_space<vmem>>
    %dma_wait3A_122 = tpu.memref_squeeze %dma_wait3A_121 : memref<1x128xi32, #tpu.memory_space<vmem>> -> memref<128xi32, #tpu.memory_space<vmem>>
    %dma_wait3A_123 = arith.constant 0 : i32
    %dma_wait3A_124 = arith.constant 0 : i32
    %dma_wait3A_125 = tpu.memref_slice %arg10[%dma_wait3A_123, %dma_wait3A_124] : memref<10112x64xf32, #tpu.memory_space<vmem_shared>> -> memref<10112x64xf32, #tpu.memory_space<vmem_shared>>
    tpu.wait_indirect_dma semaphore(%arg12 : memref<!tpu.dma_semaphore, #tpu.memory_space<semaphore_mem>>) src(%dma_wait3A_119 : memref<128x64xf32, #tpu.memory_space<vmem>>) dst(%dma_wait3A_125 : memref<10112x64xf32, #tpu.memory_space<vmem_shared>>)
    %dma_wait3A_126 = arith.constant 3 : i32
    %dma_wait3A_127 = arith.constant 0 : i32
    %dma_wait3A_128 = arith.constant 0 : i32
    %dma_wait3A_129 = arith.constant 0 : i32
    %dma_wait3A_130 = tpu.memref_slice %arg9[%dma_wait3A_126, %dma_wait3A_128, %dma_wait3A_129] : memref<6x128x64xf32, #tpu.memory_space<vmem>> -> memref<1x128x64xf32, #tpu.memory_space<vmem>>
    %dma_wait3A_131 = tpu.memref_squeeze %dma_wait3A_130 : memref<1x128x64xf32, #tpu.memory_space<vmem>> -> memref<128x64xf32, #tpu.memory_space<vmem>>
    %dma_wait3A_132 = arith.constant 0 : i32
    %dma_wait3A_133 = tpu.memref_slice %arg8[%dma_wait3A_127, %dma_wait3A_132] : memref<150x128xi32, #tpu.memory_space<vmem>> -> memref<1x128xi32, #tpu.memory_space<vmem>>
    %dma_wait3A_134 = tpu.memref_squeeze %dma_wait3A_133 : memref<1x128xi32, #tpu.memory_space<vmem>> -> memref<128xi32, #tpu.memory_space<vmem>>
    %dma_wait3A_135 = arith.constant 0 : i32
    %dma_wait3A_136 = arith.constant 0 : i32
    %dma_wait3A_137 = tpu.memref_slice %arg10[%dma_wait3A_135, %dma_wait3A_136] : memref<10112x64xf32, #tpu.memory_space<vmem_shared>> -> memref<10112x64xf32, #tpu.memory_space<vmem_shared>>
    tpu.wait_indirect_dma semaphore(%arg12 : memref<!tpu.dma_semaphore, #tpu.memory_space<semaphore_mem>>) src(%dma_wait3A_131 : memref<128x64xf32, #tpu.memory_space<vmem>>) dst(%dma_wait3A_137 : memref<10112x64xf32, #tpu.memory_space<vmem_shared>>)
    %dma_wait3A_138 = arith.constant 4 : i32
    %dma_wait3A_139 = arith.constant 0 : i32
    %dma_wait3A_140 = arith.constant 0 : i32
    %dma_wait3A_141 = arith.constant 0 : i32
    %dma_wait3A_142 = tpu.memref_slice %arg9[%dma_wait3A_138, %dma_wait3A_140, %dma_wait3A_141] : memref<6x128x64xf32, #tpu.memory_space<vmem>> -> memref<1x128x64xf32, #tpu.memory_space<vmem>>
    %dma_wait3A_143 = tpu.memref_squeeze %dma_wait3A_142 : memref<1x128x64xf32, #tpu.memory_space<vmem>> -> memref<128x64xf32, #tpu.memory_space<vmem>>
    %dma_wait3A_144 = arith.constant 0 : i32
    %dma_wait3A_145 = tpu.memref_slice %arg8[%dma_wait3A_139, %dma_wait3A_144] : memref<150x128xi32, #tpu.memory_space<vmem>> -> memref<1x128xi32, #tpu.memory_space<vmem>>
    %dma_wait3A_146 = tpu.memref_squeeze %dma_wait3A_145 : memref<1x128xi32, #tpu.memory_space<vmem>> -> memref<128xi32, #tpu.memory_space<vmem>>
    %dma_wait3A_147 = arith.constant 0 : i32
    %dma_wait3A_148 = arith.constant 0 : i32
    %dma_wait3A_149 = tpu.memref_slice %arg10[%dma_wait3A_147, %dma_wait3A_148] : memref<10112x64xf32, #tpu.memory_space<vmem_shared>> -> memref<10112x64xf32, #tpu.memory_space<vmem_shared>>
    tpu.wait_indirect_dma semaphore(%arg12 : memref<!tpu.dma_semaphore, #tpu.memory_space<semaphore_mem>>) src(%dma_wait3A_143 : memref<128x64xf32, #tpu.memory_space<vmem>>) dst(%dma_wait3A_149 : memref<10112x64xf32, #tpu.memory_space<vmem_shared>>)
    %dma_wait3A_150 = arith.constant 5 : i32
    %dma_wait3A_151 = arith.constant 0 : i32
    %dma_wait3A_152 = arith.constant 0 : i32
    %dma_wait3A_153 = arith.constant 0 : i32
    %dma_wait3A_154 = tpu.memref_slice %arg9[%dma_wait3A_150, %dma_wait3A_152, %dma_wait3A_153] : memref<6x128x64xf32, #tpu.memory_space<vmem>> -> memref<1x128x64xf32, #tpu.memory_space<vmem>>
    %dma_wait3A_155 = tpu.memref_squeeze %dma_wait3A_154 : memref<1x128x64xf32, #tpu.memory_space<vmem>> -> memref<128x64xf32, #tpu.memory_space<vmem>>
    %dma_wait3A_156 = arith.constant 0 : i32
    %dma_wait3A_157 = tpu.memref_slice %arg8[%dma_wait3A_151, %dma_wait3A_156] : memref<150x128xi32, #tpu.memory_space<vmem>> -> memref<1x128xi32, #tpu.memory_space<vmem>>
    %dma_wait3A_158 = tpu.memref_squeeze %dma_wait3A_157 : memref<1x128xi32, #tpu.memory_space<vmem>> -> memref<128xi32, #tpu.memory_space<vmem>>
    %dma_wait3A_159 = arith.constant 0 : i32
    %dma_wait3A_160 = arith.constant 0 : i32
    %dma_wait3A_161 = tpu.memref_slice %arg10[%dma_wait3A_159, %dma_wait3A_160] : memref<10112x64xf32, #tpu.memory_space<vmem_shared>> -> memref<10112x64xf32, #tpu.memory_space<vmem_shared>>
    tpu.wait_indirect_dma semaphore(%arg12 : memref<!tpu.dma_semaphore, #tpu.memory_space<semaphore_mem>>) src(%dma_wait3A_155 : memref<128x64xf32, #tpu.memory_space<vmem>>) dst(%dma_wait3A_161 : memref<10112x64xf32, #tpu.memory_space<vmem_shared>>)
    %barrier3A_162 = arith.constant 0 : index
    tpu.barrier barrier_id(%barrier3A_162)
    %mul3A_163 = arith.constant 632 : i32
    %mul3A_164 = arith.muli %arg1, %mul3A_163 : i32
    %mul3A_165 = arith.constant 632 : i32
    %mul3A_166 = arith.muli %arg1, %mul3A_165 : i32
    "tpu.region"() ({
      %run_scoped3A = tpu.sem_alloc : memref<!tpu.dma_semaphore, #tpu.memory_space<semaphore_mem>>
      %dma_start3A_167 = arith.constant 0 : i32
      %dma_start3A_168 = arith.constant 0 : i32
      %dma_start3A_169 = tpu.memref_slice %arg6[%arg0, %dma_start3A_167, %dma_start3A_168] : memref<2x10112x64xf32, #tpu.memory_space<hbm>> -> memref<1x10112x64xf32, #tpu.memory_space<hbm>>
      %dma_start3A_170 = tpu.memref_squeeze %dma_start3A_169 : memref<1x10112x64xf32, #tpu.memory_space<hbm>> -> memref<10112x64xf32, #tpu.memory_space<hbm>>
      %dma_start3A_171 = arith.constant 0 : i32
      %dma_start3A_172 = tpu.memref_slice %dma_start3A_170[%mul3A_166, %dma_start3A_171] : memref<10112x64xf32, #tpu.memory_space<hbm>> -> memref<632x64xf32, #tpu.memory_space<hbm>>
      %dma_start3A_173 = arith.constant 0 : i32
      %dma_start3A_174 = tpu.memref_slice %arg10[%mul3A_164, %dma_start3A_173] : memref<10112x64xf32, #tpu.memory_space<vmem_shared>> -> memref<632x64xf32, #tpu.memory_space<vmem_shared>>
      tpu.enqueue_dma source(%dma_start3A_174 : memref<632x64xf32, #tpu.memory_space<vmem_shared>>) target(%dma_start3A_172 : memref<632x64xf32, #tpu.memory_space<hbm>>) target_semaphore(%run_scoped3A : memref<!tpu.dma_semaphore, #tpu.memory_space<semaphore_mem>>)
      %dma_wait3A_175 = arith.constant 0 : i32
      %dma_wait3A_176 = arith.constant 0 : i32
      %dma_wait3A_177 = tpu.memref_slice %arg6[%arg0, %dma_wait3A_175, %dma_wait3A_176] : memref<2x10112x64xf32, #tpu.memory_space<hbm>> -> memref<1x10112x64xf32, #tpu.memory_space<hbm>>
      %dma_wait3A_178 = tpu.memref_squeeze %dma_wait3A_177 : memref<1x10112x64xf32, #tpu.memory_space<hbm>> -> memref<10112x64xf32, #tpu.memory_space<hbm>>
      %dma_wait3A_179 = arith.constant 0 : i32
      %dma_wait3A_180 = tpu.memref_slice %dma_wait3A_178[%mul3A_166, %dma_wait3A_179] : memref<10112x64xf32, #tpu.memory_space<hbm>> -> memref<632x64xf32, #tpu.memory_space<hbm>>
      %dma_wait3A_181 = arith.constant 0 : i32
      %dma_wait3A_182 = tpu.memref_slice %arg10[%mul3A_164, %dma_wait3A_181] : memref<10112x64xf32, #tpu.memory_space<vmem_shared>> -> memref<632x64xf32, #tpu.memory_space<vmem_shared>>
      tpu.wait_dma2 semaphore(%run_scoped3A : memref<!tpu.dma_semaphore, #tpu.memory_space<semaphore_mem>>) src(%dma_wait3A_182 : memref<632x64xf32, #tpu.memory_space<vmem_shared>>) dst(%dma_wait3A_180 : memref<632x64xf32, #tpu.memory_space<hbm>>)
      tpu.yield
    }) : () -> ()
    return
  }
}

#map = affine_map<(d0, d1) -> (0, 0)>
#map1 = affine_map<(d0, d1) -> (0, 0, 0)>
module attributes {stable_mosaic.version = 14 : i64} {
  func.func @body(%arg0: i32, %arg1: i32, %arg2: memref<10000x64xf32, #tpu.memory_space<hbm>>, %arg3: memref<2670x128xi32, #tpu.memory_space<hbm>>, %arg4: memref<2670x128xi32, #tpu.memory_space<hbm>>, %arg5: memref<632x64xf32, #tpu.memory_space<hbm>>, %arg6: memref<2x10112x64xf32, #tpu.memory_space<hbm>>, %arg7: memref<150x128xi32, #tpu.memory_space<vmem>>, %arg8: memref<150x128xi32, #tpu.memory_space<vmem>>, %arg9: memref<6x128x64xf32, #tpu.memory_space<vmem>>, %arg10: memref<10112x64xf32, #tpu.memory_space<vmem_shared>>, %arg11: memref<!tpu.dma_semaphore, #tpu.memory_space<semaphore_mem>>, %arg12: memref<!tpu.dma_semaphore, #tpu.memory_space<semaphore_mem>>) attributes {dimension_semantics = [#tpu.dimension_semantics<core_parallel>, #tpu.dimension_semantics<subcore_parallel>], iteration_bounds = array<i64: 2, 16>, scalar_prefetch = 0 : i64, scratch_operands = 6 : i64, tpu.core_type = #tpu.core_type<sc_vector_subcore>, window_params = [{transform_indices = #map}, {transform_indices = #map}, {transform_indices = #map}, {transform_indices = #map}, {transform_indices = #map1}]} {
    %eq3A = arith.constant 0 : i32
    %eq3A_0 = arith.cmpi eq, %arg0, %eq3A : i32
    %jit3A = arith.constant 150 : i32
    %jit3A_1 = arith.constant 8 : i32
    %select_n3A = arith.select %eq3A_0, %jit3A, %jit3A_1 : i32
    %eq3A_2 = arith.constant 0 : i32
    %eq3A_3 = arith.cmpi eq, %arg0, %eq3A_2 : i32
    %mul3A = arith.constant 150 : i32
    %mul3A_4 = arith.muli %arg1, %mul3A : i32
    %mul3A_5 = arith.constant 8 : i32
    %mul3A_6 = arith.muli %arg1, %mul3A_5 : i32
    %add3A = arith.constant 2400 : i32
    %add3A_7 = arith.addi %add3A, %mul3A_6 : i32
    %select_n3A_8 = arith.select %eq3A_3, %mul3A_4, %add3A_7 : i32
    "tpu.region"() ({
      %run_scoped3A = tpu.sem_alloc : memref<!tpu.dma_semaphore, #tpu.memory_space<semaphore_mem>>
      %dma_start3A_167 = arith.constant 0 : i32
      %dma_start3A_168 = tpu.memref_slice %arg3[%select_n3A_8, %dma_start3A_167] : memref<2670x128xi32, #tpu.memory_space<hbm>> -> memref<150x128xi32, #tpu.memory_space<hbm>>
      %dma_start3A_169 = arith.constant 0 : i32
      %dma_start3A_170 = tpu.memref_slice %arg3[%select_n3A_8, %dma_start3A_169] : memref<2670x128xi32, #tpu.memory_space<hbm>> -> memref<150x128xi32, #tpu.memory_space<hbm>>
      tpu.enqueue_dma source(%dma_start3A_170 : memref<150x128xi32, #tpu.memory_space<hbm>>) target(%arg7 : memref<150x128xi32, #tpu.memory_space<vmem>>) target_semaphore(%run_scoped3A : memref<!tpu.dma_semaphore, #tpu.memory_space<semaphore_mem>>)
      %dma_wait3A_171 = arith.constant 0 : i32
      %dma_wait3A_172 = tpu.memref_slice %arg3[%select_n3A_8, %dma_wait3A_171] : memref<2670x128xi32, #tpu.memory_space<hbm>> -> memref<150x128xi32, #tpu.memory_space<hbm>>
      %dma_wait3A_173 = arith.constant 0 : i32
      %dma_wait3A_174 = tpu.memref_slice %arg3[%select_n3A_8, %dma_wait3A_173] : memref<2670x128xi32, #tpu.memory_space<hbm>> -> memref<150x128xi32, #tpu.memory_space<hbm>>
      tpu.wait_dma2 semaphore(%run_scoped3A : memref<!tpu.dma_semaphore, #tpu.memory_space<semaphore_mem>>) src(%dma_wait3A_174 : memref<150x128xi32, #tpu.memory_space<hbm>>) dst(%arg7 : memref<150x128xi32, #tpu.memory_space<vmem>>)
      tpu.yield
    }) : () -> ()
    "tpu.region"() ({
      %run_scoped3A = tpu.sem_alloc : memref<!tpu.dma_semaphore, #tpu.memory_space<semaphore_mem>>
      %dma_start3A_167 = arith.constant 0 : i32
      %dma_start3A_168 = tpu.memref_slice %arg4[%select_n3A_8, %dma_start3A_167] : memref<2670x128xi32, #tpu.memory_space<hbm>> -> memref<150x128xi32, #tpu.memory_space<hbm>>
      %dma_start3A_169 = arith.constant 0 : i32
      %dma_start3A_170 = tpu.memref_slice %arg4[%select_n3A_8, %dma_start3A_169] : memref<2670x128xi32, #tpu.memory_space<hbm>> -> memref<150x128xi32, #tpu.memory_space<hbm>>
      tpu.enqueue_dma source(%dma_start3A_170 : memref<150x128xi32, #tpu.memory_space<hbm>>) target(%arg8 : memref<150x128xi32, #tpu.memory_space<vmem>>) target_semaphore(%run_scoped3A : memref<!tpu.dma_semaphore, #tpu.memory_space<semaphore_mem>>)
      %dma_wait3A_171 = arith.constant 0 : i32
      %dma_wait3A_172 = tpu.memref_slice %arg4[%select_n3A_8, %dma_wait3A_171] : memref<2670x128xi32, #tpu.memory_space<hbm>> -> memref<150x128xi32, #tpu.memory_space<hbm>>
      %dma_wait3A_173 = arith.constant 0 : i32
      %dma_wait3A_174 = tpu.memref_slice %arg4[%select_n3A_8, %dma_wait3A_173] : memref<2670x128xi32, #tpu.memory_space<hbm>> -> memref<150x128xi32, #tpu.memory_space<hbm>>
      tpu.wait_dma2 semaphore(%run_scoped3A : memref<!tpu.dma_semaphore, #tpu.memory_space<semaphore_mem>>) src(%dma_wait3A_174 : memref<150x128xi32, #tpu.memory_space<hbm>>) dst(%arg8 : memref<150x128xi32, #tpu.memory_space<vmem>>)
      tpu.yield
    }) : () -> ()
    %mul3A_9 = arith.constant 632 : i32
    %mul3A_10 = arith.muli %arg1, %mul3A_9 : i32
    "tpu.region"() ({
      %run_scoped3A = tpu.sem_alloc : memref<!tpu.dma_semaphore, #tpu.memory_space<semaphore_mem>>
      %dma_start3A_167 = arith.constant 0 : i32
      %dma_start3A_168 = tpu.memref_slice %arg10[%mul3A_10, %dma_start3A_167] : memref<10112x64xf32, #tpu.memory_space<vmem_shared>> -> memref<632x64xf32, #tpu.memory_space<vmem_shared>>
      tpu.enqueue_dma source(%arg5 : memref<632x64xf32, #tpu.memory_space<hbm>>) target(%dma_start3A_168 : memref<632x64xf32, #tpu.memory_space<vmem_shared>>) target_semaphore(%run_scoped3A : memref<!tpu.dma_semaphore, #tpu.memory_space<semaphore_mem>>)
      %dma_wait3A_169 = arith.constant 0 : i32
      %dma_wait3A_170 = tpu.memref_slice %arg10[%mul3A_10, %dma_wait3A_169] : memref<10112x64xf32, #tpu.memory_space<vmem_shared>> -> memref<632x64xf32, #tpu.memory_space<vmem_shared>>
      tpu.wait_dma2 semaphore(%run_scoped3A : memref<!tpu.dma_semaphore, #tpu.memory_space<semaphore_mem>>) src(%arg5 : memref<632x64xf32, #tpu.memory_space<hbm>>) dst(%dma_wait3A_170 : memref<632x64xf32, #tpu.memory_space<vmem_shared>>)
      tpu.yield
    }) : () -> ()
    %barrier3A = arith.constant 0 : index
    tpu.barrier barrier_id(%barrier3A)
    %dma_start3A = arith.constant 0 : i32
    %dma_start3A_11 = arith.constant 0 : i32
    %dma_start3A_12 = arith.constant 0 : i32
    %dma_start3A_13 = arith.constant 0 : i32
    %dma_start3A_14 = tpu.memref_slice %arg9[%dma_start3A_11, %dma_start3A_12, %dma_start3A_13] : memref<6x128x64xf32, #tpu.memory_space<vmem>> -> memref<1x128x64xf32, #tpu.memory_space<vmem>>
    %dma_start3A_15 = tpu.memref_squeeze %dma_start3A_14 : memref<1x128x64xf32, #tpu.memory_space<vmem>> -> memref<128x64xf32, #tpu.memory_space<vmem>>
    %dma_start3A_16 = arith.constant 0 : i32
    %dma_start3A_17 = tpu.memref_slice %arg7[%dma_start3A, %dma_start3A_16] : memref<150x128xi32, #tpu.memory_space<vmem>> -> memref<1x128xi32, #tpu.memory_space<vmem>>
    %dma_start3A_18 = tpu.memref_squeeze %dma_start3A_17 : memref<1x128xi32, #tpu.memory_space<vmem>> -> memref<128xi32, #tpu.memory_space<vmem>>
    %dma_start3A_19 = arith.constant 0 : i32
    %dma_start3A_20 = arith.constant 0 : i32
    %dma_start3A_21 = tpu.memref_slice %arg2[%dma_start3A_19, %dma_start3A_20] : memref<10000x64xf32, #tpu.memory_space<hbm>> -> memref<10000x64xf32, #tpu.memory_space<hbm>>
    tpu.enqueue_indirect_dma source(%dma_start3A_21 : memref<10000x64xf32, #tpu.memory_space<hbm>>) target(%dma_start3A_15 : memref<128x64xf32, #tpu.memory_space<vmem>>) offsets(%dma_start3A_18 : memref<128xi32, #tpu.memory_space<vmem>>) semaphore(%arg11 : memref<!tpu.dma_semaphore, #tpu.memory_space<semaphore_mem>>)
    %dma_start3A_22 = arith.constant 1 : i32
    %dma_start3A_23 = arith.constant 1 : i32
    %dma_start3A_24 = arith.constant 0 : i32
    %dma_start3A_25 = arith.constant 0 : i32
    %dma_start3A_26 = tpu.memref_slice %arg9[%dma_start3A_23, %dma_start3A_24, %dma_start3A_25] : memref<6x128x64xf32, #tpu.memory_space<vmem>> -> memref<1x128x64xf32, #tpu.memory_space<vmem>>
    %dma_start3A_27 = tpu.memref_squeeze %dma_start3A_26 : memref<1x128x64xf32, #tpu.memory_space<vmem>> -> memref<128x64xf32, #tpu.memory_space<vmem>>
    %dma_start3A_28 = arith.constant 0 : i32
    %dma_start3A_29 = tpu.memref_slice %arg7[%dma_start3A_22, %dma_start3A_28] : memref<150x128xi32, #tpu.memory_space<vmem>> -> memref<1x128xi32, #tpu.memory_space<vmem>>
    %dma_start3A_30 = tpu.memref_squeeze %dma_start3A_29 : memref<1x128xi32, #tpu.memory_space<vmem>> -> memref<128xi32, #tpu.memory_space<vmem>>
    %dma_start3A_31 = arith.constant 0 : i32
    %dma_start3A_32 = arith.constant 0 : i32
    %dma_start3A_33 = tpu.memref_slice %arg2[%dma_start3A_31, %dma_start3A_32] : memref<10000x64xf32, #tpu.memory_space<hbm>> -> memref<10000x64xf32, #tpu.memory_space<hbm>>
    tpu.enqueue_indirect_dma source(%dma_start3A_33 : memref<10000x64xf32, #tpu.memory_space<hbm>>) target(%dma_start3A_27 : memref<128x64xf32, #tpu.memory_space<vmem>>) offsets(%dma_start3A_30 : memref<128xi32, #tpu.memory_space<vmem>>) semaphore(%arg11 : memref<!tpu.dma_semaphore, #tpu.memory_space<semaphore_mem>>)
    %dma_start3A_34 = arith.constant 2 : i32
    %dma_start3A_35 = arith.constant 2 : i32
    %dma_start3A_36 = arith.constant 0 : i32
    %dma_start3A_37 = arith.constant 0 : i32
    %dma_start3A_38 = tpu.memref_slice %arg9[%dma_start3A_35, %dma_start3A_36, %dma_start3A_37] : memref<6x128x64xf32, #tpu.memory_space<vmem>> -> memref<1x128x64xf32, #tpu.memory_space<vmem>>
    %dma_start3A_39 = tpu.memref_squeeze %dma_start3A_38 : memref<1x128x64xf32, #tpu.memory_space<vmem>> -> memref<128x64xf32, #tpu.memory_space<vmem>>
    %dma_start3A_40 = arith.constant 0 : i32
    %dma_start3A_41 = tpu.memref_slice %arg7[%dma_start3A_34, %dma_start3A_40] : memref<150x128xi32, #tpu.memory_space<vmem>> -> memref<1x128xi32, #tpu.memory_space<vmem>>
    %dma_start3A_42 = tpu.memref_squeeze %dma_start3A_41 : memref<1x128xi32, #tpu.memory_space<vmem>> -> memref<128xi32, #tpu.memory_space<vmem>>
    %dma_start3A_43 = arith.constant 0 : i32
    %dma_start3A_44 = arith.constant 0 : i32
    %dma_start3A_45 = tpu.memref_slice %arg2[%dma_start3A_43, %dma_start3A_44] : memref<10000x64xf32, #tpu.memory_space<hbm>> -> memref<10000x64xf32, #tpu.memory_space<hbm>>
    tpu.enqueue_indirect_dma source(%dma_start3A_45 : memref<10000x64xf32, #tpu.memory_space<hbm>>) target(%dma_start3A_39 : memref<128x64xf32, #tpu.memory_space<vmem>>) offsets(%dma_start3A_42 : memref<128xi32, #tpu.memory_space<vmem>>) semaphore(%arg11 : memref<!tpu.dma_semaphore, #tpu.memory_space<semaphore_mem>>)
    %dma_start3A_46 = arith.constant 3 : i32
    %dma_start3A_47 = arith.constant 3 : i32
    %dma_start3A_48 = arith.constant 0 : i32
    %dma_start3A_49 = arith.constant 0 : i32
    %dma_start3A_50 = tpu.memref_slice %arg9[%dma_start3A_47, %dma_start3A_48, %dma_start3A_49] : memref<6x128x64xf32, #tpu.memory_space<vmem>> -> memref<1x128x64xf32, #tpu.memory_space<vmem>>
    %dma_start3A_51 = tpu.memref_squeeze %dma_start3A_50 : memref<1x128x64xf32, #tpu.memory_space<vmem>> -> memref<128x64xf32, #tpu.memory_space<vmem>>
    %dma_start3A_52 = arith.constant 0 : i32
    %dma_start3A_53 = tpu.memref_slice %arg7[%dma_start3A_46, %dma_start3A_52] : memref<150x128xi32, #tpu.memory_space<vmem>> -> memref<1x128xi32, #tpu.memory_space<vmem>>
    %dma_start3A_54 = tpu.memref_squeeze %dma_start3A_53 : memref<1x128xi32, #tpu.memory_space<vmem>> -> memref<128xi32, #tpu.memory_space<vmem>>
    %dma_start3A_55 = arith.constant 0 : i32
    %dma_start3A_56 = arith.constant 0 : i32
    %dma_start3A_57 = tpu.memref_slice %arg2[%dma_start3A_55, %dma_start3A_56] : memref<10000x64xf32, #tpu.memory_space<hbm>> -> memref<10000x64xf32, #tpu.memory_space<hbm>>
    tpu.enqueue_indirect_dma source(%dma_start3A_57 : memref<10000x64xf32, #tpu.memory_space<hbm>>) target(%dma_start3A_51 : memref<128x64xf32, #tpu.memory_space<vmem>>) offsets(%dma_start3A_54 : memref<128xi32, #tpu.memory_space<vmem>>) semaphore(%arg11 : memref<!tpu.dma_semaphore, #tpu.memory_space<semaphore_mem>>)
    %dma_start3A_58 = arith.constant 4 : i32
    %dma_start3A_59 = arith.constant 4 : i32
    %dma_start3A_60 = arith.constant 0 : i32
    %dma_start3A_61 = arith.constant 0 : i32
    %dma_start3A_62 = tpu.memref_slice %arg9[%dma_start3A_59, %dma_start3A_60, %dma_start3A_61] : memref<6x128x64xf32, #tpu.memory_space<vmem>> -> memref<1x128x64xf32, #tpu.memory_space<vmem>>
    %dma_start3A_63 = tpu.memref_squeeze %dma_start3A_62 : memref<1x128x64xf32, #tpu.memory_space<vmem>> -> memref<128x64xf32, #tpu.memory_space<vmem>>
    %dma_start3A_64 = arith.constant 0 : i32
    %dma_start3A_65 = tpu.memref_slice %arg7[%dma_start3A_58, %dma_start3A_64] : memref<150x128xi32, #tpu.memory_space<vmem>> -> memref<1x128xi32, #tpu.memory_space<vmem>>
    %dma_start3A_66 = tpu.memref_squeeze %dma_start3A_65 : memref<1x128xi32, #tpu.memory_space<vmem>> -> memref<128xi32, #tpu.memory_space<vmem>>
    %dma_start3A_67 = arith.constant 0 : i32
    %dma_start3A_68 = arith.constant 0 : i32
    %dma_start3A_69 = tpu.memref_slice %arg2[%dma_start3A_67, %dma_start3A_68] : memref<10000x64xf32, #tpu.memory_space<hbm>> -> memref<10000x64xf32, #tpu.memory_space<hbm>>
    tpu.enqueue_indirect_dma source(%dma_start3A_69 : memref<10000x64xf32, #tpu.memory_space<hbm>>) target(%dma_start3A_63 : memref<128x64xf32, #tpu.memory_space<vmem>>) offsets(%dma_start3A_66 : memref<128xi32, #tpu.memory_space<vmem>>) semaphore(%arg11 : memref<!tpu.dma_semaphore, #tpu.memory_space<semaphore_mem>>)
    %dma_start3A_70 = arith.constant 5 : i32
    %dma_start3A_71 = arith.constant 5 : i32
    %dma_start3A_72 = arith.constant 0 : i32
    %dma_start3A_73 = arith.constant 0 : i32
    %dma_start3A_74 = tpu.memref_slice %arg9[%dma_start3A_71, %dma_start3A_72, %dma_start3A_73] : memref<6x128x64xf32, #tpu.memory_space<vmem>> -> memref<1x128x64xf32, #tpu.memory_space<vmem>>
    %dma_start3A_75 = tpu.memref_squeeze %dma_start3A_74 : memref<1x128x64xf32, #tpu.memory_space<vmem>> -> memref<128x64xf32, #tpu.memory_space<vmem>>
    %dma_start3A_76 = arith.constant 0 : i32
    %dma_start3A_77 = tpu.memref_slice %arg7[%dma_start3A_70, %dma_start3A_76] : memref<150x128xi32, #tpu.memory_space<vmem>> -> memref<1x128xi32, #tpu.memory_space<vmem>>
    %dma_start3A_78 = tpu.memref_squeeze %dma_start3A_77 : memref<1x128xi32, #tpu.memory_space<vmem>> -> memref<128xi32, #tpu.memory_space<vmem>>
    %dma_start3A_79 = arith.constant 0 : i32
    %dma_start3A_80 = arith.constant 0 : i32
    %dma_start3A_81 = tpu.memref_slice %arg2[%dma_start3A_79, %dma_start3A_80] : memref<10000x64xf32, #tpu.memory_space<hbm>> -> memref<10000x64xf32, #tpu.memory_space<hbm>>
    tpu.enqueue_indirect_dma source(%dma_start3A_81 : memref<10000x64xf32, #tpu.memory_space<hbm>>) target(%dma_start3A_75 : memref<128x64xf32, #tpu.memory_space<vmem>>) offsets(%dma_start3A_78 : memref<128xi32, #tpu.memory_space<vmem>>) semaphore(%arg11 : memref<!tpu.dma_semaphore, #tpu.memory_space<semaphore_mem>>)
    %while3A = arith.constant 0 : i32
    %while3A_82 = arith.constant 0 : i32
    %while3A_83 = arith.subi %select_n3A, %while3A_82 : i32
    %while3A_84 = arith.addi %while3A_82, %while3A_83 : i32
    %while3A_85 = arith.constant 1 : i32
    %while3A_86 = arith.divsi %while3A_83, %while3A_85 : i32
    %while3A_87 = arith.muli %while3A_86, %while3A_85 : i32
    %while3A_88 = arith.addi %while3A_82, %while3A_87 : i32
    %while3A_89 = arith.constant 1 : i32
    scf.for %while3A_167 = %while3A_82 to %while3A_88 step %while3A_89  : i32 {
      %rem3A = arith.constant 6 : i32
      %rem3A_168 = arith.remsi %while3A_167, %rem3A : i32
      %dma_wait3A_169 = arith.constant 0 : i32
      %dma_wait3A_170 = arith.constant 0 : i32
      %dma_wait3A_171 = tpu.memref_slice %arg9[%rem3A_168, %dma_wait3A_169, %dma_wait3A_170] : memref<6x128x64xf32, #tpu.memory_space<vmem>> -> memref<1x128x64xf32, #tpu.memory_space<vmem>>
      %dma_wait3A_172 = tpu.memref_squeeze %dma_wait3A_171 : memref<1x128x64xf32, #tpu.memory_space<vmem>> -> memref<128x64xf32, #tpu.memory_space<vmem>>
      %dma_wait3A_173 = arith.constant 0 : i32
      %dma_wait3A_174 = tpu.memref_slice %arg7[%while3A_167, %dma_wait3A_173] : memref<150x128xi32, #tpu.memory_space<vmem>> -> memref<1x128xi32, #tpu.memory_space<vmem>>
      %dma_wait3A_175 = tpu.memref_squeeze %dma_wait3A_174 : memref<1x128xi32, #tpu.memory_space<vmem>> -> memref<128xi32, #tpu.memory_space<vmem>>
      %dma_wait3A_176 = arith.constant 0 : i32
      %dma_wait3A_177 = arith.constant 0 : i32
      %dma_wait3A_178 = tpu.memref_slice %arg2[%dma_wait3A_176, %dma_wait3A_177] : memref<10000x64xf32, #tpu.memory_space<hbm>> -> memref<10000x64xf32, #tpu.memory_space<hbm>>
      tpu.wait_indirect_dma semaphore(%arg11 : memref<!tpu.dma_semaphore, #tpu.memory_space<semaphore_mem>>) src(%dma_wait3A_178 : memref<10000x64xf32, #tpu.memory_space<hbm>>) dst(%dma_wait3A_172 : memref<128x64xf32, #tpu.memory_space<vmem>>)
      %dma_start3A_179 = arith.constant 0 : i32
      %dma_start3A_180 = arith.constant 0 : i32
      %dma_start3A_181 = tpu.memref_slice %arg9[%rem3A_168, %dma_start3A_179, %dma_start3A_180] : memref<6x128x64xf32, #tpu.memory_space<vmem>> -> memref<1x128x64xf32, #tpu.memory_space<vmem>>
      %dma_start3A_182 = tpu.memref_squeeze %dma_start3A_181 : memref<1x128x64xf32, #tpu.memory_space<vmem>> -> memref<128x64xf32, #tpu.memory_space<vmem>>
      %dma_start3A_183 = arith.constant 0 : i32
      %dma_start3A_184 = tpu.memref_slice %arg8[%while3A_167, %dma_start3A_183] : memref<150x128xi32, #tpu.memory_space<vmem>> -> memref<1x128xi32, #tpu.memory_space<vmem>>
      %dma_start3A_185 = tpu.memref_squeeze %dma_start3A_184 : memref<1x128xi32, #tpu.memory_space<vmem>> -> memref<128xi32, #tpu.memory_space<vmem>>
      %dma_start3A_186 = arith.constant 0 : i32
      %dma_start3A_187 = arith.constant 0 : i32
      %dma_start3A_188 = tpu.memref_slice %arg10[%dma_start3A_186, %dma_start3A_187] : memref<10112x64xf32, #tpu.memory_space<vmem_shared>> -> memref<10112x64xf32, #tpu.memory_space<vmem_shared>>
      tpu.enqueue_indirect_dma source(%dma_start3A_182 : memref<128x64xf32, #tpu.memory_space<vmem>>) target(%dma_start3A_188 : memref<10112x64xf32, #tpu.memory_space<vmem_shared>>) offsets(%dma_start3A_185 : memref<128xi32, #tpu.memory_space<vmem>>) semaphore(%arg12 : memref<!tpu.dma_semaphore, #tpu.memory_space<semaphore_mem>>) {add = true}
      %ge3A = arith.constant 1 : i32
      %ge3A_189 = arith.cmpi sge, %while3A_167, %ge3A : i32
      %sub3A = arith.constant 1 : i32
      %sub3A_190 = arith.subi %while3A_167, %sub3A : i32
      %add3A_191 = arith.constant 6 : i32
      %add3A_192 = arith.addi %sub3A_190, %add3A_191 : i32
      %lt3A = arith.cmpi slt, %add3A_192, %select_n3A : i32
      %and3A = arith.andi %ge3A_189, %lt3A : i1
      %convert_element_type3A = arith.extui %and3A : i1 to i32
      %cond3A = arith.constant 0 : i32
      %cond3A_193 = arith.cmpi ne, %convert_element_type3A, %cond3A : i32
      scf.if %cond3A_193 {
        %sub3A_194 = arith.constant 1 : i32
        %sub3A_195 = arith.subi %while3A_167, %sub3A_194 : i32
        %rem3A_196 = arith.constant 6 : i32
        %rem3A_197 = arith.remsi %sub3A_195, %rem3A_196 : i32
        %sub3A_198 = arith.constant 1 : i32
        %sub3A_199 = arith.subi %while3A_167, %sub3A_198 : i32
        %dma_wait3A_200 = arith.constant 0 : i32
        %dma_wait3A_201 = arith.constant 0 : i32
        %dma_wait3A_202 = tpu.memref_slice %arg9[%rem3A_197, %dma_wait3A_200, %dma_wait3A_201] : memref<6x128x64xf32, #tpu.memory_space<vmem>> -> memref<1x128x64xf32, #tpu.memory_space<vmem>>
        %dma_wait3A_203 = tpu.memref_squeeze %dma_wait3A_202 : memref<1x128x64xf32, #tpu.memory_space<vmem>> -> memref<128x64xf32, #tpu.memory_space<vmem>>
        %dma_wait3A_204 = arith.constant 0 : i32
        %dma_wait3A_205 = tpu.memref_slice %arg8[%sub3A_199, %dma_wait3A_204] : memref<150x128xi32, #tpu.memory_space<vmem>> -> memref<1x128xi32, #tpu.memory_space<vmem>>
        %dma_wait3A_206 = tpu.memref_squeeze %dma_wait3A_205 : memref<1x128xi32, #tpu.memory_space<vmem>> -> memref<128xi32, #tpu.memory_space<vmem>>
        %dma_wait3A_207 = arith.constant 0 : i32
        %dma_wait3A_208 = arith.constant 0 : i32
        %dma_wait3A_209 = tpu.memref_slice %arg10[%dma_wait3A_207, %dma_wait3A_208] : memref<10112x64xf32, #tpu.memory_space<vmem_shared>> -> memref<10112x64xf32, #tpu.memory_space<vmem_shared>>
        tpu.wait_indirect_dma semaphore(%arg12 : memref<!tpu.dma_semaphore, #tpu.memory_space<semaphore_mem>>) src(%dma_wait3A_203 : memref<128x64xf32, #tpu.memory_space<vmem>>) dst(%dma_wait3A_209 : memref<10112x64xf32, #tpu.memory_space<vmem_shared>>)
        %sub3A_210 = arith.constant 1 : i32
        %sub3A_211 = arith.subi %while3A_167, %sub3A_210 : i32
        %add3A_212 = arith.constant 6 : i32
        %add3A_213 = arith.addi %sub3A_211, %add3A_212 : i32
        %dma_start3A_214 = arith.constant 0 : i32
        %dma_start3A_215 = arith.constant 0 : i32
        %dma_start3A_216 = tpu.memref_slice %arg9[%rem3A_197, %dma_start3A_214, %dma_start3A_215] : memref<6x128x64xf32, #tpu.memory_space<vmem>> -> memref<1x128x64xf32, #tpu.memory_space<vmem>>
        %dma_start3A_217 = tpu.memref_squeeze %dma_start3A_216 : memref<1x128x64xf32, #tpu.memory_space<vmem>> -> memref<128x64xf32, #tpu.memory_space<vmem>>
        %dma_start3A_218 = arith.constant 0 : i32
        %dma_start3A_219 = tpu.memref_slice %arg7[%add3A_213, %dma_start3A_218] : memref<150x128xi32, #tpu.memory_space<vmem>> -> memref<1x128xi32, #tpu.memory_space<vmem>>
        %dma_start3A_220 = tpu.memref_squeeze %dma_start3A_219 : memref<1x128xi32, #tpu.memory_space<vmem>> -> memref<128xi32, #tpu.memory_space<vmem>>
        %dma_start3A_221 = arith.constant 0 : i32
        %dma_start3A_222 = arith.constant 0 : i32
        %dma_start3A_223 = tpu.memref_slice %arg2[%dma_start3A_221, %dma_start3A_222] : memref<10000x64xf32, #tpu.memory_space<hbm>> -> memref<10000x64xf32, #tpu.memory_space<hbm>>
        tpu.enqueue_indirect_dma source(%dma_start3A_223 : memref<10000x64xf32, #tpu.memory_space<hbm>>) target(%dma_start3A_217 : memref<128x64xf32, #tpu.memory_space<vmem>>) offsets(%dma_start3A_220 : memref<128xi32, #tpu.memory_space<vmem>>) semaphore(%arg11 : memref<!tpu.dma_semaphore, #tpu.memory_space<semaphore_mem>>)
      } else {
      }
    }
    %while3A_90 = arith.constant 1 : i32
    scf.for %while3A_167 = %while3A_88 to %while3A_84 step %while3A_90  : i32 {
      %rem3A = arith.constant 6 : i32
      %rem3A_168 = arith.remsi %while3A_167, %rem3A : i32
      %dma_wait3A_169 = arith.constant 0 : i32
      %dma_wait3A_170 = arith.constant 0 : i32
      %dma_wait3A_171 = tpu.memref_slice %arg9[%rem3A_168, %dma_wait3A_169, %dma_wait3A_170] : memref<6x128x64xf32, #tpu.memory_space<vmem>> -> memref<1x128x64xf32, #tpu.memory_space<vmem>>
      %dma_wait3A_172 = tpu.memref_squeeze %dma_wait3A_171 : memref<1x128x64xf32, #tpu.memory_space<vmem>> -> memref<128x64xf32, #tpu.memory_space<vmem>>
      %dma_wait3A_173 = arith.constant 0 : i32
      %dma_wait3A_174 = tpu.memref_slice %arg7[%while3A_167, %dma_wait3A_173] : memref<150x128xi32, #tpu.memory_space<vmem>> -> memref<1x128xi32, #tpu.memory_space<vmem>>
      %dma_wait3A_175 = tpu.memref_squeeze %dma_wait3A_174 : memref<1x128xi32, #tpu.memory_space<vmem>> -> memref<128xi32, #tpu.memory_space<vmem>>
      %dma_wait3A_176 = arith.constant 0 : i32
      %dma_wait3A_177 = arith.constant 0 : i32
      %dma_wait3A_178 = tpu.memref_slice %arg2[%dma_wait3A_176, %dma_wait3A_177] : memref<10000x64xf32, #tpu.memory_space<hbm>> -> memref<10000x64xf32, #tpu.memory_space<hbm>>
      tpu.wait_indirect_dma semaphore(%arg11 : memref<!tpu.dma_semaphore, #tpu.memory_space<semaphore_mem>>) src(%dma_wait3A_178 : memref<10000x64xf32, #tpu.memory_space<hbm>>) dst(%dma_wait3A_172 : memref<128x64xf32, #tpu.memory_space<vmem>>)
      %dma_start3A_179 = arith.constant 0 : i32
      %dma_start3A_180 = arith.constant 0 : i32
      %dma_start3A_181 = tpu.memref_slice %arg9[%rem3A_168, %dma_start3A_179, %dma_start3A_180] : memref<6x128x64xf32, #tpu.memory_space<vmem>> -> memref<1x128x64xf32, #tpu.memory_space<vmem>>
      %dma_start3A_182 = tpu.memref_squeeze %dma_start3A_181 : memref<1x128x64xf32, #tpu.memory_space<vmem>> -> memref<128x64xf32, #tpu.memory_space<vmem>>
      %dma_start3A_183 = arith.constant 0 : i32
      %dma_start3A_184 = tpu.memref_slice %arg8[%while3A_167, %dma_start3A_183] : memref<150x128xi32, #tpu.memory_space<vmem>> -> memref<1x128xi32, #tpu.memory_space<vmem>>
      %dma_start3A_185 = tpu.memref_squeeze %dma_start3A_184 : memref<1x128xi32, #tpu.memory_space<vmem>> -> memref<128xi32, #tpu.memory_space<vmem>>
      %dma_start3A_186 = arith.constant 0 : i32
      %dma_start3A_187 = arith.constant 0 : i32
      %dma_start3A_188 = tpu.memref_slice %arg10[%dma_start3A_186, %dma_start3A_187] : memref<10112x64xf32, #tpu.memory_space<vmem_shared>> -> memref<10112x64xf32, #tpu.memory_space<vmem_shared>>
      tpu.enqueue_indirect_dma source(%dma_start3A_182 : memref<128x64xf32, #tpu.memory_space<vmem>>) target(%dma_start3A_188 : memref<10112x64xf32, #tpu.memory_space<vmem_shared>>) offsets(%dma_start3A_185 : memref<128xi32, #tpu.memory_space<vmem>>) semaphore(%arg12 : memref<!tpu.dma_semaphore, #tpu.memory_space<semaphore_mem>>) {add = true}
      %ge3A = arith.constant 1 : i32
      %ge3A_189 = arith.cmpi sge, %while3A_167, %ge3A : i32
      %sub3A = arith.constant 1 : i32
      %sub3A_190 = arith.subi %while3A_167, %sub3A : i32
      %add3A_191 = arith.constant 6 : i32
      %add3A_192 = arith.addi %sub3A_190, %add3A_191 : i32
      %lt3A = arith.cmpi slt, %add3A_192, %select_n3A : i32
      %and3A = arith.andi %ge3A_189, %lt3A : i1
      %convert_element_type3A = arith.extui %and3A : i1 to i32
      %cond3A = arith.constant 0 : i32
      %cond3A_193 = arith.cmpi ne, %convert_element_type3A, %cond3A : i32
      scf.if %cond3A_193 {
        %sub3A_194 = arith.constant 1 : i32
        %sub3A_195 = arith.subi %while3A_167, %sub3A_194 : i32
        %rem3A_196 = arith.constant 6 : i32
        %rem3A_197 = arith.remsi %sub3A_195, %rem3A_196 : i32
        %sub3A_198 = arith.constant 1 : i32
        %sub3A_199 = arith.subi %while3A_167, %sub3A_198 : i32
        %dma_wait3A_200 = arith.constant 0 : i32
        %dma_wait3A_201 = arith.constant 0 : i32
        %dma_wait3A_202 = tpu.memref_slice %arg9[%rem3A_197, %dma_wait3A_200, %dma_wait3A_201] : memref<6x128x64xf32, #tpu.memory_space<vmem>> -> memref<1x128x64xf32, #tpu.memory_space<vmem>>
        %dma_wait3A_203 = tpu.memref_squeeze %dma_wait3A_202 : memref<1x128x64xf32, #tpu.memory_space<vmem>> -> memref<128x64xf32, #tpu.memory_space<vmem>>
        %dma_wait3A_204 = arith.constant 0 : i32
        %dma_wait3A_205 = tpu.memref_slice %arg8[%sub3A_199, %dma_wait3A_204] : memref<150x128xi32, #tpu.memory_space<vmem>> -> memref<1x128xi32, #tpu.memory_space<vmem>>
        %dma_wait3A_206 = tpu.memref_squeeze %dma_wait3A_205 : memref<1x128xi32, #tpu.memory_space<vmem>> -> memref<128xi32, #tpu.memory_space<vmem>>
        %dma_wait3A_207 = arith.constant 0 : i32
        %dma_wait3A_208 = arith.constant 0 : i32
        %dma_wait3A_209 = tpu.memref_slice %arg10[%dma_wait3A_207, %dma_wait3A_208] : memref<10112x64xf32, #tpu.memory_space<vmem_shared>> -> memref<10112x64xf32, #tpu.memory_space<vmem_shared>>
        tpu.wait_indirect_dma semaphore(%arg12 : memref<!tpu.dma_semaphore, #tpu.memory_space<semaphore_mem>>) src(%dma_wait3A_203 : memref<128x64xf32, #tpu.memory_space<vmem>>) dst(%dma_wait3A_209 : memref<10112x64xf32, #tpu.memory_space<vmem_shared>>)
        %sub3A_210 = arith.constant 1 : i32
        %sub3A_211 = arith.subi %while3A_167, %sub3A_210 : i32
        %add3A_212 = arith.constant 6 : i32
        %add3A_213 = arith.addi %sub3A_211, %add3A_212 : i32
        %dma_start3A_214 = arith.constant 0 : i32
        %dma_start3A_215 = arith.constant 0 : i32
        %dma_start3A_216 = tpu.memref_slice %arg9[%rem3A_197, %dma_start3A_214, %dma_start3A_215] : memref<6x128x64xf32, #tpu.memory_space<vmem>> -> memref<1x128x64xf32, #tpu.memory_space<vmem>>
        %dma_start3A_217 = tpu.memref_squeeze %dma_start3A_216 : memref<1x128x64xf32, #tpu.memory_space<vmem>> -> memref<128x64xf32, #tpu.memory_space<vmem>>
        %dma_start3A_218 = arith.constant 0 : i32
        %dma_start3A_219 = tpu.memref_slice %arg7[%add3A_213, %dma_start3A_218] : memref<150x128xi32, #tpu.memory_space<vmem>> -> memref<1x128xi32, #tpu.memory_space<vmem>>
        %dma_start3A_220 = tpu.memref_squeeze %dma_start3A_219 : memref<1x128xi32, #tpu.memory_space<vmem>> -> memref<128xi32, #tpu.memory_space<vmem>>
        %dma_start3A_221 = arith.constant 0 : i32
        %dma_start3A_222 = arith.constant 0 : i32
        %dma_start3A_223 = tpu.memref_slice %arg2[%dma_start3A_221, %dma_start3A_222] : memref<10000x64xf32, #tpu.memory_space<hbm>> -> memref<10000x64xf32, #tpu.memory_space<hbm>>
        tpu.enqueue_indirect_dma source(%dma_start3A_223 : memref<10000x64xf32, #tpu.memory_space<hbm>>) target(%dma_start3A_217 : memref<128x64xf32, #tpu.memory_space<vmem>>) offsets(%dma_start3A_220 : memref<128xi32, #tpu.memory_space<vmem>>) semaphore(%arg11 : memref<!tpu.dma_semaphore, #tpu.memory_space<semaphore_mem>>)
      } else {
      }
    }
    %dma_wait3A = arith.constant 0 : i32
    %dma_wait3A_91 = arith.constant 0 : i32
    %dma_wait3A_92 = arith.constant 0 : i32
    %dma_wait3A_93 = arith.constant 0 : i32
    %dma_wait3A_94 = tpu.memref_slice %arg9[%dma_wait3A, %dma_wait3A_92, %dma_wait3A_93] : memref<6x128x64xf32, #tpu.memory_space<vmem>> -> memref<1x128x64xf32, #tpu.memory_space<vmem>>
    %dma_wait3A_95 = tpu.memref_squeeze %dma_wait3A_94 : memref<1x128x64xf32, #tpu.memory_space<vmem>> -> memref<128x64xf32, #tpu.memory_space<vmem>>
    %dma_wait3A_96 = arith.constant 0 : i32
    %dma_wait3A_97 = tpu.memref_slice %arg8[%dma_wait3A_91, %dma_wait3A_96] : memref<150x128xi32, #tpu.memory_space<vmem>> -> memref<1x128xi32, #tpu.memory_space<vmem>>
    %dma_wait3A_98 = tpu.memref_squeeze %dma_wait3A_97 : memref<1x128xi32, #tpu.memory_space<vmem>> -> memref<128xi32, #tpu.memory_space<vmem>>
    %dma_wait3A_99 = arith.constant 0 : i32
    %dma_wait3A_100 = arith.constant 0 : i32
    %dma_wait3A_101 = tpu.memref_slice %arg10[%dma_wait3A_99, %dma_wait3A_100] : memref<10112x64xf32, #tpu.memory_space<vmem_shared>> -> memref<10112x64xf32, #tpu.memory_space<vmem_shared>>
    tpu.wait_indirect_dma semaphore(%arg12 : memref<!tpu.dma_semaphore, #tpu.memory_space<semaphore_mem>>) src(%dma_wait3A_95 : memref<128x64xf32, #tpu.memory_space<vmem>>) dst(%dma_wait3A_101 : memref<10112x64xf32, #tpu.memory_space<vmem_shared>>)
    %dma_wait3A_102 = arith.constant 1 : i32
    %dma_wait3A_103 = arith.constant 0 : i32
    %dma_wait3A_104 = arith.constant 0 : i32
    %dma_wait3A_105 = arith.constant 0 : i32
    %dma_wait3A_106 = tpu.memref_slice %arg9[%dma_wait3A_102, %dma_wait3A_104, %dma_wait3A_105] : memref<6x128x64xf32, #tpu.memory_space<vmem>> -> memref<1x128x64xf32, #tpu.memory_space<vmem>>
    %dma_wait3A_107 = tpu.memref_squeeze %dma_wait3A_106 : memref<1x128x64xf32, #tpu.memory_space<vmem>> -> memref<128x64xf32, #tpu.memory_space<vmem>>
    %dma_wait3A_108 = arith.constant 0 : i32
    %dma_wait3A_109 = tpu.memref_slice %arg8[%dma_wait3A_103, %dma_wait3A_108] : memref<150x128xi32, #tpu.memory_space<vmem>> -> memref<1x128xi32, #tpu.memory_space<vmem>>
    %dma_wait3A_110 = tpu.memref_squeeze %dma_wait3A_109 : memref<1x128xi32, #tpu.memory_space<vmem>> -> memref<128xi32, #tpu.memory_space<vmem>>
    %dma_wait3A_111 = arith.constant 0 : i32
    %dma_wait3A_112 = arith.constant 0 : i32
    %dma_wait3A_113 = tpu.memref_slice %arg10[%dma_wait3A_111, %dma_wait3A_112] : memref<10112x64xf32, #tpu.memory_space<vmem_shared>> -> memref<10112x64xf32, #tpu.memory_space<vmem_shared>>
    tpu.wait_indirect_dma semaphore(%arg12 : memref<!tpu.dma_semaphore, #tpu.memory_space<semaphore_mem>>) src(%dma_wait3A_107 : memref<128x64xf32, #tpu.memory_space<vmem>>) dst(%dma_wait3A_113 : memref<10112x64xf32, #tpu.memory_space<vmem_shared>>)
    %dma_wait3A_114 = arith.constant 2 : i32
    %dma_wait3A_115 = arith.constant 0 : i32
    %dma_wait3A_116 = arith.constant 0 : i32
    %dma_wait3A_117 = arith.constant 0 : i32
    %dma_wait3A_118 = tpu.memref_slice %arg9[%dma_wait3A_114, %dma_wait3A_116, %dma_wait3A_117] : memref<6x128x64xf32, #tpu.memory_space<vmem>> -> memref<1x128x64xf32, #tpu.memory_space<vmem>>
    %dma_wait3A_119 = tpu.memref_squeeze %dma_wait3A_118 : memref<1x128x64xf32, #tpu.memory_space<vmem>> -> memref<128x64xf32, #tpu.memory_space<vmem>>
    %dma_wait3A_120 = arith.constant 0 : i32
    %dma_wait3A_121 = tpu.memref_slice %arg8[%dma_wait3A_115, %dma_wait3A_120] : memref<150x128xi32, #tpu.memory_space<vmem>> -> memref<1x128xi32, #tpu.memory_space<vmem>>
    %dma_wait3A_122 = tpu.memref_squeeze %dma_wait3A_121 : memref<1x128xi32, #tpu.memory_space<vmem>> -> memref<128xi32, #tpu.memory_space<vmem>>
    %dma_wait3A_123 = arith.constant 0 : i32
    %dma_wait3A_124 = arith.constant 0 : i32
    %dma_wait3A_125 = tpu.memref_slice %arg10[%dma_wait3A_123, %dma_wait3A_124] : memref<10112x64xf32, #tpu.memory_space<vmem_shared>> -> memref<10112x64xf32, #tpu.memory_space<vmem_shared>>
    tpu.wait_indirect_dma semaphore(%arg12 : memref<!tpu.dma_semaphore, #tpu.memory_space<semaphore_mem>>) src(%dma_wait3A_119 : memref<128x64xf32, #tpu.memory_space<vmem>>) dst(%dma_wait3A_125 : memref<10112x64xf32, #tpu.memory_space<vmem_shared>>)
    %dma_wait3A_126 = arith.constant 3 : i32
    %dma_wait3A_127 = arith.constant 0 : i32
    %dma_wait3A_128 = arith.constant 0 : i32
    %dma_wait3A_129 = arith.constant 0 : i32
    %dma_wait3A_130 = tpu.memref_slice %arg9[%dma_wait3A_126, %dma_wait3A_128, %dma_wait3A_129] : memref<6x128x64xf32, #tpu.memory_space<vmem>> -> memref<1x128x64xf32, #tpu.memory_space<vmem>>
    %dma_wait3A_131 = tpu.memref_squeeze %dma_wait3A_130 : memref<1x128x64xf32, #tpu.memory_space<vmem>> -> memref<128x64xf32, #tpu.memory_space<vmem>>
    %dma_wait3A_132 = arith.constant 0 : i32
    %dma_wait3A_133 = tpu.memref_slice %arg8[%dma_wait3A_127, %dma_wait3A_132] : memref<150x128xi32, #tpu.memory_space<vmem>> -> memref<1x128xi32, #tpu.memory_space<vmem>>
    %dma_wait3A_134 = tpu.memref_squeeze %dma_wait3A_133 : memref<1x128xi32, #tpu.memory_space<vmem>> -> memref<128xi32, #tpu.memory_space<vmem>>
    %dma_wait3A_135 = arith.constant 0 : i32
    %dma_wait3A_136 = arith.constant 0 : i32
    %dma_wait3A_137 = tpu.memref_slice %arg10[%dma_wait3A_135, %dma_wait3A_136] : memref<10112x64xf32, #tpu.memory_space<vmem_shared>> -> memref<10112x64xf32, #tpu.memory_space<vmem_shared>>
    tpu.wait_indirect_dma semaphore(%arg12 : memref<!tpu.dma_semaphore, #tpu.memory_space<semaphore_mem>>) src(%dma_wait3A_131 : memref<128x64xf32, #tpu.memory_space<vmem>>) dst(%dma_wait3A_137 : memref<10112x64xf32, #tpu.memory_space<vmem_shared>>)
    %dma_wait3A_138 = arith.constant 4 : i32
    %dma_wait3A_139 = arith.constant 0 : i32
    %dma_wait3A_140 = arith.constant 0 : i32
    %dma_wait3A_141 = arith.constant 0 : i32
    %dma_wait3A_142 = tpu.memref_slice %arg9[%dma_wait3A_138, %dma_wait3A_140, %dma_wait3A_141] : memref<6x128x64xf32, #tpu.memory_space<vmem>> -> memref<1x128x64xf32, #tpu.memory_space<vmem>>
    %dma_wait3A_143 = tpu.memref_squeeze %dma_wait3A_142 : memref<1x128x64xf32, #tpu.memory_space<vmem>> -> memref<128x64xf32, #tpu.memory_space<vmem>>
    %dma_wait3A_144 = arith.constant 0 : i32
    %dma_wait3A_145 = tpu.memref_slice %arg8[%dma_wait3A_139, %dma_wait3A_144] : memref<150x128xi32, #tpu.memory_space<vmem>> -> memref<1x128xi32, #tpu.memory_space<vmem>>
    %dma_wait3A_146 = tpu.memref_squeeze %dma_wait3A_145 : memref<1x128xi32, #tpu.memory_space<vmem>> -> memref<128xi32, #tpu.memory_space<vmem>>
    %dma_wait3A_147 = arith.constant 0 : i32
    %dma_wait3A_148 = arith.constant 0 : i32
    %dma_wait3A_149 = tpu.memref_slice %arg10[%dma_wait3A_147, %dma_wait3A_148] : memref<10112x64xf32, #tpu.memory_space<vmem_shared>> -> memref<10112x64xf32, #tpu.memory_space<vmem_shared>>
    tpu.wait_indirect_dma semaphore(%arg12 : memref<!tpu.dma_semaphore, #tpu.memory_space<semaphore_mem>>) src(%dma_wait3A_143 : memref<128x64xf32, #tpu.memory_space<vmem>>) dst(%dma_wait3A_149 : memref<10112x64xf32, #tpu.memory_space<vmem_shared>>)
    %dma_wait3A_150 = arith.constant 5 : i32
    %dma_wait3A_151 = arith.constant 0 : i32
    %dma_wait3A_152 = arith.constant 0 : i32
    %dma_wait3A_153 = arith.constant 0 : i32
    %dma_wait3A_154 = tpu.memref_slice %arg9[%dma_wait3A_150, %dma_wait3A_152, %dma_wait3A_153] : memref<6x128x64xf32, #tpu.memory_space<vmem>> -> memref<1x128x64xf32, #tpu.memory_space<vmem>>
    %dma_wait3A_155 = tpu.memref_squeeze %dma_wait3A_154 : memref<1x128x64xf32, #tpu.memory_space<vmem>> -> memref<128x64xf32, #tpu.memory_space<vmem>>
    %dma_wait3A_156 = arith.constant 0 : i32
    %dma_wait3A_157 = tpu.memref_slice %arg8[%dma_wait3A_151, %dma_wait3A_156] : memref<150x128xi32, #tpu.memory_space<vmem>> -> memref<1x128xi32, #tpu.memory_space<vmem>>
    %dma_wait3A_158 = tpu.memref_squeeze %dma_wait3A_157 : memref<1x128xi32, #tpu.memory_space<vmem>> -> memref<128xi32, #tpu.memory_space<vmem>>
    %dma_wait3A_159 = arith.constant 0 : i32
    %dma_wait3A_160 = arith.constant 0 : i32
    %dma_wait3A_161 = tpu.memref_slice %arg10[%dma_wait3A_159, %dma_wait3A_160] : memref<10112x64xf32, #tpu.memory_space<vmem_shared>> -> memref<10112x64xf32, #tpu.memory_space<vmem_shared>>
    tpu.wait_indirect_dma semaphore(%arg12 : memref<!tpu.dma_semaphore, #tpu.memory_space<semaphore_mem>>) src(%dma_wait3A_155 : memref<128x64xf32, #tpu.memory_space<vmem>>) dst(%dma_wait3A_161 : memref<10112x64xf32, #tpu.memory_space<vmem_shared>>)
    %barrier3A_162 = arith.constant 0 : index
    tpu.barrier barrier_id(%barrier3A_162)
    %mul3A_163 = arith.constant 632 : i32
    %mul3A_164 = arith.muli %arg1, %mul3A_163 : i32
    %mul3A_165 = arith.constant 632 : i32
    %mul3A_166 = arith.muli %arg1, %mul3A_165 : i32
    "tpu.region"() ({
      %run_scoped3A = tpu.sem_alloc : memref<!tpu.dma_semaphore, #tpu.memory_space<semaphore_mem>>
      %dma_start3A_167 = arith.constant 0 : i32
      %dma_start3A_168 = arith.constant 0 : i32
      %dma_start3A_169 = tpu.memref_slice %arg6[%arg0, %dma_start3A_167, %dma_start3A_168] : memref<2x10112x64xf32, #tpu.memory_space<hbm>> -> memref<1x10112x64xf32, #tpu.memory_space<hbm>>
      %dma_start3A_170 = tpu.memref_squeeze %dma_start3A_169 : memref<1x10112x64xf32, #tpu.memory_space<hbm>> -> memref<10112x64xf32, #tpu.memory_space<hbm>>
      %dma_start3A_171 = arith.constant 0 : i32
      %dma_start3A_172 = tpu.memref_slice %dma_start3A_170[%mul3A_166, %dma_start3A_171] : memref<10112x64xf32, #tpu.memory_space<hbm>> -> memref<632x64xf32, #tpu.memory_space<hbm>>
      %dma_start3A_173 = arith.constant 0 : i32
      %dma_start3A_174 = tpu.memref_slice %arg10[%mul3A_164, %dma_start3A_173] : memref<10112x64xf32, #tpu.memory_space<vmem_shared>> -> memref<632x64xf32, #tpu.memory_space<vmem_shared>>
      tpu.enqueue_dma source(%dma_start3A_174 : memref<632x64xf32, #tpu.memory_space<vmem_shared>>) target(%dma_start3A_172 : memref<632x64xf32, #tpu.memory_space<hbm>>) target_semaphore(%run_scoped3A : memref<!tpu.dma_semaphore, #tpu.memory_space<semaphore_mem>>)
      %dma_wait3A_175 = arith.constant 0 : i32
      %dma_wait3A_176 = arith.constant 0 : i32
      %dma_wait3A_177 = tpu.memref_slice %arg6[%arg0, %dma_wait3A_175, %dma_wait3A_176] : memref<2x10112x64xf32, #tpu.memory_space<hbm>> -> memref<1x10112x64xf32, #tpu.memory_space<hbm>>
      %dma_wait3A_178 = tpu.memref_squeeze %dma_wait3A_177 : memref<1x10112x64xf32, #tpu.memory_space<hbm>> -> memref<10112x64xf32, #tpu.memory_space<hbm>>
      %dma_wait3A_179 = arith.constant 0 : i32
      %dma_wait3A_180 = tpu.memref_slice %dma_wait3A_178[%mul3A_166, %dma_wait3A_179] : memref<10112x64xf32, #tpu.memory_space<hbm>> -> memref<632x64xf32, #tpu.memory_space<hbm>>
      %dma_wait3A_181 = arith.constant 0 : i32
      %dma_wait3A_182 = tpu.memref_slice %arg10[%mul3A_164, %dma_wait3A_181] : memref<10112x64xf32, #tpu.memory_space<vmem_shared>> -> memref<632x64xf32, #tpu.memory_space<vmem_shared>>
      tpu.wait_dma2 semaphore(%run_scoped3A : memref<!tpu.dma_semaphore, #tpu.memory_space<semaphore_mem>>) src(%dma_wait3A_182 : memref<632x64xf32, #tpu.memory_space<vmem_shared>>) dst(%dma_wait3A_180 : memref<632x64xf32, #tpu.memory_space<hbm>>)
      tpu.yield
    }) : () -> ()
    return
  }
}

#map = affine_map<(d0, d1) -> (0, 0)>
#map1 = affine_map<(d0, d1) -> (0, 0, 0)>
module attributes {stable_mosaic.version = 14 : i64} {
  func.func @body(%arg0: i32, %arg1: i32, %arg2: memref<10000x64xf32, #tpu.memory_space<hbm>>, %arg3: memref<2670x128xi32, #tpu.memory_space<hbm>>, %arg4: memref<2670x128xi32, #tpu.memory_space<hbm>>, %arg5: memref<632x64xf32, #tpu.memory_space<hbm>>, %arg6: memref<2x10112x64xf32, #tpu.memory_space<hbm>>, %arg7: memref<150x128xi32, #tpu.memory_space<vmem>>, %arg8: memref<150x128xi32, #tpu.memory_space<vmem>>, %arg9: memref<6x128x64xf32, #tpu.memory_space<vmem>>, %arg10: memref<10112x64xf32, #tpu.memory_space<vmem_shared>>, %arg11: memref<!tpu.dma_semaphore, #tpu.memory_space<semaphore_mem>>, %arg12: memref<!tpu.dma_semaphore, #tpu.memory_space<semaphore_mem>>) attributes {dimension_semantics = [#tpu.dimension_semantics<core_parallel>, #tpu.dimension_semantics<subcore_parallel>], iteration_bounds = array<i64: 2, 16>, scalar_prefetch = 0 : i64, scratch_operands = 6 : i64, tpu.core_type = #tpu.core_type<sc_vector_subcore>, window_params = [{transform_indices = #map}, {transform_indices = #map}, {transform_indices = #map}, {transform_indices = #map}, {transform_indices = #map1}]} {
    %eq3A = arith.constant 0 : i32
    %eq3A_0 = arith.cmpi eq, %arg0, %eq3A : i32
    %jit3A = arith.constant 150 : i32
    %jit3A_1 = arith.constant 8 : i32
    %select_n3A = arith.select %eq3A_0, %jit3A, %jit3A_1 : i32
    %eq3A_2 = arith.constant 0 : i32
    %eq3A_3 = arith.cmpi eq, %arg0, %eq3A_2 : i32
    %mul3A = arith.constant 150 : i32
    %mul3A_4 = arith.muli %arg1, %mul3A : i32
    %mul3A_5 = arith.constant 8 : i32
    %mul3A_6 = arith.muli %arg1, %mul3A_5 : i32
    %add3A = arith.constant 2400 : i32
    %add3A_7 = arith.addi %add3A, %mul3A_6 : i32
    %select_n3A_8 = arith.select %eq3A_3, %mul3A_4, %add3A_7 : i32
    "tpu.region"() ({
      %run_scoped3A = tpu.sem_alloc : memref<!tpu.dma_semaphore, #tpu.memory_space<semaphore_mem>>
      %dma_start3A_167 = arith.constant 0 : i32
      %dma_start3A_168 = tpu.memref_slice %arg3[%select_n3A_8, %dma_start3A_167] : memref<2670x128xi32, #tpu.memory_space<hbm>> -> memref<150x128xi32, #tpu.memory_space<hbm>>
      %dma_start3A_169 = arith.constant 0 : i32
      %dma_start3A_170 = tpu.memref_slice %arg3[%select_n3A_8, %dma_start3A_169] : memref<2670x128xi32, #tpu.memory_space<hbm>> -> memref<150x128xi32, #tpu.memory_space<hbm>>
      tpu.enqueue_dma source(%dma_start3A_170 : memref<150x128xi32, #tpu.memory_space<hbm>>) target(%arg7 : memref<150x128xi32, #tpu.memory_space<vmem>>) target_semaphore(%run_scoped3A : memref<!tpu.dma_semaphore, #tpu.memory_space<semaphore_mem>>)
      %dma_wait3A_171 = arith.constant 0 : i32
      %dma_wait3A_172 = tpu.memref_slice %arg3[%select_n3A_8, %dma_wait3A_171] : memref<2670x128xi32, #tpu.memory_space<hbm>> -> memref<150x128xi32, #tpu.memory_space<hbm>>
      %dma_wait3A_173 = arith.constant 0 : i32
      %dma_wait3A_174 = tpu.memref_slice %arg3[%select_n3A_8, %dma_wait3A_173] : memref<2670x128xi32, #tpu.memory_space<hbm>> -> memref<150x128xi32, #tpu.memory_space<hbm>>
      tpu.wait_dma2 semaphore(%run_scoped3A : memref<!tpu.dma_semaphore, #tpu.memory_space<semaphore_mem>>) src(%dma_wait3A_174 : memref<150x128xi32, #tpu.memory_space<hbm>>) dst(%arg7 : memref<150x128xi32, #tpu.memory_space<vmem>>)
      tpu.yield
    }) : () -> ()
    "tpu.region"() ({
      %run_scoped3A = tpu.sem_alloc : memref<!tpu.dma_semaphore, #tpu.memory_space<semaphore_mem>>
      %dma_start3A_167 = arith.constant 0 : i32
      %dma_start3A_168 = tpu.memref_slice %arg4[%select_n3A_8, %dma_start3A_167] : memref<2670x128xi32, #tpu.memory_space<hbm>> -> memref<150x128xi32, #tpu.memory_space<hbm>>
      %dma_start3A_169 = arith.constant 0 : i32
      %dma_start3A_170 = tpu.memref_slice %arg4[%select_n3A_8, %dma_start3A_169] : memref<2670x128xi32, #tpu.memory_space<hbm>> -> memref<150x128xi32, #tpu.memory_space<hbm>>
      tpu.enqueue_dma source(%dma_start3A_170 : memref<150x128xi32, #tpu.memory_space<hbm>>) target(%arg8 : memref<150x128xi32, #tpu.memory_space<vmem>>) target_semaphore(%run_scoped3A : memref<!tpu.dma_semaphore, #tpu.memory_space<semaphore_mem>>)
      %dma_wait3A_171 = arith.constant 0 : i32
      %dma_wait3A_172 = tpu.memref_slice %arg4[%select_n3A_8, %dma_wait3A_171] : memref<2670x128xi32, #tpu.memory_space<hbm>> -> memref<150x128xi32, #tpu.memory_space<hbm>>
      %dma_wait3A_173 = arith.constant 0 : i32
      %dma_wait3A_174 = tpu.memref_slice %arg4[%select_n3A_8, %dma_wait3A_173] : memref<2670x128xi32, #tpu.memory_space<hbm>> -> memref<150x128xi32, #tpu.memory_space<hbm>>
      tpu.wait_dma2 semaphore(%run_scoped3A : memref<!tpu.dma_semaphore, #tpu.memory_space<semaphore_mem>>) src(%dma_wait3A_174 : memref<150x128xi32, #tpu.memory_space<hbm>>) dst(%arg8 : memref<150x128xi32, #tpu.memory_space<vmem>>)
      tpu.yield
    }) : () -> ()
    %mul3A_9 = arith.constant 632 : i32
    %mul3A_10 = arith.muli %arg1, %mul3A_9 : i32
    "tpu.region"() ({
      %run_scoped3A = tpu.sem_alloc : memref<!tpu.dma_semaphore, #tpu.memory_space<semaphore_mem>>
      %dma_start3A_167 = arith.constant 0 : i32
      %dma_start3A_168 = tpu.memref_slice %arg10[%mul3A_10, %dma_start3A_167] : memref<10112x64xf32, #tpu.memory_space<vmem_shared>> -> memref<632x64xf32, #tpu.memory_space<vmem_shared>>
      tpu.enqueue_dma source(%arg5 : memref<632x64xf32, #tpu.memory_space<hbm>>) target(%dma_start3A_168 : memref<632x64xf32, #tpu.memory_space<vmem_shared>>) target_semaphore(%run_scoped3A : memref<!tpu.dma_semaphore, #tpu.memory_space<semaphore_mem>>)
      %dma_wait3A_169 = arith.constant 0 : i32
      %dma_wait3A_170 = tpu.memref_slice %arg10[%mul3A_10, %dma_wait3A_169] : memref<10112x64xf32, #tpu.memory_space<vmem_shared>> -> memref<632x64xf32, #tpu.memory_space<vmem_shared>>
      tpu.wait_dma2 semaphore(%run_scoped3A : memref<!tpu.dma_semaphore, #tpu.memory_space<semaphore_mem>>) src(%arg5 : memref<632x64xf32, #tpu.memory_space<hbm>>) dst(%dma_wait3A_170 : memref<632x64xf32, #tpu.memory_space<vmem_shared>>)
      tpu.yield
    }) : () -> ()
    %barrier3A = arith.constant 0 : index
    tpu.barrier barrier_id(%barrier3A)
    %dma_start3A = arith.constant 0 : i32
    %dma_start3A_11 = arith.constant 0 : i32
    %dma_start3A_12 = arith.constant 0 : i32
    %dma_start3A_13 = arith.constant 0 : i32
    %dma_start3A_14 = tpu.memref_slice %arg9[%dma_start3A_11, %dma_start3A_12, %dma_start3A_13] : memref<6x128x64xf32, #tpu.memory_space<vmem>> -> memref<1x128x64xf32, #tpu.memory_space<vmem>>
    %dma_start3A_15 = tpu.memref_squeeze %dma_start3A_14 : memref<1x128x64xf32, #tpu.memory_space<vmem>> -> memref<128x64xf32, #tpu.memory_space<vmem>>
    %dma_start3A_16 = arith.constant 0 : i32
    %dma_start3A_17 = tpu.memref_slice %arg7[%dma_start3A, %dma_start3A_16] : memref<150x128xi32, #tpu.memory_space<vmem>> -> memref<1x128xi32, #tpu.memory_space<vmem>>
    %dma_start3A_18 = tpu.memref_squeeze %dma_start3A_17 : memref<1x128xi32, #tpu.memory_space<vmem>> -> memref<128xi32, #tpu.memory_space<vmem>>
    %dma_start3A_19 = arith.constant 0 : i32
    %dma_start3A_20 = arith.constant 0 : i32
    %dma_start3A_21 = tpu.memref_slice %arg2[%dma_start3A_19, %dma_start3A_20] : memref<10000x64xf32, #tpu.memory_space<hbm>> -> memref<10000x64xf32, #tpu.memory_space<hbm>>
    tpu.enqueue_indirect_dma source(%dma_start3A_21 : memref<10000x64xf32, #tpu.memory_space<hbm>>) target(%dma_start3A_15 : memref<128x64xf32, #tpu.memory_space<vmem>>) offsets(%dma_start3A_18 : memref<128xi32, #tpu.memory_space<vmem>>) semaphore(%arg11 : memref<!tpu.dma_semaphore, #tpu.memory_space<semaphore_mem>>)
    %dma_start3A_22 = arith.constant 1 : i32
    %dma_start3A_23 = arith.constant 1 : i32
    %dma_start3A_24 = arith.constant 0 : i32
    %dma_start3A_25 = arith.constant 0 : i32
    %dma_start3A_26 = tpu.memref_slice %arg9[%dma_start3A_23, %dma_start3A_24, %dma_start3A_25] : memref<6x128x64xf32, #tpu.memory_space<vmem>> -> memref<1x128x64xf32, #tpu.memory_space<vmem>>
    %dma_start3A_27 = tpu.memref_squeeze %dma_start3A_26 : memref<1x128x64xf32, #tpu.memory_space<vmem>> -> memref<128x64xf32, #tpu.memory_space<vmem>>
    %dma_start3A_28 = arith.constant 0 : i32
    %dma_start3A_29 = tpu.memref_slice %arg7[%dma_start3A_22, %dma_start3A_28] : memref<150x128xi32, #tpu.memory_space<vmem>> -> memref<1x128xi32, #tpu.memory_space<vmem>>
    %dma_start3A_30 = tpu.memref_squeeze %dma_start3A_29 : memref<1x128xi32, #tpu.memory_space<vmem>> -> memref<128xi32, #tpu.memory_space<vmem>>
    %dma_start3A_31 = arith.constant 0 : i32
    %dma_start3A_32 = arith.constant 0 : i32
    %dma_start3A_33 = tpu.memref_slice %arg2[%dma_start3A_31, %dma_start3A_32] : memref<10000x64xf32, #tpu.memory_space<hbm>> -> memref<10000x64xf32, #tpu.memory_space<hbm>>
    tpu.enqueue_indirect_dma source(%dma_start3A_33 : memref<10000x64xf32, #tpu.memory_space<hbm>>) target(%dma_start3A_27 : memref<128x64xf32, #tpu.memory_space<vmem>>) offsets(%dma_start3A_30 : memref<128xi32, #tpu.memory_space<vmem>>) semaphore(%arg11 : memref<!tpu.dma_semaphore, #tpu.memory_space<semaphore_mem>>)
    %dma_start3A_34 = arith.constant 2 : i32
    %dma_start3A_35 = arith.constant 2 : i32
    %dma_start3A_36 = arith.constant 0 : i32
    %dma_start3A_37 = arith.constant 0 : i32
    %dma_start3A_38 = tpu.memref_slice %arg9[%dma_start3A_35, %dma_start3A_36, %dma_start3A_37] : memref<6x128x64xf32, #tpu.memory_space<vmem>> -> memref<1x128x64xf32, #tpu.memory_space<vmem>>
    %dma_start3A_39 = tpu.memref_squeeze %dma_start3A_38 : memref<1x128x64xf32, #tpu.memory_space<vmem>> -> memref<128x64xf32, #tpu.memory_space<vmem>>
    %dma_start3A_40 = arith.constant 0 : i32
    %dma_start3A_41 = tpu.memref_slice %arg7[%dma_start3A_34, %dma_start3A_40] : memref<150x128xi32, #tpu.memory_space<vmem>> -> memref<1x128xi32, #tpu.memory_space<vmem>>
    %dma_start3A_42 = tpu.memref_squeeze %dma_start3A_41 : memref<1x128xi32, #tpu.memory_space<vmem>> -> memref<128xi32, #tpu.memory_space<vmem>>
    %dma_start3A_43 = arith.constant 0 : i32
    %dma_start3A_44 = arith.constant 0 : i32
    %dma_start3A_45 = tpu.memref_slice %arg2[%dma_start3A_43, %dma_start3A_44] : memref<10000x64xf32, #tpu.memory_space<hbm>> -> memref<10000x64xf32, #tpu.memory_space<hbm>>
    tpu.enqueue_indirect_dma source(%dma_start3A_45 : memref<10000x64xf32, #tpu.memory_space<hbm>>) target(%dma_start3A_39 : memref<128x64xf32, #tpu.memory_space<vmem>>) offsets(%dma_start3A_42 : memref<128xi32, #tpu.memory_space<vmem>>) semaphore(%arg11 : memref<!tpu.dma_semaphore, #tpu.memory_space<semaphore_mem>>)
    %dma_start3A_46 = arith.constant 3 : i32
    %dma_start3A_47 = arith.constant 3 : i32
    %dma_start3A_48 = arith.constant 0 : i32
    %dma_start3A_49 = arith.constant 0 : i32
    %dma_start3A_50 = tpu.memref_slice %arg9[%dma_start3A_47, %dma_start3A_48, %dma_start3A_49] : memref<6x128x64xf32, #tpu.memory_space<vmem>> -> memref<1x128x64xf32, #tpu.memory_space<vmem>>
    %dma_start3A_51 = tpu.memref_squeeze %dma_start3A_50 : memref<1x128x64xf32, #tpu.memory_space<vmem>> -> memref<128x64xf32, #tpu.memory_space<vmem>>
    %dma_start3A_52 = arith.constant 0 : i32
    %dma_start3A_53 = tpu.memref_slice %arg7[%dma_start3A_46, %dma_start3A_52] : memref<150x128xi32, #tpu.memory_space<vmem>> -> memref<1x128xi32, #tpu.memory_space<vmem>>
    %dma_start3A_54 = tpu.memref_squeeze %dma_start3A_53 : memref<1x128xi32, #tpu.memory_space<vmem>> -> memref<128xi32, #tpu.memory_space<vmem>>
    %dma_start3A_55 = arith.constant 0 : i32
    %dma_start3A_56 = arith.constant 0 : i32
    %dma_start3A_57 = tpu.memref_slice %arg2[%dma_start3A_55, %dma_start3A_56] : memref<10000x64xf32, #tpu.memory_space<hbm>> -> memref<10000x64xf32, #tpu.memory_space<hbm>>
    tpu.enqueue_indirect_dma source(%dma_start3A_57 : memref<10000x64xf32, #tpu.memory_space<hbm>>) target(%dma_start3A_51 : memref<128x64xf32, #tpu.memory_space<vmem>>) offsets(%dma_start3A_54 : memref<128xi32, #tpu.memory_space<vmem>>) semaphore(%arg11 : memref<!tpu.dma_semaphore, #tpu.memory_space<semaphore_mem>>)
    %dma_start3A_58 = arith.constant 4 : i32
    %dma_start3A_59 = arith.constant 4 : i32
    %dma_start3A_60 = arith.constant 0 : i32
    %dma_start3A_61 = arith.constant 0 : i32
    %dma_start3A_62 = tpu.memref_slice %arg9[%dma_start3A_59, %dma_start3A_60, %dma_start3A_61] : memref<6x128x64xf32, #tpu.memory_space<vmem>> -> memref<1x128x64xf32, #tpu.memory_space<vmem>>
    %dma_start3A_63 = tpu.memref_squeeze %dma_start3A_62 : memref<1x128x64xf32, #tpu.memory_space<vmem>> -> memref<128x64xf32, #tpu.memory_space<vmem>>
    %dma_start3A_64 = arith.constant 0 : i32
    %dma_start3A_65 = tpu.memref_slice %arg7[%dma_start3A_58, %dma_start3A_64] : memref<150x128xi32, #tpu.memory_space<vmem>> -> memref<1x128xi32, #tpu.memory_space<vmem>>
    %dma_start3A_66 = tpu.memref_squeeze %dma_start3A_65 : memref<1x128xi32, #tpu.memory_space<vmem>> -> memref<128xi32, #tpu.memory_space<vmem>>
    %dma_start3A_67 = arith.constant 0 : i32
    %dma_start3A_68 = arith.constant 0 : i32
    %dma_start3A_69 = tpu.memref_slice %arg2[%dma_start3A_67, %dma_start3A_68] : memref<10000x64xf32, #tpu.memory_space<hbm>> -> memref<10000x64xf32, #tpu.memory_space<hbm>>
    tpu.enqueue_indirect_dma source(%dma_start3A_69 : memref<10000x64xf32, #tpu.memory_space<hbm>>) target(%dma_start3A_63 : memref<128x64xf32, #tpu.memory_space<vmem>>) offsets(%dma_start3A_66 : memref<128xi32, #tpu.memory_space<vmem>>) semaphore(%arg11 : memref<!tpu.dma_semaphore, #tpu.memory_space<semaphore_mem>>)
    %dma_start3A_70 = arith.constant 5 : i32
    %dma_start3A_71 = arith.constant 5 : i32
    %dma_start3A_72 = arith.constant 0 : i32
    %dma_start3A_73 = arith.constant 0 : i32
    %dma_start3A_74 = tpu.memref_slice %arg9[%dma_start3A_71, %dma_start3A_72, %dma_start3A_73] : memref<6x128x64xf32, #tpu.memory_space<vmem>> -> memref<1x128x64xf32, #tpu.memory_space<vmem>>
    %dma_start3A_75 = tpu.memref_squeeze %dma_start3A_74 : memref<1x128x64xf32, #tpu.memory_space<vmem>> -> memref<128x64xf32, #tpu.memory_space<vmem>>
    %dma_start3A_76 = arith.constant 0 : i32
    %dma_start3A_77 = tpu.memref_slice %arg7[%dma_start3A_70, %dma_start3A_76] : memref<150x128xi32, #tpu.memory_space<vmem>> -> memref<1x128xi32, #tpu.memory_space<vmem>>
    %dma_start3A_78 = tpu.memref_squeeze %dma_start3A_77 : memref<1x128xi32, #tpu.memory_space<vmem>> -> memref<128xi32, #tpu.memory_space<vmem>>
    %dma_start3A_79 = arith.constant 0 : i32
    %dma_start3A_80 = arith.constant 0 : i32
    %dma_start3A_81 = tpu.memref_slice %arg2[%dma_start3A_79, %dma_start3A_80] : memref<10000x64xf32, #tpu.memory_space<hbm>> -> memref<10000x64xf32, #tpu.memory_space<hbm>>
    tpu.enqueue_indirect_dma source(%dma_start3A_81 : memref<10000x64xf32, #tpu.memory_space<hbm>>) target(%dma_start3A_75 : memref<128x64xf32, #tpu.memory_space<vmem>>) offsets(%dma_start3A_78 : memref<128xi32, #tpu.memory_space<vmem>>) semaphore(%arg11 : memref<!tpu.dma_semaphore, #tpu.memory_space<semaphore_mem>>)
    %while3A = arith.constant 0 : i32
    %while3A_82 = arith.constant 0 : i32
    %while3A_83 = arith.subi %select_n3A, %while3A_82 : i32
    %while3A_84 = arith.addi %while3A_82, %while3A_83 : i32
    %while3A_85 = arith.constant 1 : i32
    %while3A_86 = arith.divsi %while3A_83, %while3A_85 : i32
    %while3A_87 = arith.muli %while3A_86, %while3A_85 : i32
    %while3A_88 = arith.addi %while3A_82, %while3A_87 : i32
    %while3A_89 = arith.constant 1 : i32
    scf.for %while3A_167 = %while3A_82 to %while3A_88 step %while3A_89  : i32 {
      %rem3A = arith.constant 6 : i32
      %rem3A_168 = arith.remsi %while3A_167, %rem3A : i32
      %dma_wait3A_169 = arith.constant 0 : i32
      %dma_wait3A_170 = arith.constant 0 : i32
      %dma_wait3A_171 = tpu.memref_slice %arg9[%rem3A_168, %dma_wait3A_169, %dma_wait3A_170] : memref<6x128x64xf32, #tpu.memory_space<vmem>> -> memref<1x128x64xf32, #tpu.memory_space<vmem>>
      %dma_wait3A_172 = tpu.memref_squeeze %dma_wait3A_171 : memref<1x128x64xf32, #tpu.memory_space<vmem>> -> memref<128x64xf32, #tpu.memory_space<vmem>>
      %dma_wait3A_173 = arith.constant 0 : i32
      %dma_wait3A_174 = tpu.memref_slice %arg7[%while3A_167, %dma_wait3A_173] : memref<150x128xi32, #tpu.memory_space<vmem>> -> memref<1x128xi32, #tpu.memory_space<vmem>>
      %dma_wait3A_175 = tpu.memref_squeeze %dma_wait3A_174 : memref<1x128xi32, #tpu.memory_space<vmem>> -> memref<128xi32, #tpu.memory_space<vmem>>
      %dma_wait3A_176 = arith.constant 0 : i32
      %dma_wait3A_177 = arith.constant 0 : i32
      %dma_wait3A_178 = tpu.memref_slice %arg2[%dma_wait3A_176, %dma_wait3A_177] : memref<10000x64xf32, #tpu.memory_space<hbm>> -> memref<10000x64xf32, #tpu.memory_space<hbm>>
      tpu.wait_indirect_dma semaphore(%arg11 : memref<!tpu.dma_semaphore, #tpu.memory_space<semaphore_mem>>) src(%dma_wait3A_178 : memref<10000x64xf32, #tpu.memory_space<hbm>>) dst(%dma_wait3A_172 : memref<128x64xf32, #tpu.memory_space<vmem>>)
      %dma_start3A_179 = arith.constant 0 : i32
      %dma_start3A_180 = arith.constant 0 : i32
      %dma_start3A_181 = tpu.memref_slice %arg9[%rem3A_168, %dma_start3A_179, %dma_start3A_180] : memref<6x128x64xf32, #tpu.memory_space<vmem>> -> memref<1x128x64xf32, #tpu.memory_space<vmem>>
      %dma_start3A_182 = tpu.memref_squeeze %dma_start3A_181 : memref<1x128x64xf32, #tpu.memory_space<vmem>> -> memref<128x64xf32, #tpu.memory_space<vmem>>
      %dma_start3A_183 = arith.constant 0 : i32
      %dma_start3A_184 = tpu.memref_slice %arg8[%while3A_167, %dma_start3A_183] : memref<150x128xi32, #tpu.memory_space<vmem>> -> memref<1x128xi32, #tpu.memory_space<vmem>>
      %dma_start3A_185 = tpu.memref_squeeze %dma_start3A_184 : memref<1x128xi32, #tpu.memory_space<vmem>> -> memref<128xi32, #tpu.memory_space<vmem>>
      %dma_start3A_186 = arith.constant 0 : i32
      %dma_start3A_187 = arith.constant 0 : i32
      %dma_start3A_188 = tpu.memref_slice %arg10[%dma_start3A_186, %dma_start3A_187] : memref<10112x64xf32, #tpu.memory_space<vmem_shared>> -> memref<10112x64xf32, #tpu.memory_space<vmem_shared>>
      tpu.enqueue_indirect_dma source(%dma_start3A_182 : memref<128x64xf32, #tpu.memory_space<vmem>>) target(%dma_start3A_188 : memref<10112x64xf32, #tpu.memory_space<vmem_shared>>) offsets(%dma_start3A_185 : memref<128xi32, #tpu.memory_space<vmem>>) semaphore(%arg12 : memref<!tpu.dma_semaphore, #tpu.memory_space<semaphore_mem>>) {add = true}
      %ge3A = arith.constant 1 : i32
      %ge3A_189 = arith.cmpi sge, %while3A_167, %ge3A : i32
      %sub3A = arith.constant 1 : i32
      %sub3A_190 = arith.subi %while3A_167, %sub3A : i32
      %add3A_191 = arith.constant 6 : i32
      %add3A_192 = arith.addi %sub3A_190, %add3A_191 : i32
      %lt3A = arith.cmpi slt, %add3A_192, %select_n3A : i32
      %and3A = arith.andi %ge3A_189, %lt3A : i1
      %convert_element_type3A = arith.extui %and3A : i1 to i32
      %cond3A = arith.constant 0 : i32
      %cond3A_193 = arith.cmpi ne, %convert_element_type3A, %cond3A : i32
      scf.if %cond3A_193 {
        %sub3A_194 = arith.constant 1 : i32
        %sub3A_195 = arith.subi %while3A_167, %sub3A_194 : i32
        %rem3A_196 = arith.constant 6 : i32
        %rem3A_197 = arith.remsi %sub3A_195, %rem3A_196 : i32
        %sub3A_198 = arith.constant 1 : i32
        %sub3A_199 = arith.subi %while3A_167, %sub3A_198 : i32
        %dma_wait3A_200 = arith.constant 0 : i32
        %dma_wait3A_201 = arith.constant 0 : i32
        %dma_wait3A_202 = tpu.memref_slice %arg9[%rem3A_197, %dma_wait3A_200, %dma_wait3A_201] : memref<6x128x64xf32, #tpu.memory_space<vmem>> -> memref<1x128x64xf32, #tpu.memory_space<vmem>>
        %dma_wait3A_203 = tpu.memref_squeeze %dma_wait3A_202 : memref<1x128x64xf32, #tpu.memory_space<vmem>> -> memref<128x64xf32, #tpu.memory_space<vmem>>
        %dma_wait3A_204 = arith.constant 0 : i32
        %dma_wait3A_205 = tpu.memref_slice %arg8[%sub3A_199, %dma_wait3A_204] : memref<150x128xi32, #tpu.memory_space<vmem>> -> memref<1x128xi32, #tpu.memory_space<vmem>>
        %dma_wait3A_206 = tpu.memref_squeeze %dma_wait3A_205 : memref<1x128xi32, #tpu.memory_space<vmem>> -> memref<128xi32, #tpu.memory_space<vmem>>
        %dma_wait3A_207 = arith.constant 0 : i32
        %dma_wait3A_208 = arith.constant 0 : i32
        %dma_wait3A_209 = tpu.memref_slice %arg10[%dma_wait3A_207, %dma_wait3A_208] : memref<10112x64xf32, #tpu.memory_space<vmem_shared>> -> memref<10112x64xf32, #tpu.memory_space<vmem_shared>>
        tpu.wait_indirect_dma semaphore(%arg12 : memref<!tpu.dma_semaphore, #tpu.memory_space<semaphore_mem>>) src(%dma_wait3A_203 : memref<128x64xf32, #tpu.memory_space<vmem>>) dst(%dma_wait3A_209 : memref<10112x64xf32, #tpu.memory_space<vmem_shared>>)
        %sub3A_210 = arith.constant 1 : i32
        %sub3A_211 = arith.subi %while3A_167, %sub3A_210 : i32
        %add3A_212 = arith.constant 6 : i32
        %add3A_213 = arith.addi %sub3A_211, %add3A_212 : i32
        %dma_start3A_214 = arith.constant 0 : i32
        %dma_start3A_215 = arith.constant 0 : i32
        %dma_start3A_216 = tpu.memref_slice %arg9[%rem3A_197, %dma_start3A_214, %dma_start3A_215] : memref<6x128x64xf32, #tpu.memory_space<vmem>> -> memref<1x128x64xf32, #tpu.memory_space<vmem>>
        %dma_start3A_217 = tpu.memref_squeeze %dma_start3A_216 : memref<1x128x64xf32, #tpu.memory_space<vmem>> -> memref<128x64xf32, #tpu.memory_space<vmem>>
        %dma_start3A_218 = arith.constant 0 : i32
        %dma_start3A_219 = tpu.memref_slice %arg7[%add3A_213, %dma_start3A_218] : memref<150x128xi32, #tpu.memory_space<vmem>> -> memref<1x128xi32, #tpu.memory_space<vmem>>
        %dma_start3A_220 = tpu.memref_squeeze %dma_start3A_219 : memref<1x128xi32, #tpu.memory_space<vmem>> -> memref<128xi32, #tpu.memory_space<vmem>>
        %dma_start3A_221 = arith.constant 0 : i32
        %dma_start3A_222 = arith.constant 0 : i32
        %dma_start3A_223 = tpu.memref_slice %arg2[%dma_start3A_221, %dma_start3A_222] : memref<10000x64xf32, #tpu.memory_space<hbm>> -> memref<10000x64xf32, #tpu.memory_space<hbm>>
        tpu.enqueue_indirect_dma source(%dma_start3A_223 : memref<10000x64xf32, #tpu.memory_space<hbm>>) target(%dma_start3A_217 : memref<128x64xf32, #tpu.memory_space<vmem>>) offsets(%dma_start3A_220 : memref<128xi32, #tpu.memory_space<vmem>>) semaphore(%arg11 : memref<!tpu.dma_semaphore, #tpu.memory_space<semaphore_mem>>)
      } else {
      }
    }
    %while3A_90 = arith.constant 1 : i32
    scf.for %while3A_167 = %while3A_88 to %while3A_84 step %while3A_90  : i32 {
      %rem3A = arith.constant 6 : i32
      %rem3A_168 = arith.remsi %while3A_167, %rem3A : i32
      %dma_wait3A_169 = arith.constant 0 : i32
      %dma_wait3A_170 = arith.constant 0 : i32
      %dma_wait3A_171 = tpu.memref_slice %arg9[%rem3A_168, %dma_wait3A_169, %dma_wait3A_170] : memref<6x128x64xf32, #tpu.memory_space<vmem>> -> memref<1x128x64xf32, #tpu.memory_space<vmem>>
      %dma_wait3A_172 = tpu.memref_squeeze %dma_wait3A_171 : memref<1x128x64xf32, #tpu.memory_space<vmem>> -> memref<128x64xf32, #tpu.memory_space<vmem>>
      %dma_wait3A_173 = arith.constant 0 : i32
      %dma_wait3A_174 = tpu.memref_slice %arg7[%while3A_167, %dma_wait3A_173] : memref<150x128xi32, #tpu.memory_space<vmem>> -> memref<1x128xi32, #tpu.memory_space<vmem>>
      %dma_wait3A_175 = tpu.memref_squeeze %dma_wait3A_174 : memref<1x128xi32, #tpu.memory_space<vmem>> -> memref<128xi32, #tpu.memory_space<vmem>>
      %dma_wait3A_176 = arith.constant 0 : i32
      %dma_wait3A_177 = arith.constant 0 : i32
      %dma_wait3A_178 = tpu.memref_slice %arg2[%dma_wait3A_176, %dma_wait3A_177] : memref<10000x64xf32, #tpu.memory_space<hbm>> -> memref<10000x64xf32, #tpu.memory_space<hbm>>
      tpu.wait_indirect_dma semaphore(%arg11 : memref<!tpu.dma_semaphore, #tpu.memory_space<semaphore_mem>>) src(%dma_wait3A_178 : memref<10000x64xf32, #tpu.memory_space<hbm>>) dst(%dma_wait3A_172 : memref<128x64xf32, #tpu.memory_space<vmem>>)
      %dma_start3A_179 = arith.constant 0 : i32
      %dma_start3A_180 = arith.constant 0 : i32
      %dma_start3A_181 = tpu.memref_slice %arg9[%rem3A_168, %dma_start3A_179, %dma_start3A_180] : memref<6x128x64xf32, #tpu.memory_space<vmem>> -> memref<1x128x64xf32, #tpu.memory_space<vmem>>
      %dma_start3A_182 = tpu.memref_squeeze %dma_start3A_181 : memref<1x128x64xf32, #tpu.memory_space<vmem>> -> memref<128x64xf32, #tpu.memory_space<vmem>>
      %dma_start3A_183 = arith.constant 0 : i32
      %dma_start3A_184 = tpu.memref_slice %arg8[%while3A_167, %dma_start3A_183] : memref<150x128xi32, #tpu.memory_space<vmem>> -> memref<1x128xi32, #tpu.memory_space<vmem>>
      %dma_start3A_185 = tpu.memref_squeeze %dma_start3A_184 : memref<1x128xi32, #tpu.memory_space<vmem>> -> memref<128xi32, #tpu.memory_space<vmem>>
      %dma_start3A_186 = arith.constant 0 : i32
      %dma_start3A_187 = arith.constant 0 : i32
      %dma_start3A_188 = tpu.memref_slice %arg10[%dma_start3A_186, %dma_start3A_187] : memref<10112x64xf32, #tpu.memory_space<vmem_shared>> -> memref<10112x64xf32, #tpu.memory_space<vmem_shared>>
      tpu.enqueue_indirect_dma source(%dma_start3A_182 : memref<128x64xf32, #tpu.memory_space<vmem>>) target(%dma_start3A_188 : memref<10112x64xf32, #tpu.memory_space<vmem_shared>>) offsets(%dma_start3A_185 : memref<128xi32, #tpu.memory_space<vmem>>) semaphore(%arg12 : memref<!tpu.dma_semaphore, #tpu.memory_space<semaphore_mem>>) {add = true}
      %ge3A = arith.constant 1 : i32
      %ge3A_189 = arith.cmpi sge, %while3A_167, %ge3A : i32
      %sub3A = arith.constant 1 : i32
      %sub3A_190 = arith.subi %while3A_167, %sub3A : i32
      %add3A_191 = arith.constant 6 : i32
      %add3A_192 = arith.addi %sub3A_190, %add3A_191 : i32
      %lt3A = arith.cmpi slt, %add3A_192, %select_n3A : i32
      %and3A = arith.andi %ge3A_189, %lt3A : i1
      %convert_element_type3A = arith.extui %and3A : i1 to i32
      %cond3A = arith.constant 0 : i32
      %cond3A_193 = arith.cmpi ne, %convert_element_type3A, %cond3A : i32
      scf.if %cond3A_193 {
        %sub3A_194 = arith.constant 1 : i32
        %sub3A_195 = arith.subi %while3A_167, %sub3A_194 : i32
        %rem3A_196 = arith.constant 6 : i32
        %rem3A_197 = arith.remsi %sub3A_195, %rem3A_196 : i32
        %sub3A_198 = arith.constant 1 : i32
        %sub3A_199 = arith.subi %while3A_167, %sub3A_198 : i32
        %dma_wait3A_200 = arith.constant 0 : i32
        %dma_wait3A_201 = arith.constant 0 : i32
        %dma_wait3A_202 = tpu.memref_slice %arg9[%rem3A_197, %dma_wait3A_200, %dma_wait3A_201] : memref<6x128x64xf32, #tpu.memory_space<vmem>> -> memref<1x128x64xf32, #tpu.memory_space<vmem>>
        %dma_wait3A_203 = tpu.memref_squeeze %dma_wait3A_202 : memref<1x128x64xf32, #tpu.memory_space<vmem>> -> memref<128x64xf32, #tpu.memory_space<vmem>>
        %dma_wait3A_204 = arith.constant 0 : i32
        %dma_wait3A_205 = tpu.memref_slice %arg8[%sub3A_199, %dma_wait3A_204] : memref<150x128xi32, #tpu.memory_space<vmem>> -> memref<1x128xi32, #tpu.memory_space<vmem>>
        %dma_wait3A_206 = tpu.memref_squeeze %dma_wait3A_205 : memref<1x128xi32, #tpu.memory_space<vmem>> -> memref<128xi32, #tpu.memory_space<vmem>>
        %dma_wait3A_207 = arith.constant 0 : i32
        %dma_wait3A_208 = arith.constant 0 : i32
        %dma_wait3A_209 = tpu.memref_slice %arg10[%dma_wait3A_207, %dma_wait3A_208] : memref<10112x64xf32, #tpu.memory_space<vmem_shared>> -> memref<10112x64xf32, #tpu.memory_space<vmem_shared>>
        tpu.wait_indirect_dma semaphore(%arg12 : memref<!tpu.dma_semaphore, #tpu.memory_space<semaphore_mem>>) src(%dma_wait3A_203 : memref<128x64xf32, #tpu.memory_space<vmem>>) dst(%dma_wait3A_209 : memref<10112x64xf32, #tpu.memory_space<vmem_shared>>)
        %sub3A_210 = arith.constant 1 : i32
        %sub3A_211 = arith.subi %while3A_167, %sub3A_210 : i32
        %add3A_212 = arith.constant 6 : i32
        %add3A_213 = arith.addi %sub3A_211, %add3A_212 : i32
        %dma_start3A_214 = arith.constant 0 : i32
        %dma_start3A_215 = arith.constant 0 : i32
        %dma_start3A_216 = tpu.memref_slice %arg9[%rem3A_197, %dma_start3A_214, %dma_start3A_215] : memref<6x128x64xf32, #tpu.memory_space<vmem>> -> memref<1x128x64xf32, #tpu.memory_space<vmem>>
        %dma_start3A_217 = tpu.memref_squeeze %dma_start3A_216 : memref<1x128x64xf32, #tpu.memory_space<vmem>> -> memref<128x64xf32, #tpu.memory_space<vmem>>
        %dma_start3A_218 = arith.constant 0 : i32
        %dma_start3A_219 = tpu.memref_slice %arg7[%add3A_213, %dma_start3A_218] : memref<150x128xi32, #tpu.memory_space<vmem>> -> memref<1x128xi32, #tpu.memory_space<vmem>>
        %dma_start3A_220 = tpu.memref_squeeze %dma_start3A_219 : memref<1x128xi32, #tpu.memory_space<vmem>> -> memref<128xi32, #tpu.memory_space<vmem>>
        %dma_start3A_221 = arith.constant 0 : i32
        %dma_start3A_222 = arith.constant 0 : i32
        %dma_start3A_223 = tpu.memref_slice %arg2[%dma_start3A_221, %dma_start3A_222] : memref<10000x64xf32, #tpu.memory_space<hbm>> -> memref<10000x64xf32, #tpu.memory_space<hbm>>
        tpu.enqueue_indirect_dma source(%dma_start3A_223 : memref<10000x64xf32, #tpu.memory_space<hbm>>) target(%dma_start3A_217 : memref<128x64xf32, #tpu.memory_space<vmem>>) offsets(%dma_start3A_220 : memref<128xi32, #tpu.memory_space<vmem>>) semaphore(%arg11 : memref<!tpu.dma_semaphore, #tpu.memory_space<semaphore_mem>>)
      } else {
      }
    }
    %dma_wait3A = arith.constant 0 : i32
    %dma_wait3A_91 = arith.constant 0 : i32
    %dma_wait3A_92 = arith.constant 0 : i32
    %dma_wait3A_93 = arith.constant 0 : i32
    %dma_wait3A_94 = tpu.memref_slice %arg9[%dma_wait3A, %dma_wait3A_92, %dma_wait3A_93] : memref<6x128x64xf32, #tpu.memory_space<vmem>> -> memref<1x128x64xf32, #tpu.memory_space<vmem>>
    %dma_wait3A_95 = tpu.memref_squeeze %dma_wait3A_94 : memref<1x128x64xf32, #tpu.memory_space<vmem>> -> memref<128x64xf32, #tpu.memory_space<vmem>>
    %dma_wait3A_96 = arith.constant 0 : i32
    %dma_wait3A_97 = tpu.memref_slice %arg8[%dma_wait3A_91, %dma_wait3A_96] : memref<150x128xi32, #tpu.memory_space<vmem>> -> memref<1x128xi32, #tpu.memory_space<vmem>>
    %dma_wait3A_98 = tpu.memref_squeeze %dma_wait3A_97 : memref<1x128xi32, #tpu.memory_space<vmem>> -> memref<128xi32, #tpu.memory_space<vmem>>
    %dma_wait3A_99 = arith.constant 0 : i32
    %dma_wait3A_100 = arith.constant 0 : i32
    %dma_wait3A_101 = tpu.memref_slice %arg10[%dma_wait3A_99, %dma_wait3A_100] : memref<10112x64xf32, #tpu.memory_space<vmem_shared>> -> memref<10112x64xf32, #tpu.memory_space<vmem_shared>>
    tpu.wait_indirect_dma semaphore(%arg12 : memref<!tpu.dma_semaphore, #tpu.memory_space<semaphore_mem>>) src(%dma_wait3A_95 : memref<128x64xf32, #tpu.memory_space<vmem>>) dst(%dma_wait3A_101 : memref<10112x64xf32, #tpu.memory_space<vmem_shared>>)
    %dma_wait3A_102 = arith.constant 1 : i32
    %dma_wait3A_103 = arith.constant 0 : i32
    %dma_wait3A_104 = arith.constant 0 : i32
    %dma_wait3A_105 = arith.constant 0 : i32
    %dma_wait3A_106 = tpu.memref_slice %arg9[%dma_wait3A_102, %dma_wait3A_104, %dma_wait3A_105] : memref<6x128x64xf32, #tpu.memory_space<vmem>> -> memref<1x128x64xf32, #tpu.memory_space<vmem>>
    %dma_wait3A_107 = tpu.memref_squeeze %dma_wait3A_106 : memref<1x128x64xf32, #tpu.memory_space<vmem>> -> memref<128x64xf32, #tpu.memory_space<vmem>>
    %dma_wait3A_108 = arith.constant 0 : i32
    %dma_wait3A_109 = tpu.memref_slice %arg8[%dma_wait3A_103, %dma_wait3A_108] : memref<150x128xi32, #tpu.memory_space<vmem>> -> memref<1x128xi32, #tpu.memory_space<vmem>>
    %dma_wait3A_110 = tpu.memref_squeeze %dma_wait3A_109 : memref<1x128xi32, #tpu.memory_space<vmem>> -> memref<128xi32, #tpu.memory_space<vmem>>
    %dma_wait3A_111 = arith.constant 0 : i32
    %dma_wait3A_112 = arith.constant 0 : i32
    %dma_wait3A_113 = tpu.memref_slice %arg10[%dma_wait3A_111, %dma_wait3A_112] : memref<10112x64xf32, #tpu.memory_space<vmem_shared>> -> memref<10112x64xf32, #tpu.memory_space<vmem_shared>>
    tpu.wait_indirect_dma semaphore(%arg12 : memref<!tpu.dma_semaphore, #tpu.memory_space<semaphore_mem>>) src(%dma_wait3A_107 : memref<128x64xf32, #tpu.memory_space<vmem>>) dst(%dma_wait3A_113 : memref<10112x64xf32, #tpu.memory_space<vmem_shared>>)
    %dma_wait3A_114 = arith.constant 2 : i32
    %dma_wait3A_115 = arith.constant 0 : i32
    %dma_wait3A_116 = arith.constant 0 : i32
    %dma_wait3A_117 = arith.constant 0 : i32
    %dma_wait3A_118 = tpu.memref_slice %arg9[%dma_wait3A_114, %dma_wait3A_116, %dma_wait3A_117] : memref<6x128x64xf32, #tpu.memory_space<vmem>> -> memref<1x128x64xf32, #tpu.memory_space<vmem>>
    %dma_wait3A_119 = tpu.memref_squeeze %dma_wait3A_118 : memref<1x128x64xf32, #tpu.memory_space<vmem>> -> memref<128x64xf32, #tpu.memory_space<vmem>>
    %dma_wait3A_120 = arith.constant 0 : i32
    %dma_wait3A_121 = tpu.memref_slice %arg8[%dma_wait3A_115, %dma_wait3A_120] : memref<150x128xi32, #tpu.memory_space<vmem>> -> memref<1x128xi32, #tpu.memory_space<vmem>>
    %dma_wait3A_122 = tpu.memref_squeeze %dma_wait3A_121 : memref<1x128xi32, #tpu.memory_space<vmem>> -> memref<128xi32, #tpu.memory_space<vmem>>
    %dma_wait3A_123 = arith.constant 0 : i32
    %dma_wait3A_124 = arith.constant 0 : i32
    %dma_wait3A_125 = tpu.memref_slice %arg10[%dma_wait3A_123, %dma_wait3A_124] : memref<10112x64xf32, #tpu.memory_space<vmem_shared>> -> memref<10112x64xf32, #tpu.memory_space<vmem_shared>>
    tpu.wait_indirect_dma semaphore(%arg12 : memref<!tpu.dma_semaphore, #tpu.memory_space<semaphore_mem>>) src(%dma_wait3A_119 : memref<128x64xf32, #tpu.memory_space<vmem>>) dst(%dma_wait3A_125 : memref<10112x64xf32, #tpu.memory_space<vmem_shared>>)
    %dma_wait3A_126 = arith.constant 3 : i32
    %dma_wait3A_127 = arith.constant 0 : i32
    %dma_wait3A_128 = arith.constant 0 : i32
    %dma_wait3A_129 = arith.constant 0 : i32
    %dma_wait3A_130 = tpu.memref_slice %arg9[%dma_wait3A_126, %dma_wait3A_128, %dma_wait3A_129] : memref<6x128x64xf32, #tpu.memory_space<vmem>> -> memref<1x128x64xf32, #tpu.memory_space<vmem>>
    %dma_wait3A_131 = tpu.memref_squeeze %dma_wait3A_130 : memref<1x128x64xf32, #tpu.memory_space<vmem>> -> memref<128x64xf32, #tpu.memory_space<vmem>>
    %dma_wait3A_132 = arith.constant 0 : i32
    %dma_wait3A_133 = tpu.memref_slice %arg8[%dma_wait3A_127, %dma_wait3A_132] : memref<150x128xi32, #tpu.memory_space<vmem>> -> memref<1x128xi32, #tpu.memory_space<vmem>>
    %dma_wait3A_134 = tpu.memref_squeeze %dma_wait3A_133 : memref<1x128xi32, #tpu.memory_space<vmem>> -> memref<128xi32, #tpu.memory_space<vmem>>
    %dma_wait3A_135 = arith.constant 0 : i32
    %dma_wait3A_136 = arith.constant 0 : i32
    %dma_wait3A_137 = tpu.memref_slice %arg10[%dma_wait3A_135, %dma_wait3A_136] : memref<10112x64xf32, #tpu.memory_space<vmem_shared>> -> memref<10112x64xf32, #tpu.memory_space<vmem_shared>>
    tpu.wait_indirect_dma semaphore(%arg12 : memref<!tpu.dma_semaphore, #tpu.memory_space<semaphore_mem>>) src(%dma_wait3A_131 : memref<128x64xf32, #tpu.memory_space<vmem>>) dst(%dma_wait3A_137 : memref<10112x64xf32, #tpu.memory_space<vmem_shared>>)
    %dma_wait3A_138 = arith.constant 4 : i32
    %dma_wait3A_139 = arith.constant 0 : i32
    %dma_wait3A_140 = arith.constant 0 : i32
    %dma_wait3A_141 = arith.constant 0 : i32
    %dma_wait3A_142 = tpu.memref_slice %arg9[%dma_wait3A_138, %dma_wait3A_140, %dma_wait3A_141] : memref<6x128x64xf32, #tpu.memory_space<vmem>> -> memref<1x128x64xf32, #tpu.memory_space<vmem>>
    %dma_wait3A_143 = tpu.memref_squeeze %dma_wait3A_142 : memref<1x128x64xf32, #tpu.memory_space<vmem>> -> memref<128x64xf32, #tpu.memory_space<vmem>>
    %dma_wait3A_144 = arith.constant 0 : i32
    %dma_wait3A_145 = tpu.memref_slice %arg8[%dma_wait3A_139, %dma_wait3A_144] : memref<150x128xi32, #tpu.memory_space<vmem>> -> memref<1x128xi32, #tpu.memory_space<vmem>>
    %dma_wait3A_146 = tpu.memref_squeeze %dma_wait3A_145 : memref<1x128xi32, #tpu.memory_space<vmem>> -> memref<128xi32, #tpu.memory_space<vmem>>
    %dma_wait3A_147 = arith.constant 0 : i32
    %dma_wait3A_148 = arith.constant 0 : i32
    %dma_wait3A_149 = tpu.memref_slice %arg10[%dma_wait3A_147, %dma_wait3A_148] : memref<10112x64xf32, #tpu.memory_space<vmem_shared>> -> memref<10112x64xf32, #tpu.memory_space<vmem_shared>>
    tpu.wait_indirect_dma semaphore(%arg12 : memref<!tpu.dma_semaphore, #tpu.memory_space<semaphore_mem>>) src(%dma_wait3A_143 : memref<128x64xf32, #tpu.memory_space<vmem>>) dst(%dma_wait3A_149 : memref<10112x64xf32, #tpu.memory_space<vmem_shared>>)
    %dma_wait3A_150 = arith.constant 5 : i32
    %dma_wait3A_151 = arith.constant 0 : i32
    %dma_wait3A_152 = arith.constant 0 : i32
    %dma_wait3A_153 = arith.constant 0 : i32
    %dma_wait3A_154 = tpu.memref_slice %arg9[%dma_wait3A_150, %dma_wait3A_152, %dma_wait3A_153] : memref<6x128x64xf32, #tpu.memory_space<vmem>> -> memref<1x128x64xf32, #tpu.memory_space<vmem>>
    %dma_wait3A_155 = tpu.memref_squeeze %dma_wait3A_154 : memref<1x128x64xf32, #tpu.memory_space<vmem>> -> memref<128x64xf32, #tpu.memory_space<vmem>>
    %dma_wait3A_156 = arith.constant 0 : i32
    %dma_wait3A_157 = tpu.memref_slice %arg8[%dma_wait3A_151, %dma_wait3A_156] : memref<150x128xi32, #tpu.memory_space<vmem>> -> memref<1x128xi32, #tpu.memory_space<vmem>>
    %dma_wait3A_158 = tpu.memref_squeeze %dma_wait3A_157 : memref<1x128xi32, #tpu.memory_space<vmem>> -> memref<128xi32, #tpu.memory_space<vmem>>
    %dma_wait3A_159 = arith.constant 0 : i32
    %dma_wait3A_160 = arith.constant 0 : i32
    %dma_wait3A_161 = tpu.memref_slice %arg10[%dma_wait3A_159, %dma_wait3A_160] : memref<10112x64xf32, #tpu.memory_space<vmem_shared>> -> memref<10112x64xf32, #tpu.memory_space<vmem_shared>>
    tpu.wait_indirect_dma semaphore(%arg12 : memref<!tpu.dma_semaphore, #tpu.memory_space<semaphore_mem>>) src(%dma_wait3A_155 : memref<128x64xf32, #tpu.memory_space<vmem>>) dst(%dma_wait3A_161 : memref<10112x64xf32, #tpu.memory_space<vmem_shared>>)
    %barrier3A_162 = arith.constant 0 : index
    tpu.barrier barrier_id(%barrier3A_162)
    %mul3A_163 = arith.constant 632 : i32
    %mul3A_164 = arith.muli %arg1, %mul3A_163 : i32
    %mul3A_165 = arith.constant 632 : i32
    %mul3A_166 = arith.muli %arg1, %mul3A_165 : i32
    "tpu.region"() ({
      %run_scoped3A = tpu.sem_alloc : memref<!tpu.dma_semaphore, #tpu.memory_space<semaphore_mem>>
      %dma_start3A_167 = arith.constant 0 : i32
      %dma_start3A_168 = arith.constant 0 : i32
      %dma_start3A_169 = tpu.memref_slice %arg6[%arg0, %dma_start3A_167, %dma_start3A_168] : memref<2x10112x64xf32, #tpu.memory_space<hbm>> -> memref<1x10112x64xf32, #tpu.memory_space<hbm>>
      %dma_start3A_170 = tpu.memref_squeeze %dma_start3A_169 : memref<1x10112x64xf32, #tpu.memory_space<hbm>> -> memref<10112x64xf32, #tpu.memory_space<hbm>>
      %dma_start3A_171 = arith.constant 0 : i32
      %dma_start3A_172 = tpu.memref_slice %dma_start3A_170[%mul3A_166, %dma_start3A_171] : memref<10112x64xf32, #tpu.memory_space<hbm>> -> memref<632x64xf32, #tpu.memory_space<hbm>>
      %dma_start3A_173 = arith.constant 0 : i32
      %dma_start3A_174 = tpu.memref_slice %arg10[%mul3A_164, %dma_start3A_173] : memref<10112x64xf32, #tpu.memory_space<vmem_shared>> -> memref<632x64xf32, #tpu.memory_space<vmem_shared>>
      tpu.enqueue_dma source(%dma_start3A_174 : memref<632x64xf32, #tpu.memory_space<vmem_shared>>) target(%dma_start3A_172 : memref<632x64xf32, #tpu.memory_space<hbm>>) target_semaphore(%run_scoped3A : memref<!tpu.dma_semaphore, #tpu.memory_space<semaphore_mem>>)
      %dma_wait3A_175 = arith.constant 0 : i32
      %dma_wait3A_176 = arith.constant 0 : i32
      %dma_wait3A_177 = tpu.memref_slice %arg6[%arg0, %dma_wait3A_175, %dma_wait3A_176] : memref<2x10112x64xf32, #tpu.memory_space<hbm>> -> memref<1x10112x64xf32, #tpu.memory_space<hbm>>
      %dma_wait3A_178 = tpu.memref_squeeze %dma_wait3A_177 : memref<1x10112x64xf32, #tpu.memory_space<hbm>> -> memref<10112x64xf32, #tpu.memory_space<hbm>>
      %dma_wait3A_179 = arith.constant 0 : i32
      %dma_wait3A_180 = tpu.memref_slice %dma_wait3A_178[%mul3A_166, %dma_wait3A_179] : memref<10112x64xf32, #tpu.memory_space<hbm>> -> memref<632x64xf32, #tpu.memory_space<hbm>>
      %dma_wait3A_181 = arith.constant 0 : i32
      %dma_wait3A_182 = tpu.memref_slice %arg10[%mul3A_164, %dma_wait3A_181] : memref<10112x64xf32, #tpu.memory_space<vmem_shared>> -> memref<632x64xf32, #tpu.memory_space<vmem_shared>>
      tpu.wait_dma2 semaphore(%run_scoped3A : memref<!tpu.dma_semaphore, #tpu.memory_space<semaphore_mem>>) src(%dma_wait3A_182 : memref<632x64xf32, #tpu.memory_space<vmem_shared>>) dst(%dma_wait3A_180 : memref<632x64xf32, #tpu.memory_space<hbm>>)
      tpu.yield
    }) : () -> ()
    return
  }
}

module attributes {stable_mosaic.version = 14 : i64} {
  func.func @_dinv_body(%arg0: memref<32x80x128xf32, #tpu.memory_space<vmem>>, %arg1: memref<80x128xf32, #tpu.memory_space<vmem>>) attributes {dimension_semantics = [], scalar_prefetch = 0 : i64, scratch_operands = 0 : i64, tpu.core_type = #tpu.core_type<tc>} {
    %get3A = arith.constant 0 : index
    %get3A_0 = arith.constant 0 : index
    %get3A_1 = arith.constant 0 : index
    %get3A_2 = vector.load %arg0[%get3A, %get3A_0, %get3A_1] : memref<32x80x128xf32, #tpu.memory_space<vmem>>, vector<32x80x128xf32>
    %reduce_sum3A = arith.constant dense<0.000000e+00> : vector<80x128xf32>
    %reduce_sum3A_3 = vector.multi_reduction <add>, %get3A_2, %reduce_sum3A [0] : vector<32x80x128xf32> to vector<80x128xf32>
    %add3A = arith.constant 1.000000e+00 : f32
    %add3A_4 = vector.broadcast %add3A : f32 to vector<80x128xf32>
    %add3A_5 = arith.addf %reduce_sum3A_3, %add3A_4 : vector<80x128xf32>
    %rsqrt3A = math.rsqrt %add3A_5 : vector<80x128xf32>
    %swap3A = arith.constant 0 : index
    %swap3A_6 = arith.constant 0 : index
    %swap3A_7 = vector.load %arg1[%swap3A, %swap3A_6] : memref<80x128xf32, #tpu.memory_space<vmem>>, vector<80x128xf32>
    tpu.vector_store %arg1[%swap3A, %swap3A_6], %rsqrt3A {strides = array<i32>} : memref<80x128xf32, #tpu.memory_space<vmem>>, vector<80x128xf32>,
    return
  }
}

module attributes {stable_mosaic.version = 14 : i64} {
  func.func @_hs1_body(%arg0: i32, %arg1: memref<512x128xf32, #tpu.memory_space<vmem>>, %arg2: memref<128x128xf32, #tpu.memory_space<vmem>>, %arg3: memref<512x1xf32, #tpu.memory_space<vmem>>, %arg4: memref<512x64xf32, #tpu.memory_space<vmem>>, %arg5: memref<512x64xf32, #tpu.memory_space<vmem>>) attributes {dimension_semantics = [#tpu.dimension_semantics<arbitrary>], iteration_bounds = array<i64: 20>, scalar_prefetch = 0 : i64, scratch_operands = 0 : i64, tpu.core_type = #tpu.core_type<tc>, window_params = [{transform_indices = @transform_0, window_bounds = array<i64: 512, 128>}, {pipeline_mode = #tpu.pipeline_mode<synchronous>, transform_indices = @transform_1, window_bounds = array<i64: 128, 128>}, {transform_indices = @transform_2, window_bounds = array<i64: 512, 1>}, {transform_indices = @transform_3, window_bounds = array<i64: 512, 64>}, {transform_indices = @transform_4, window_bounds = array<i64: 512, 64>}]} {
    %get3A = arith.constant 0 : index
    %get3A_0 = arith.constant 0 : index
    %get3A_1 = vector.load %arg1[%get3A, %get3A_0] : memref<512x128xf32, #tpu.memory_space<vmem>>, vector<512x128xf32>
    %get3A_2 = arith.constant 0 : index
    %get3A_3 = arith.constant 0 : index
    %get3A_4 = vector.load %arg2[%get3A_2, %get3A_3] : memref<128x128xf32, #tpu.memory_space<vmem>>, vector<128x128xf32>
    %dot_general3A = arith.constant dense<0.000000e+00> : vector<512x128xf32>
    %dot_general3A_5 = tpu.matmul %get3A_1, %get3A_4, %dot_general3A {dimension_numbers = #tpu.dot_dimension_numbers<[1], [0], [0], [1], [0, 0, 1, 1], [], []>, transpose_lhs_hint = false} : vector<512x128xf32>, vector<128x128xf32>, vector<512x128xf32> -> vector<512x128xf32>
    %get3A_6 = arith.constant 0 : index
    %get3A_7 = arith.constant 0 : index
    %get3A_8 = vector.load %arg3[%get3A_6, %get3A_7] : memref<512x1xf32, #tpu.memory_space<vmem>>, vector<512x1xf32>
    %mul3A = vector.broadcast %get3A_8 : vector<512x1xf32> to vector<512x128xf32>
    %mul3A_9 = arith.mulf %dot_general3A_5, %mul3A : vector<512x128xf32>
    %slice3A = vector.extract_strided_slice %mul3A_9 {offsets = [0, 0], sizes = [512, 64], strides = [1, 1]} : vector<512x128xf32> to vector<512x64xf32>
    %swap3A = arith.constant 0 : index
    %swap3A_10 = arith.constant 0 : index
    %swap3A_11 = vector.load %arg4[%swap3A, %swap3A_10] : memref<512x64xf32, #tpu.memory_space<vmem>>, vector<512x64xf32>
    tpu.vector_store %arg4[%swap3A, %swap3A_10], %slice3A {strides = array<i32>} : memref<512x64xf32, #tpu.memory_space<vmem>>, vector<512x64xf32>,
    %slice3A_12 = vector.extract_strided_slice %mul3A_9 {offsets = [0, 64], sizes = [512, 64], strides = [1, 1]} : vector<512x128xf32> to vector<512x64xf32>
    %swap3A_13 = arith.constant 0 : index
    %swap3A_14 = arith.constant 0 : index
    %swap3A_15 = vector.load %arg5[%swap3A_13, %swap3A_14] : memref<512x64xf32, #tpu.memory_space<vmem>>, vector<512x64xf32>
    tpu.vector_store %arg5[%swap3A_13, %swap3A_14], %slice3A_12 {strides = array<i32>} : memref<512x64xf32, #tpu.memory_space<vmem>>, vector<512x64xf32>,
    return
  }
  func.func @transform_0(%arg0: i32) -> (i32, i32) {
    %c0_i32 = arith.constant 0 : i32
    %c0_i32_0 = arith.constant 0 : i32
    return %arg0, %c0_i32 : i32, i32
  }
  func.func @transform_1(%arg0: i32) -> (i32, i32) {
    %c0_i32 = arith.constant 0 : i32
    %c0_i32_0 = arith.constant 0 : i32
    %c0_i32_1 = arith.constant 0 : i32
    return %c0_i32, %c0_i32_0 : i32, i32
  }
  func.func @transform_2(%arg0: i32) -> (i32, i32) {
    %c0_i32 = arith.constant 0 : i32
    %c0_i32_0 = arith.constant 0 : i32
    return %arg0, %c0_i32 : i32, i32
  }
  func.func @transform_3(%arg0: i32) -> (i32, i32) {
    %c0_i32 = arith.constant 0 : i32
    %c0_i32_0 = arith.constant 0 : i32
    return %arg0, %c0_i32 : i32, i32
  }
  func.func @transform_4(%arg0: i32) -> (i32, i32) {
    %c0_i32 = arith.constant 0 : i32
    %c0_i32_0 = arith.constant 0 : i32
    return %arg0, %c0_i32 : i32, i32
  }
}

module attributes {stable_mosaic.version = 14 : i64} {
  func.func @_z_body(%arg0: i32, %arg1: memref<1x512x64xf32, #tpu.memory_space<vmem>>, %arg2: memref<1x512x64xf32, #tpu.memory_space<vmem>>, %arg3: memref<512x64xf32, #tpu.memory_space<vmem>>, %arg4: memref<512x1xf32, #tpu.memory_space<vmem>>, %arg5: memref<1x64xf32, #tpu.memory_space<vmem>>, %arg6: memref<512x64xf32, #tpu.memory_space<vmem>>) attributes {dimension_semantics = [#tpu.dimension_semantics<arbitrary>], iteration_bounds = array<i64: 20>, scalar_prefetch = 0 : i64, scratch_operands = 0 : i64, tpu.core_type = #tpu.core_type<tc>, window_params = [{transform_indices = @transform_0, window_bounds = array<i64: 1, 512, 64>}, {transform_indices = @transform_1, window_bounds = array<i64: 1, 512, 64>}, {transform_indices = @transform_2, window_bounds = array<i64: 512, 64>}, {transform_indices = @transform_3, window_bounds = array<i64: 512, 1>}, {pipeline_mode = #tpu.pipeline_mode<synchronous>, transform_indices = @transform_4, window_bounds = array<i64: 1, 64>}, {transform_indices = @transform_5, window_bounds = array<i64: 512, 64>}]} {
    %get3A = arith.constant 0 : index
    %get3A_0 = arith.constant 0 : index
    %get3A_1 = arith.constant 0 : index
    %get3A_2 = vector.load %arg1[%get3A, %get3A_0, %get3A_1] : memref<1x512x64xf32, #tpu.memory_space<vmem>>, vector<1x512x64xf32>
    %get3A_3 = vector.shape_cast %get3A_2 : vector<1x512x64xf32> to vector<512x64xf32>
    %get3A_4 = arith.constant 0 : index
    %get3A_5 = arith.constant 0 : index
    %get3A_6 = arith.constant 0 : index
    %get3A_7 = vector.load %arg2[%get3A_4, %get3A_5, %get3A_6] : memref<1x512x64xf32, #tpu.memory_space<vmem>>, vector<1x512x64xf32>
    %get3A_8 = vector.shape_cast %get3A_7 : vector<1x512x64xf32> to vector<512x64xf32>
    %add3A = arith.addf %get3A_3, %get3A_8 : vector<512x64xf32>
    %get3A_9 = arith.constant 0 : index
    %get3A_10 = arith.constant 0 : index
    %get3A_11 = vector.load %arg3[%get3A_9, %get3A_10] : memref<512x64xf32, #tpu.memory_space<vmem>>, vector<512x64xf32>
    %add3A_12 = arith.addf %add3A, %get3A_11 : vector<512x64xf32>
    %get3A_13 = arith.constant 0 : index
    %get3A_14 = arith.constant 0 : index
    %get3A_15 = vector.load %arg4[%get3A_13, %get3A_14] : memref<512x1xf32, #tpu.memory_space<vmem>>, vector<512x1xf32>
    %mul3A = vector.broadcast %get3A_15 : vector<512x1xf32> to vector<512x64xf32>
    %mul3A_16 = arith.mulf %add3A_12, %mul3A : vector<512x64xf32>
    %get3A_17 = arith.constant 0 : index
    %get3A_18 = arith.constant 0 : index
    %get3A_19 = vector.load %arg5[%get3A_17, %get3A_18] : memref<1x64xf32, #tpu.memory_space<vmem>>, vector<1x64xf32>
    %add3A_20 = vector.broadcast %get3A_19 : vector<1x64xf32> to vector<512x64xf32>
    %add3A_21 = arith.addf %mul3A_16, %add3A_20 : vector<512x64xf32>
    %swap3A = arith.constant 0 : index
    %swap3A_22 = arith.constant 0 : index
    %swap3A_23 = vector.load %arg6[%swap3A, %swap3A_22] : memref<512x64xf32, #tpu.memory_space<vmem>>, vector<512x64xf32>
    tpu.vector_store %arg6[%swap3A, %swap3A_22], %add3A_21 {strides = array<i32>} : memref<512x64xf32, #tpu.memory_space<vmem>>, vector<512x64xf32>,
    return
  }
  func.func @transform_0(%arg0: i32) -> (i32, i32, i32) {
    %c0_i32 = arith.constant 0 : i32
    %c0_i32_0 = arith.constant 0 : i32
    %c0_i32_1 = arith.constant 0 : i32
    return %c0_i32, %arg0, %c0_i32_0 : i32, i32, i32
  }
  func.func @transform_1(%arg0: i32) -> (i32, i32, i32) {
    %c1_i32 = arith.constant 1 : i32
    %c0_i32 = arith.constant 0 : i32
    %c0_i32_0 = arith.constant 0 : i32
    return %c1_i32, %arg0, %c0_i32 : i32, i32, i32
  }
  func.func @transform_2(%arg0: i32) -> (i32, i32) {
    %c0_i32 = arith.constant 0 : i32
    %c0_i32_0 = arith.constant 0 : i32
    return %arg0, %c0_i32 : i32, i32
  }
  func.func @transform_3(%arg0: i32) -> (i32, i32) {
    %c0_i32 = arith.constant 0 : i32
    %c0_i32_0 = arith.constant 0 : i32
    return %arg0, %c0_i32 : i32, i32
  }
  func.func @transform_4(%arg0: i32) -> (i32, i32) {
    %c0_i32 = arith.constant 0 : i32
    %c0_i32_0 = arith.constant 0 : i32
    %c0_i32_1 = arith.constant 0 : i32
    return %c0_i32, %c0_i32_0 : i32, i32
  }
  func.func @transform_5(%arg0: i32) -> (i32, i32) {
    %c0_i32 = arith.constant 0 : i32
    %c0_i32_0 = arith.constant 0 : i32
    return %arg0, %c0_i32 : i32, i32
  }
}

module attributes {stable_mosaic.version = 14 : i64} {
  func.func @_hs2_body(%arg0: i32, %arg1: memref<1x512x64xf32, #tpu.memory_space<vmem>>, %arg2: memref<1x512x64xf32, #tpu.memory_space<vmem>>, %arg3: memref<1x512x64xf32, #tpu.memory_space<vmem>>, %arg4: memref<1x512x64xf32, #tpu.memory_space<vmem>>, %arg5: memref<512x64xf32, #tpu.memory_space<vmem>>, %arg6: memref<512x64xf32, #tpu.memory_space<vmem>>, %arg7: memref<512x1xf32, #tpu.memory_space<vmem>>, %arg8: memref<1x128xf32, #tpu.memory_space<vmem>>, %arg9: memref<128x64xf32, #tpu.memory_space<vmem>>, %arg10: memref<512x64xf32, #tpu.memory_space<vmem>>) attributes {dimension_semantics = [#tpu.dimension_semantics<arbitrary>], iteration_bounds = array<i64: 20>, scalar_prefetch = 0 : i64, scratch_operands = 0 : i64, tpu.core_type = #tpu.core_type<tc>, window_params = [{transform_indices = @transform_0, window_bounds = array<i64: 1, 512, 64>}, {transform_indices = @transform_1, window_bounds = array<i64: 1, 512, 64>}, {transform_indices = @transform_2, window_bounds = array<i64: 1, 512, 64>}, {transform_indices = @transform_3, window_bounds = array<i64: 1, 512, 64>}, {transform_indices = @transform_4, window_bounds = array<i64: 512, 64>}, {transform_indices = @transform_5, window_bounds = array<i64: 512, 64>}, {transform_indices = @transform_6, window_bounds = array<i64: 512, 1>}, {pipeline_mode = #tpu.pipeline_mode<synchronous>, transform_indices = @transform_7, window_bounds = array<i64: 1, 128>}, {pipeline_mode = #tpu.pipeline_mode<synchronous>, transform_indices = @transform_8, window_bounds = array<i64: 128, 64>}, {transform_indices = @transform_9, window_bounds = array<i64: 512, 64>}]} {
    %get3A = arith.constant 0 : index
    %get3A_0 = arith.constant 0 : index
    %get3A_1 = vector.load %arg7[%get3A, %get3A_0] : memref<512x1xf32, #tpu.memory_space<vmem>>, vector<512x1xf32>
    %get3A_2 = arith.constant 0 : index
    %get3A_3 = arith.constant 0 : index
    %get3A_4 = arith.constant 0 : index
    %get3A_5 = vector.load %arg1[%get3A_2, %get3A_3, %get3A_4] : memref<1x512x64xf32, #tpu.memory_space<vmem>>, vector<1x512x64xf32>
    %get3A_6 = vector.shape_cast %get3A_5 : vector<1x512x64xf32> to vector<512x64xf32>
    %get3A_7 = arith.constant 0 : index
    %get3A_8 = arith.constant 0 : index
    %get3A_9 = arith.constant 0 : index
    %get3A_10 = vector.load %arg2[%get3A_7, %get3A_8, %get3A_9] : memref<1x512x64xf32, #tpu.memory_space<vmem>>, vector<1x512x64xf32>
    %get3A_11 = vector.shape_cast %get3A_10 : vector<1x512x64xf32> to vector<512x64xf32>
    %add3A = arith.addf %get3A_6, %get3A_11 : vector<512x64xf32>
    %get3A_12 = arith.constant 0 : index
    %get3A_13 = arith.constant 0 : index
    %get3A_14 = vector.load %arg5[%get3A_12, %get3A_13] : memref<512x64xf32, #tpu.memory_space<vmem>>, vector<512x64xf32>
    %add3A_15 = arith.addf %add3A, %get3A_14 : vector<512x64xf32>
    %mul3A = vector.broadcast %get3A_1 : vector<512x1xf32> to vector<512x64xf32>
    %mul3A_16 = arith.mulf %add3A_15, %mul3A : vector<512x64xf32>
    %get3A_17 = arith.constant 0 : index
    %get3A_18 = arith.constant 0 : index
    %get3A_19 = vector.load %arg8[%get3A_17, %get3A_18] : memref<1x128xf32, #tpu.memory_space<vmem>>, vector<1x64xf32>
    %add3A_20 = vector.broadcast %get3A_19 : vector<1x64xf32> to vector<512x64xf32>
    %add3A_21 = arith.addf %mul3A_16, %add3A_20 : vector<512x64xf32>
    %get3A_22 = arith.constant 0 : index
    %get3A_23 = arith.constant 0 : index
    %get3A_24 = arith.constant 0 : index
    %get3A_25 = vector.load %arg3[%get3A_22, %get3A_23, %get3A_24] : memref<1x512x64xf32, #tpu.memory_space<vmem>>, vector<1x512x64xf32>
    %get3A_26 = vector.shape_cast %get3A_25 : vector<1x512x64xf32> to vector<512x64xf32>
    %get3A_27 = arith.constant 0 : index
    %get3A_28 = arith.constant 0 : index
    %get3A_29 = arith.constant 0 : index
    %get3A_30 = vector.load %arg4[%get3A_27, %get3A_28, %get3A_29] : memref<1x512x64xf32, #tpu.memory_space<vmem>>, vector<1x512x64xf32>
    %get3A_31 = vector.shape_cast %get3A_30 : vector<1x512x64xf32> to vector<512x64xf32>
    %add3A_32 = arith.addf %get3A_26, %get3A_31 : vector<512x64xf32>
    %get3A_33 = arith.constant 0 : index
    %get3A_34 = arith.constant 0 : index
    %get3A_35 = vector.load %arg6[%get3A_33, %get3A_34] : memref<512x64xf32, #tpu.memory_space<vmem>>, vector<512x64xf32>
    %add3A_36 = arith.addf %add3A_32, %get3A_35 : vector<512x64xf32>
    %mul3A_37 = vector.broadcast %get3A_1 : vector<512x1xf32> to vector<512x64xf32>
    %mul3A_38 = arith.mulf %add3A_36, %mul3A_37 : vector<512x64xf32>
    %get3A_39 = arith.constant 0 : index
    %get3A_40 = arith.constant 64 : index
    %get3A_41 = vector.load %arg8[%get3A_39, %get3A_40] : memref<1x128xf32, #tpu.memory_space<vmem>>, vector<1x64xf32>
    %add3A_42 = vector.broadcast %get3A_41 : vector<1x64xf32> to vector<512x64xf32>
    %add3A_43 = arith.addf %mul3A_38, %add3A_42 : vector<512x64xf32>
    %max3A = arith.constant 0.000000e+00 : f32
    %max3A_44 = vector.broadcast %max3A : f32 to vector<512x64xf32>
    %max3A_45 = arith.maximumf %add3A_21, %max3A_44 : vector<512x64xf32>
    %max3A_46 = arith.constant 0.000000e+00 : f32
    %max3A_47 = vector.broadcast %max3A_46 : f32 to vector<512x64xf32>
    %max3A_48 = arith.maximumf %add3A_43, %max3A_47 : vector<512x64xf32>
    %get3A_49 = arith.constant 0 : index
    %get3A_50 = arith.constant 0 : index
    %get3A_51 = vector.load %arg9[%get3A_49, %get3A_50] : memref<128x64xf32, #tpu.memory_space<vmem>>, vector<64x64xf32>
    %dot_general3A = arith.constant dense<0.000000e+00> : vector<512x64xf32>
    %dot_general3A_52 = tpu.matmul %max3A_45, %get3A_51, %dot_general3A {dimension_numbers = #tpu.dot_dimension_numbers<[1], [0], [0], [1], [0, 0, 1, 1], [], []>, transpose_lhs_hint = false} : vector<512x64xf32>, vector<64x64xf32>, vector<512x64xf32> -> vector<512x64xf32>
    %get3A_53 = arith.constant 64 : index
    %get3A_54 = arith.constant 0 : index
    %get3A_55 = vector.load %arg9[%get3A_53, %get3A_54] : memref<128x64xf32, #tpu.memory_space<vmem>>, vector<64x64xf32>
    %dot_general3A_56 = arith.constant dense<0.000000e+00> : vector<512x64xf32>
    %dot_general3A_57 = tpu.matmul %max3A_48, %get3A_55, %dot_general3A_56 {dimension_numbers = #tpu.dot_dimension_numbers<[1], [0], [0], [1], [0, 0, 1, 1], [], []>, transpose_lhs_hint = false} : vector<512x64xf32>, vector<64x64xf32>, vector<512x64xf32> -> vector<512x64xf32>
    %add3A_58 = arith.addf %dot_general3A_52, %dot_general3A_57 : vector<512x64xf32>
    %mul3A_59 = vector.broadcast %get3A_1 : vector<512x1xf32> to vector<512x64xf32>
    %mul3A_60 = arith.mulf %add3A_58, %mul3A_59 : vector<512x64xf32>
    %swap3A = arith.constant 0 : index
    %swap3A_61 = arith.constant 0 : index
    %swap3A_62 = vector.load %arg10[%swap3A, %swap3A_61] : memref<512x64xf32, #tpu.memory_space<vmem>>, vector<512x64xf32>
    tpu.vector_store %arg10[%swap3A, %swap3A_61], %mul3A_60 {strides = array<i32>} : memref<512x64xf32, #tpu.memory_space<vmem>>, vector<512x64xf32>,
    return
  }
  func.func @transform_0(%arg0: i32) -> (i32, i32, i32) {
    %c0_i32 = arith.constant 0 : i32
    %c0_i32_0 = arith.constant 0 : i32
    %c0_i32_1 = arith.constant 0 : i32
    return %c0_i32, %arg0, %c0_i32_0 : i32, i32, i32
  }
  func.func @transform_1(%arg0: i32) -> (i32, i32, i32) {
    %c1_i32 = arith.constant 1 : i32
    %c0_i32 = arith.constant 0 : i32
    %c0_i32_0 = arith.constant 0 : i32
    return %c1_i32, %arg0, %c0_i32 : i32, i32, i32
  }
  func.func @transform_2(%arg0: i32) -> (i32, i32, i32) {
    %c0_i32 = arith.constant 0 : i32
    %c0_i32_0 = arith.constant 0 : i32
    %c0_i32_1 = arith.constant 0 : i32
    return %c0_i32, %arg0, %c0_i32_0 : i32, i32, i32
  }
  func.func @transform_3(%arg0: i32) -> (i32, i32, i32) {
    %c1_i32 = arith.constant 1 : i32
    %c0_i32 = arith.constant 0 : i32
    %c0_i32_0 = arith.constant 0 : i32
    return %c1_i32, %arg0, %c0_i32 : i32, i32, i32
  }
  func.func @transform_4(%arg0: i32) -> (i32, i32) {
    %c0_i32 = arith.constant 0 : i32
    %c0_i32_0 = arith.constant 0 : i32
    return %arg0, %c0_i32 : i32, i32
  }
  func.func @transform_5(%arg0: i32) -> (i32, i32) {
    %c0_i32 = arith.constant 0 : i32
    %c0_i32_0 = arith.constant 0 : i32
    return %arg0, %c0_i32 : i32, i32
  }
  func.func @transform_6(%arg0: i32) -> (i32, i32) {
    %c0_i32 = arith.constant 0 : i32
    %c0_i32_0 = arith.constant 0 : i32
    return %arg0, %c0_i32 : i32, i32
  }
  func.func @transform_7(%arg0: i32) -> (i32, i32) {
    %c0_i32 = arith.constant 0 : i32
    %c0_i32_0 = arith.constant 0 : i32
    %c0_i32_1 = arith.constant 0 : i32
    return %c0_i32, %c0_i32_0 : i32, i32
  }
  func.func @transform_8(%arg0: i32) -> (i32, i32) {
    %c0_i32 = arith.constant 0 : i32
    %c0_i32_0 = arith.constant 0 : i32
    %c0_i32_1 = arith.constant 0 : i32
    return %c0_i32, %c0_i32_0 : i32, i32
  }
  func.func @transform_9(%arg0: i32) -> (i32, i32) {
    %c0_i32 = arith.constant 0 : i32
    %c0_i32_0 = arith.constant 0 : i32
    return %arg0, %c0_i32 : i32, i32
  }
}

module attributes {stable_mosaic.version = 14 : i64} {
  func.func @_adj_body(%arg0: i32, %arg1: i32, %arg2: memref<512x64xf32, #tpu.memory_space<vmem>>, %arg3: memref<4096x64xf32, #tpu.memory_space<vmem>>, %arg4: memref<512x4096xf32, #tpu.memory_space<vmem>>) attributes {dimension_semantics = [#tpu.dimension_semantics<parallel>, #tpu.dimension_semantics<parallel>], iteration_bounds = array<i64: 20, 3>, scalar_prefetch = 0 : i64, scratch_operands = 0 : i64, tpu.core_type = #tpu.core_type<tc>, window_params = [{transform_indices = @transform_0, window_bounds = array<i64: 512, 64>}, {transform_indices = @transform_1, window_bounds = array<i64: 4096, 64>}, {transform_indices = @transform_2, window_bounds = array<i64: 512, 4096>}]} {
    %get3A = arith.constant 0 : index
    %get3A_0 = arith.constant 0 : index
    %get3A_1 = vector.load %arg2[%get3A, %get3A_0] : memref<512x64xf32, #tpu.memory_space<vmem>>, vector<512x64xf32>
    %get3A_2 = arith.constant 0 : index
    %get3A_3 = arith.constant 0 : index
    %get3A_4 = vector.load %arg3[%get3A_2, %get3A_3] : memref<4096x64xf32, #tpu.memory_space<vmem>>, vector<4096x64xf32>
    %dot_general3A = arith.constant dense<0.000000e+00> : vector<512x4096xf32>
    %dot_general3A_5 = tpu.matmul %get3A_1, %get3A_4, %dot_general3A {dimension_numbers = #tpu.dot_dimension_numbers<[1], [1], [0], [0], [0, 0, 1, 0], [], []>, transpose_lhs_hint = false} : vector<512x64xf32>, vector<4096x64xf32>, vector<512x4096xf32> -> vector<512x4096xf32>
    %mul3A = arith.constant 5.000000e-01 : f32
    %mul3A_6 = vector.broadcast %mul3A : f32 to vector<512x4096xf32>
    %mul3A_7 = arith.mulf %mul3A_6, %dot_general3A_5 : vector<512x4096xf32>
    %tanh3A = math.tanh %mul3A_7 : vector<512x4096xf32>
    %mul3A_8 = arith.constant 5.000000e-01 : f32
    %mul3A_9 = vector.broadcast %mul3A_8 : f32 to vector<512x4096xf32>
    %mul3A_10 = arith.mulf %mul3A_9, %tanh3A : vector<512x4096xf32>
    %add3A = arith.constant 5.000000e-01 : f32
    %add3A_11 = vector.broadcast %add3A : f32 to vector<512x4096xf32>
    %add3A_12 = arith.addf %mul3A_10, %add3A_11 : vector<512x4096xf32>
    %swap3A = arith.constant 0 : index
    %swap3A_13 = arith.constant 0 : index
    %swap3A_14 = vector.load %arg4[%swap3A, %swap3A_13] : memref<512x4096xf32, #tpu.memory_space<vmem>>, vector<512x4096xf32>
    tpu.vector_store %arg4[%swap3A, %swap3A_13], %add3A_12 {strides = array<i32>} : memref<512x4096xf32, #tpu.memory_space<vmem>>, vector<512x4096xf32>,
    return
  }
  func.func @transform_0(%arg0: i32, %arg1: i32) -> (i32, i32) {
    %c0_i32 = arith.constant 0 : i32
    %c0_i32_0 = arith.constant 0 : i32
    return %arg0, %c0_i32 : i32, i32
  }
  func.func @transform_1(%arg0: i32, %arg1: i32) -> (i32, i32) {
    %c0_i32 = arith.constant 0 : i32
    %c0_i32_0 = arith.constant 0 : i32
    return %arg1, %c0_i32 : i32, i32
  }
  func.func @transform_2(%arg0: i32, %arg1: i32) -> (i32, i32) {
    %c0_i32 = arith.constant 0 : i32
    return %arg0, %arg1 : i32, i32
  }
}

</mosaic_0001>

<sc_bundles>
// kernel: kernel.11.cloned.1.call-start
scs
__scs_entry_jumppad:
0x0: {  	(pc) =	sbr.rel $0x88, $3  }
0x1: {  	(tag) =	ssettag $0x0;
	lr =	simm.s32 $0x1  }
0x2: {  	[smem:$0x3F9B] =	sst lr;
	_ =	strace $0xD0000000  }
0x3: {  	_ = 	snop  }
0x4: {  	_ = 	snop  }
0x5: {  	_ = 	snop  }
0x6: {  	_ = 	snop  }
0x7: {  	_ = 	snop  }
__scs_overlays_trampoline_lowered:
0x8: {  	[smem:$0x3FAA] =	sst s0  }
0x9: {  	[smem:$0x3FAB] =	sst s1  }
0xa: {  	[smem:$0x3FAC] =	sst s2  }
0xb: {  	[smem:$0x3FAD] =	sst s3  }
0xc: {  	[smem:$0x3FAE] =	sst s4  }
0xd: {  	[smem:$0x3FAF] =	sst s5  }
0xe: {  	[smem:$0x3FB0] =	sst s6  }
0xf: {  	[smem:$0x3FB1] =	sst s7  }
0x10: {  	[smem:$0x3FB2] =	sst s8  }
0x11: {  	[smem:$0x3FB3] =	sst s9;
	s0 =	simm.s32 @!p0 $0x0  }
0x12: {  	s1 =	sld [smem:$0x3F99];
	s0 =	simm.s32 @p0 $0x1  }
0x13: {  	[smem:$0x3FB4] =	sst s0;
	s0 =	simm.s32 @!p1 $0x0  }
0x14: {  	s2 =	sld [smem:$0x3F98];
	s0 =	simm.s32 @p1 $0x1  }
0x15: {  	[smem:$0x3FB5] =	sst s0;
	s0 =	simm.s32 @!p2 $0x0  }
0x16: {  	s3 =	sld [smem:$0x3FDB];
	s0 =	simm.s32 @p2 $0x1  }
0x17: {  	s4 =	simm.s32 $0x1BF5;
	[smem:$0x3FB7] =	sst s0  }
0x18: {  	s0 =	sld [smem:$0x3F9A];
	_ =	swait.ge [sflag:s4], $0x0  }
0x19: {  	s7 =	sld [smem:$0x3F9B]  }
0x1a: {  	s8 =	sadd.s32 $0xFFFFE003, lr  }
0x1b: {  	s9 =	sadd.s32 $0xFFFFFEF7, lr;
	s5 =	simm.s32 $0xFFFFFFFF;
	p2 =	slt.u32 s8, $0xFFFFF086  }
0x1c: {  	p1 =	slt.u32 s9, $0xF7A;
	s5 =	simm.s32 @!p2 $0x0  }
0x1d: {  	s5 =	simm.s32 @p1 $0x1;
	p0 =	seq.s32 s7, s2  }
0x1e: {  	s7 =	smul.u32 @!p0 $0xF7A, s2;
	p2 =	seq.s32 @!p0 s5, $0x0  }
0x1f: {  	s9 =	smul.u32 $0xF7A, s1;
	s8 =	simm.s32 @!p0 $0x1BF5;
	p2 =	por !p2, p0  }
0x20: {  	[sflag:s8] =	ssyncset.s32 @!p0 $0xFFFFF086;
	s6 =	sadd.s32 @!p0 s3, s7;
	s7 =	simm.s32 @!p0 $0x108  }
0x21: {  	s3 =	sadd.s32 s3, s9;
	s6 =	sadd.s32 @!p0 $0x88, s6;
	s7 =	simm.s32 @p2 $0x1082  }
0x22: {  	[simem:s7], [sflag:s8] =	dma.local @!p0 [hbm:s6], $0xF7A  }
0x23: {  	s9 =	sor.u32 $0xD0000000, s2;
	s6 =	simm.s32 $0x108;
	_ =	swait.ge @!p0 [sflag:s8], $0x0  }
0x24: {  	s3 =	sadd.s32 $0x88, s3;
	s6 =	simm.s32 @!p1 $0x1082;
	[sflag:s4] =	ssyncset.s32 $0xFFFFF086  }
0x25: {  	[simem:s6], [sflag:s4] =	dma.local [hbm:s3], $0xF7A  }
0x26: {  	[smem:$0x3F9B] =	sst s1;
	(tag) =	ssettag s2;
	_ =	strace s9  }
0x27: {  	s1 =	sld [smem:$0x3FAB]  }
0x28: {  	s2 =	sld [smem:$0x3FAC]  }
0x29: {  	s4 =	sld [smem:$0x3FAE]  }
0x2a: {  	p0 =	seq.s32 s5, $0x0;
	s5 =	sld [smem:$0x3FAF]  }
0x2b: {  	s6 =	sld [smem:$0x3FB0]  }
0x2c: {  	s7 =	sld [smem:$0x3FB1]  }
0x2d: {  	s3 =	simm.s32 $0x108;
	s8 =	sld [smem:$0x3FB2]  }
0x2e: {  	s3 =	simm.s32 @!p0 $0x1082;
	s9 =	sld [smem:$0x3FB3]  }
0x2f: {  	lr =	sadd.s32 s0, s3;
	s0 =	sld [smem:$0x3FAA]  }
0x30: {  	s3 =	sld [smem:$0x3FAD]  }
0x31: {  	[smem:$0x3FB6] =	sst s10  }
0x32: {  	s10 =	sld [smem:$0x3FB4];
	_ =	sdelay $0x3  }
0x33: {  	p0 =	seq.s32 s10, $0x1;
	s10 =	sld [smem:$0x3FB6];
	_ =	sdelay $0x3  }
0x34: {  	[smem:$0x3FB6] =	sst s10  }
0x35: {  	s10 =	sld [smem:$0x3FB5];
	_ =	sdelay $0x3  }
0x36: {  	p1 =	seq.s32 s10, $0x1;
	s10 =	sld [smem:$0x3FB6];
	_ =	sdelay $0x3  }
0x37: {  	[smem:$0x3FB6] =	sst s10  }
0x38: {  	s10 =	sld [smem:$0x3FB7]  }
0x39: {  	_ = 	snop;
	(pc) =	sbr.ind lr, $3  }
0x3a: {  	_ = 	snop  }
0x3b: {  	_ = 	snop  }
0x3c: {  	p2 =	seq.s32 s10, $0x1;
	s10 =	sld [smem:$0x3FB6]  }
0x3d: {  	_ =	shalt  }
0x3e: {  	_ =	shalt  }
0x3f: {  	_ =	shalt  }
0x40: {  	_ =	shalt  }
0x41: {  	_ =	shalt  }
0x42: {  	_ =	shalt  }
0x43: {  	_ =	shalt  }
0x44: {  	_ =	shalt  }
0x45: {  	_ =	shalt  }
0x46: {  	_ =	shalt  }
0x47: {  	_ =	shalt  }
0x48: {  	_ =	shalt  }
0x49: {  	_ =	shalt  }
0x4a: {  	_ =	shalt  }
0x4b: {  	_ =	shalt  }
0x4c: {  	_ =	shalt  }
0x4d: {  	_ =	shalt  }
0x4e: {  	_ =	shalt  }
0x4f: {  	_ =	shalt  }
0x50: {  	_ =	shalt  }
0x51: {  	_ =	shalt  }
0x52: {  	_ =	shalt  }
0x53: {  	_ =	shalt  }
0x54: {  	_ =	shalt  }
0x55: {  	_ =	shalt  }
0x56: {  	_ =	shalt  }
0x57: {  	_ =	shalt  }
0x58: {  	_ =	shalt  }
0x59: {  	_ =	shalt  }
0x5a: {  	_ =	shalt  }
0x5b: {  	_ =	shalt  }
0x5c: {  	_ =	shalt  }
0x5d: {  	_ =	shalt  }
0x5e: {  	_ =	shalt  }
0x5f: {  	_ =	shalt  }
0x60: {  	_ =	shalt  }
0x61: {  	_ =	shalt  }
0x62: {  	_ =	shalt  }
0x63: {  	_ =	shalt  }
0x64: {  	_ =	shalt  }
0x65: {  	_ =	shalt  }
0x66: {  	_ =	shalt  }
0x67: {  	_ =	shalt  }
0x68: {  	_ =	shalt  }
0x69: {  	_ =	shalt  }
0x6a: {  	_ =	shalt  }
0x6b: {  	_ =	shalt  }
0x6c: {  	_ =	shalt  }
0x6d: {  	_ =	shalt  }
0x6e: {  	_ =	shalt  }
0x6f: {  	_ =	shalt  }
0x70: {  	_ =	shalt  }
0x71: {  	_ =	shalt  }
0x72: {  	_ =	shalt  }
0x73: {  	_ =	shalt  }
0x74: {  	_ =	shalt  }
0x75: {  	_ =	shalt  }
0x76: {  	_ =	shalt  }
0x77: {  	_ =	shalt  }
0x78: {  	_ =	shalt  }
0x79: {  	_ =	shalt  }
0x7a: {  	_ =	shalt  }
0x7b: {  	_ =	shalt  }
0x7c: {  	_ =	shalt  }
0x7d: {  	_ =	shalt  }
0x7e: {  	_ =	shalt  }
0x7f: {  	_ =	shalt  }
0x80: {  	_ =	shalt  }
0x81: {  	_ =	shalt  }
0x82: {  	_ =	shalt  }
0x83: {  	_ =	shalt  }
0x84: {  	_ =	shalt  }
0x85: {  	_ =	shalt  }
0x86: {  	_ =	shalt  }
0x87: {  	_ =	shalt  }
.Lfunc_end0:
.L_simem_size_0:
called_computation_lowered:
.L_overlay_start_0:
0x88: {  	s2 =	sld [smem:$0x3FD9]  }
0x89: {  	s3 =	sld [smem:$0x3FFE];
	_ =	sdelay $0x1  }
0x8a: {  	s1 =	srdreg.scid  }
0x8b: {  	s0 =	sand.u32 $0x1, s1  }
0x8c: {  	s15 =	sshll.u32 s0, $0xA;
	s2 =	sadd.s32 s3, s2  }
0x8d: {  	s2 =	sadd.s32 s2, s15  }
0x8e: {  	[smem:$0x3FC2] =	sst s2  }
0x8f: {  	_ = 	snop  }
0x90: {  	s2 =	sld [smem:$0x3FD0];
	_ =	sdelay $0x2  }
0x91: {  	s16 =	simm.s32 $0xB;
	s4 =	simm.s32 $0x10  }
0x92: {  	[smem:s4], [sflag:s16] =	dma.local [hbm:s2], $0x1  }
0x93: {  	_ =	swait.eq [sflag:s16], $0x1  }
0x94: {  	[sflag:s16] =	ssyncset.done $0x0  }
0x95: {  	s17 =	sld [smem:$0x10];
	[sflag:s16] =	ssyncadd.s32 $0xFFFFFFFF  }
0x96: {  	s18 =	sld [smem:$0x11];
	(tm) =	ssettm $0x1  }
0x97: {  	s19 =	sld [smem:$0x3FFB];
	_ =	sdelay $0x3  }
0x98: {  	_ =	strace s19  }
0x99: {  	s4 =	sld [smem:$0x3FFC];
	_ =	sdelay $0x3  }
0x9a: {  	_ =	strace s4  }
0x9b: {  	s4 =	sld [smem:$0x3FFD];
	_ =	sdelay $0x3  }
0x9c: {  	_ =	strace s4  }
0x9d: {  	_ =	strace $0x8FFFFFFF  }
0x9e: {  	s20 =	sld [smem:$0x3FDB];
	_ =	sdelay $0x1  }
0x9f: {  	s5 =	simm.s32 $_scs_section_size  }
0xa0: {  	s6 =	simm.s32 $_size__tile_overlayer_lowered;
	s7 =	simm.s32 $_tile_overlayer_lowered  }
0xa1: {  	s23 =	simm.s32 $0x1BFF;
	s22 =	sshll.u32 s7, $0x1;
	s4 =	sadd.s32 s5, s20  }
0xa2: {  	s8 =	simm.s32 $0x0;
	s21 =	sshll.u32 s6, $0x1;
	s6 =	sadd.s32 s22, s4  }
0xa3: {  	[timem:s8], [sflag:s23] =	dma.local [hbm:s6], s21  }
0xa4: {  	_ =	swait.ge [sflag:s23], s21  }
0xa5: {  	s5 =	ssub.s32 $0x0, s21;
	[sflag:s23] =	ssyncset.done $0x0  }
0xa6: {  	[sflag:s23] =	ssyncadd.s32 s5;
	_ =	sdelay $0x1  }
0xa7: {  	s24 =	simm.s32 $0x1B8B  }
0xa8: {  	_ =	swait.ge [sflag:s24], $0x1  }
0xa9: {  	[sflag:s24] =	ssyncset.done $0x0  }
0xaa: {  	s25 =	simm.s32 $0x1B8E;
	[sflag:s24] =	ssyncadd.s32 $0xFFFFFFFF  }
0xab: {  	s26 =	simm.s32 $execute0_lowered;
	[smem:$0x3FD2] =	sst s25  }
0xac: {  	s5 =	sshll.u32 s26, $0x1;
	_ =	strace $0x80000046;
	[dreg:$0x1] =	wrdreg $0xFFFFFFFF  }
0xad: {  	s28 =	simm.s32 $_size_execute0_lowered;
	s4 =	sadd.s32 s4, s5;
	[dreg:$0x0] =	wrdreg $0x0  }
0xae: {  	s5 =	sshll.u32 s28, $0x1;
	[dreg:$0x2] =	wrdreg s4  }
0xaf: {  	[dreg:$0x3] =	wrdreg s5  }
0xb0: {  	[dreg:$0x4] =	wrdreg $0xC0  }
0xb1: {  	_ =	task [dreg:s8], $0x5FFFF  }
0xb2: {  	[dreg:$0x1] =	wrdreg $0xFFFFFFFF  }
0xb3: {  	[dreg:$0x0] =	wrdreg $0x60  }
0xb4: {  	[dreg:$0x2] =	wrdreg s18  }
0xb5: {  	[dreg:$0x3] =	wrdreg s17  }
0xb6: {  	[dreg:$0x4] =	wrdreg $0x9  }
0xb7: {  	_ =	task.clear_ibuf [dreg:s8], $0x5FFFF;
	_ =	strace $0x90000046  }
0xb8: {  	s29 =	simm.s32 $0x9;
	_ =	strace $0x80000048  }
0xb9: {  	_ =	swait.ge [sflag:s29], $0x1  }
0xba: {  	[sflag:s29] =	ssyncadd.s32 $0xFFFFFFFF  }
0xbb: {  	_ =	strace $0x90000048  }
0xbc: {  	_ =	sfence  }
0xbd: {  	s30 =	sld [smem:$0x0];
	_ =	sdelay $0x2  }
0xbe: {  	s31 =	sshll.u32 s1, $0xD;
	s1 =	sshrl.u32 s1, $0x2  }
0xbf: {  	s3 =	sand.u32 $0x4000, s31;
	s1 =	sadd.s32 s1, s30  }
0xc0: {  	s0 =	sor.u32 s3, s0;
	s1 =	sshll.u32 s1, $0x11  }
0xc1: {  	s0 =	sor.u32 s1, s0  }
0xc2: {  	s0 =	sadd.s32 $0x8F2B, s0  }
0xc3: {  	[sflag:s0] =	ssyncadd.remote.s32 $0x1  }
0xc4: {  	_ =	sfence.sel $0xFFFF  }
0xc5: {  	[dreg:$0x0] =	wrdreg $0xFFFFFFFF;
	(pc) =	sbr.abs _section_cstart, $3  }
0xc6: {  	[dreg:$0x1] =	wrdreg $0xFFFFFFFF  }
0xc7: {  	_ =	task.clear_ibuf [dreg:s8], $0x2FFFF;
	_ =	strace $0x9FFFFFFF  }
0xc8: {  	(tm) =	ssettm $0x7FFFFFFF  }
0xc9: {  	_ =	shalt  }
tec
execute0_lowered:
.L_overlay_start_1:
0x0: {  	(tag) =	ssettag $0x1  }
0x1: {  	s0 =	srdreg.scid  }
0x2: {  	s3 =	sand.u32 $0x1, s0  }
0x3: {  	s4 =	rddreg [dreg:$0x0];
	s0 =	stileid.u32;
	s1 =	sshll.u32 s3, $0x4  }
0x4: {  	s5 =	rddreg [dreg:$0x1];
	s2 =	simm.s32 $0x0;
	s6 =	sor.u32 s0, s1  }
0x5: {  	s9 =	simm.s32 $0x2780;
	s10 =	simm.s32 $0x0;
	s7 =	sshrl.u32 s6, $0x3  }
0x6: {  	[smem:$0x7FF] =	sst s2;
	s8 =	sshll.u32 s0, $0x7;
	s7 =	smul.u32 $0x13C00, s7  }
0x7: {  	s3 =	ssub.s32 $0x2, s3;
	s1 =	rddreg [dreg:$0x2];
	s8 =	sand.u32 $0x380, s8  }
0x8: {  	s31 =	sshrl.u32 s3, $0x1;
	s6 =	smul.u32 $0x500, s6;
	s7 =	sor.u32 s8, s7  }
0x9: {  	_ =	strace $0x80000047;
	s8 =	ssub.s32 s3, s31;
	s7 =	sshrl.u32 s7, $0x3  }
0xa: {  	s3 =	sadd.s32 s4, s7;
	s4 =	sadd.s32 s5, s6;
	s5 =	smax.u32 s8, $0x1  }
0xb: {  	v0 =	vimm.f32 $0.0e+00;
	v1 =	vimm.f32 $1.000000000e+00;
	s6 =	simm.s32 $0x80;
	s7 =	simm.s32 $0x400;
	s8 =	simm.s32 $0x1  }
.LBB2_1:
0xc: {  	[tilespmem:s2], [sflag:$0x1] =	stream.strided.gather [hbm4b:s3+s6], $0x2780, s7, s6, $0x38;
	[tilespmem:$0x4F80] =	vst v63  }
0xd: {  	_ =	swait.ge [sflag:s8], $0x2780  }
0xe: {  	[sflag:s8] =	ssyncset.done $0x0  }
0xf: {  	s11 =	simm.s32 $0x0;
	s12 =	simm.s32 $0x200;
	[sflag:s8] =	ssyncadd.s32 $0xFFFFD880  }
.LBB2_2:
0x10: {  	p0 =	sne.s32 s12, $0x9E00;
	[tilespmem:s11+$0x27F0] =	vst v0  }
0x11: {  	[tilespmem:s11+$0x2780] =	vst v0  }
0x12: {  	[tilespmem:s11+$0x2790] =	vst v0  }
.Ltmp0:
0x13: {  	[tilespmem:s11+$0x27A0] =	vst v0;
	(pc) =	sbr.rel @p0 .LBB2_2-.Ltmp0, $4  }
0x14: {  	[tilespmem:s11+$0x27B0] =	vst v0  }
0x15: {  	[tilespmem:s11+$0x27C0] =	vst v0  }
0x16: {  	[tilespmem:s11+$0x27D0] =	vst v0  }
0x17: {  	[tilespmem:s11+$0x27E0] =	vst v0;
	s11 =	sshra.s32 s12, $0x2;
	s12 =	sadd.s32 $0x200, s12  }
0x18: {  	[tilespmem:s11+$0x27F0] =	vst v0  }
0x19: {  	[tilespmem:s11+$0x2780] =	vst v0  }
0x1a: {  	[tilespmem:s11+$0x2790] =	vst v0  }
0x1b: {  	[tilespmem:s11+$0x27A0] =	vst v0  }
0x1c: {  	[tilespmem:s11+$0x27B0] =	vst v0  }
0x1d: {  	[tilespmem:s11+$0x27C0] =	vst v0  }
0x1e: {  	[tilespmem:s11+$0x27D0] =	vst v0  }
0x1f: {  	[tilespmem:s11+$0x27E0] =	vst v0;
	s12 =	simm.s32 $0x0;
	s11 =	simm.s32 $0x40  }
.LBB2_4:
0x20: {  	p0 =	sne.s32 s11, $0x9C00;
	v2 =	vld [tilespmem:s12+$0x0];
	_ =	sdelay $0x3  }
.Ltmp1:
0x21: {  	(pc) =	sbr.rel @p0 .LBB2_4-.Ltmp1, $2  }
0x22: {  	_ =	sdelay $0x2  }
0x23: {  	s12 =	sshra.s32 s11, $0x2;
	s11 =	sadd.s32 $0x40, s11;
	[tilespmem:v2+s9+$0x0] =	vst.idx.add.f32.msk $0xffff, v1  }
0x24: {  	v2 =	vld [tilespmem:s12+$0x0];
	_ =	sdelay $0x5  }
0x25: {  	s10 =	sadd.s32 $0x1, s10  }
0x26: {  	p0 =	sne.s32 s10, s5  }
.Ltmp2:
0x27: {  	[tilespmem:v2+s9+$0x0] =	vst.idx.add.f32.msk $0xffff, v1;
	(pc) =	sbr.rel @p0 .LBB2_1-.Ltmp2, $4  }
0x28: {  	[hbm4b:s4+s2] =	stream.linear.scatter [tilespmem:s9], [sflag:$0x1], $0x2800, $0x38;
	[tilespmem:$0x4F80] =	vst v63  }
0x29: {  	_ =	swait.ge [sflag:s8], $0x2800  }
0x2a: {  	[sflag:s8] =	ssyncset.done $0x0  }
0x2b: {  	[sflag:s8] =	ssyncadd.s32 $0xFFFFD800  }
0x2c: {  	_ =	sfence.sel $0x180000  }
0x2d: {  	[bflag:$0x0] =	sbarrier.arrive $0xFFFF  }
0x2e: {  	p0 =	sne.s32 s0, $0x0;
	_ =	strace $0x90000047  }
0x2f: {  	s0 =	sadd.s32 @!p0 $0x100000, s1;
	[bflag:$0x2] =	sbarrier.arrive $0xFFFF  }
0x30: {  	[sflag:s0] =	ssyncadd.tile.s32 @!p0 $0x1;
	_ =	shalt  }
.Lfunc_end2:
_tile_overlayer_lowered:
.L_overlay_start_2:
0x31: {  	(tag) =	ssettag $0x2  }
0x32: {  	s0 =	rddreg [dreg:$0x0];
	s2 =	stileid.u32  }
0x33: {  	s1 =	rddreg [dreg:$0x1];
	p0 =	sne.s32 s2, $0x0  }
0x34: {  	s3 =	rddreg [dreg:$0x2];
	[bflag:$0x3] =	sbarrier.arrive $0xFFFF;
	s2 =	simm.s32 @!p0 $0x1C01  }
0x35: {  	[timem:s3], [sflag:s2] =	dma.local @!p0 [hbm:s0], s1  }
0x36: {  	s0 =	simm.s32 @!p0 $0x1  }
0x37: {  	_ =	swait.ge @!p0 [sflag:s0], s1  }
0x38: {  	s1 =	ssub.s32 @!p0 $0x0, s1;
	[sflag:s0] =	ssyncset.done @!p0 $0x0  }
0x39: {  	[sflag:s0] =	ssyncadd.s32 @!p0 s1  }
0x3a: {  	[bflag:$0x3] =	sbarrier.arrive $0xFFFF  }
0x3b: {  	_ =	shalt  }

// kernel: kernel.14.cloned.1.call-start
scs
__scs_entry_jumppad:
0x0: {  	(pc) =	sbr.rel $0x88, $3  }
0x1: {  	(tag) =	ssettag $0x0;
	lr =	simm.s32 $0x1  }
0x2: {  	[smem:$0x3F9B] =	sst lr;
	_ =	strace $0xD0000000  }
0x3: {  	_ = 	snop  }
0x4: {  	_ = 	snop  }
0x5: {  	_ = 	snop  }
0x6: {  	_ = 	snop  }
0x7: {  	_ = 	snop  }
__scs_overlays_trampoline_lowered:
0x8: {  	[smem:$0x3FAA] =	sst s0  }
0x9: {  	[smem:$0x3FAB] =	sst s1  }
0xa: {  	[smem:$0x3FAC] =	sst s2  }
0xb: {  	[smem:$0x3FAD] =	sst s3  }
0xc: {  	[smem:$0x3FAE] =	sst s4  }
0xd: {  	[smem:$0x3FAF] =	sst s5  }
0xe: {  	[smem:$0x3FB0] =	sst s6  }
0xf: {  	[smem:$0x3FB1] =	sst s7  }
0x10: {  	[smem:$0x3FB2] =	sst s8  }
0x11: {  	[smem:$0x3FB3] =	sst s9;
	s0 =	simm.s32 @!p0 $0x0  }
0x12: {  	s1 =	sld [smem:$0x3F99];
	s0 =	simm.s32 @p0 $0x1  }
0x13: {  	[smem:$0x3FB4] =	sst s0;
	s0 =	simm.s32 @!p1 $0x0  }
0x14: {  	s2 =	sld [smem:$0x3F98];
	s0 =	simm.s32 @p1 $0x1  }
0x15: {  	[smem:$0x3FB5] =	sst s0;
	s0 =	simm.s32 @!p2 $0x0  }
0x16: {  	s3 =	sld [smem:$0x3FDB];
	s0 =	simm.s32 @p2 $0x1  }
0x17: {  	s4 =	simm.s32 $0x1BF5;
	[smem:$0x3FB7] =	sst s0  }
0x18: {  	s0 =	sld [smem:$0x3F9A];
	_ =	swait.ge [sflag:s4], $0x0  }
0x19: {  	s7 =	sld [smem:$0x3F9B]  }
0x1a: {  	s8 =	sadd.s32 $0xFFFFE003, lr  }
0x1b: {  	s9 =	sadd.s32 $0xFFFFFEF7, lr;
	s5 =	simm.s32 $0xFFFFFFFF;
	p2 =	slt.u32 s8, $0xFFFFF086  }
0x1c: {  	p1 =	slt.u32 s9, $0xF7A;
	s5 =	simm.s32 @!p2 $0x0  }
0x1d: {  	s5 =	simm.s32 @p1 $0x1;
	p0 =	seq.s32 s7, s2  }
0x1e: {  	s7 =	smul.u32 @!p0 $0xF7A, s2;
	p2 =	seq.s32 @!p0 s5, $0x0  }
0x1f: {  	s9 =	smul.u32 $0xF7A, s1;
	s8 =	simm.s32 @!p0 $0x1BF5;
	p2 =	por !p2, p0  }
0x20: {  	[sflag:s8] =	ssyncset.s32 @!p0 $0xFFFFF086;
	s6 =	sadd.s32 @!p0 s3, s7;
	s7 =	simm.s32 @!p0 $0x108  }
0x21: {  	s3 =	sadd.s32 s3, s9;
	s6 =	sadd.s32 @!p0 $0x88, s6;
	s7 =	simm.s32 @p2 $0x1082  }
0x22: {  	[simem:s7], [sflag:s8] =	dma.local @!p0 [hbm:s6], $0xF7A  }
0x23: {  	s9 =	sor.u32 $0xD0000000, s2;
	s6 =	simm.s32 $0x108;
	_ =	swait.ge @!p0 [sflag:s8], $0x0  }
0x24: {  	s3 =	sadd.s32 $0x88, s3;
	s6 =	simm.s32 @!p1 $0x1082;
	[sflag:s4] =	ssyncset.s32 $0xFFFFF086  }
0x25: {  	[simem:s6], [sflag:s4] =	dma.local [hbm:s3], $0xF7A  }
0x26: {  	[smem:$0x3F9B] =	sst s1;
	(tag) =	ssettag s2;
	_ =	strace s9  }
0x27: {  	s1 =	sld [smem:$0x3FAB]  }
0x28: {  	s2 =	sld [smem:$0x3FAC]  }
0x29: {  	s4 =	sld [smem:$0x3FAE]  }
0x2a: {  	p0 =	seq.s32 s5, $0x0;
	s5 =	sld [smem:$0x3FAF]  }
0x2b: {  	s6 =	sld [smem:$0x3FB0]  }
0x2c: {  	s7 =	sld [smem:$0x3FB1]  }
0x2d: {  	s3 =	simm.s32 $0x108;
	s8 =	sld [smem:$0x3FB2]  }
0x2e: {  	s3 =	simm.s32 @!p0 $0x1082;
	s9 =	sld [smem:$0x3FB3]  }
0x2f: {  	lr =	sadd.s32 s0, s3;
	s0 =	sld [smem:$0x3FAA]  }
0x30: {  	s3 =	sld [smem:$0x3FAD]  }
0x31: {  	[smem:$0x3FB6] =	sst s10  }
0x32: {  	s10 =	sld [smem:$0x3FB4];
	_ =	sdelay $0x3  }
0x33: {  	p0 =	seq.s32 s10, $0x1;
	s10 =	sld [smem:$0x3FB6];
	_ =	sdelay $0x3  }
0x34: {  	[smem:$0x3FB6] =	sst s10  }
0x35: {  	s10 =	sld [smem:$0x3FB5];
	_ =	sdelay $0x3  }
0x36: {  	p1 =	seq.s32 s10, $0x1;
	s10 =	sld [smem:$0x3FB6];
	_ =	sdelay $0x3  }
0x37: {  	[smem:$0x3FB6] =	sst s10  }
0x38: {  	s10 =	sld [smem:$0x3FB7]  }
0x39: {  	_ = 	snop;
	(pc) =	sbr.ind lr, $3  }
0x3a: {  	_ = 	snop  }
0x3b: {  	_ = 	snop  }
0x3c: {  	p2 =	seq.s32 s10, $0x1;
	s10 =	sld [smem:$0x3FB6]  }
0x3d: {  	_ =	shalt  }
0x3e: {  	_ =	shalt  }
0x3f: {  	_ =	shalt  }
0x40: {  	_ =	shalt  }
0x41: {  	_ =	shalt  }
0x42: {  	_ =	shalt  }
0x43: {  	_ =	shalt  }
0x44: {  	_ =	shalt  }
0x45: {  	_ =	shalt  }
0x46: {  	_ =	shalt  }
0x47: {  	_ =	shalt  }
0x48: {  	_ =	shalt  }
0x49: {  	_ =	shalt  }
0x4a: {  	_ =	shalt  }
0x4b: {  	_ =	shalt  }
0x4c: {  	_ =	shalt  }
0x4d: {  	_ =	shalt  }
0x4e: {  	_ =	shalt  }
0x4f: {  	_ =	shalt  }
0x50: {  	_ =	shalt  }
0x51: {  	_ =	shalt  }
0x52: {  	_ =	shalt  }
0x53: {  	_ =	shalt  }
0x54: {  	_ =	shalt  }
0x55: {  	_ =	shalt  }
0x56: {  	_ =	shalt  }
0x57: {  	_ =	shalt  }
0x58: {  	_ =	shalt  }
0x59: {  	_ =	shalt  }
0x5a: {  	_ =	shalt  }
0x5b: {  	_ =	shalt  }
0x5c: {  	_ =	shalt  }
0x5d: {  	_ =	shalt  }
0x5e: {  	_ =	shalt  }
0x5f: {  	_ =	shalt  }
0x60: {  	_ =	shalt  }
0x61: {  	_ =	shalt  }
0x62: {  	_ =	shalt  }
0x63: {  	_ =	shalt  }
0x64: {  	_ =	shalt  }
0x65: {  	_ =	shalt  }
0x66: {  	_ =	shalt  }
0x67: {  	_ =	shalt  }
0x68: {  	_ =	shalt  }
0x69: {  	_ =	shalt  }
0x6a: {  	_ =	shalt  }
0x6b: {  	_ =	shalt  }
0x6c: {  	_ =	shalt  }
0x6d: {  	_ =	shalt  }
0x6e: {  	_ =	shalt  }
0x6f: {  	_ =	shalt  }
0x70: {  	_ =	shalt  }
0x71: {  	_ =	shalt  }
0x72: {  	_ =	shalt  }
0x73: {  	_ =	shalt  }
0x74: {  	_ =	shalt  }
0x75: {  	_ =	shalt  }
0x76: {  	_ =	shalt  }
0x77: {  	_ =	shalt  }
0x78: {  	_ =	shalt  }
0x79: {  	_ =	shalt  }
0x7a: {  	_ =	shalt  }
0x7b: {  	_ =	shalt  }
0x7c: {  	_ =	shalt  }
0x7d: {  	_ =	shalt  }
0x7e: {  	_ =	shalt  }
0x7f: {  	_ =	shalt  }
0x80: {  	_ =	shalt  }
0x81: {  	_ =	shalt  }
0x82: {  	_ =	shalt  }
0x83: {  	_ =	shalt  }
0x84: {  	_ =	shalt  }
0x85: {  	_ =	shalt  }
0x86: {  	_ =	shalt  }
0x87: {  	_ =	shalt  }
.Lfunc_end0:
.L_simem_size_0:
called_computation.1_lowered:
.L_overlay_start_0:
0x88: {  	s2 =	sld [smem:$0x3FD9]  }
0x89: {  	s3 =	sld [smem:$0x3FFE];
	_ =	sdelay $0x1  }
0x8a: {  	s1 =	srdreg.scid  }
0x8b: {  	s0 =	sand.u32 $0x1, s1  }
0x8c: {  	s15 =	sshll.u32 s0, $0xA;
	s2 =	sadd.s32 s3, s2  }
0x8d: {  	s2 =	sadd.s32 s2, s15  }
0x8e: {  	[smem:$0x3FC2] =	sst s2  }
0x8f: {  	_ = 	snop  }
0x90: {  	s2 =	sld [smem:$0x3FD0];
	_ =	sdelay $0x2  }
0x91: {  	s16 =	simm.s32 $0xB;
	s4 =	simm.s32 $0x10  }
0x92: {  	[smem:s4], [sflag:s16] =	dma.local [hbm:s2], $0x1  }
0x93: {  	_ =	swait.eq [sflag:s16], $0x1  }
0x94: {  	[sflag:s16] =	ssyncset.done $0x0  }
0x95: {  	[sflag:s16] =	ssyncadd.s32 $0xFFFFFFFF  }
0x96: {  	s17 =	sld [smem:$0x10];
	(tm) =	ssettm $0x1  }
0x97: {  	s18 =	sld [smem:$0x3FFB];
	_ =	sdelay $0x3  }
0x98: {  	_ =	strace s18  }
0x99: {  	s2 =	sld [smem:$0x3FFC];
	_ =	sdelay $0x3  }
0x9a: {  	_ =	strace s2  }
0x9b: {  	s2 =	sld [smem:$0x3FFD];
	_ =	sdelay $0x3  }
0x9c: {  	_ =	strace s2  }
0x9d: {  	_ =	strace $0x8FFFFFFF  }
0x9e: {  	s19 =	sld [smem:$0x3FDB];
	_ =	sdelay $0x1  }
0x9f: {  	s20 =	simm.s32 $_scs_section_size  }
0xa0: {  	s5 =	simm.s32 $_size__tile_overlayer_lowered;
	s6 =	simm.s32 $_tile_overlayer_lowered  }
0xa1: {  	s7 =	simm.s32 $0x1BFF;
	s21 =	sshll.u32 s6, $0x1;
	s4 =	sadd.s32 s20, s19  }
0xa2: {  	s22 =	simm.s32 $0x0;
	s5 =	sshll.u32 s5, $0x1;
	s6 =	sadd.s32 s21, s4  }
0xa3: {  	[timem:s22], [sflag:s7] =	dma.local [hbm:s6], s5  }
0xa4: {  	_ =	swait.ge [sflag:s7], s5  }
0xa5: {  	s5 =	ssub.s32 $0x0, s5;
	[sflag:s7] =	ssyncset.done $0x0  }
0xa6: {  	[sflag:s7] =	ssyncadd.s32 s5;
	_ =	sdelay $0x1  }
0xa7: {  	s23 =	simm.s32 $0x1B8B  }
0xa8: {  	_ =	swait.ge [sflag:s23], $0x1  }
0xa9: {  	[sflag:s23] =	ssyncset.done $0x0  }
0xaa: {  	[sflag:s23] =	ssyncadd.s32 $0xFFFFFFFF  }
0xab: {  	s5 =	sld [smem:$0x0]  }
0xac: {  	s6 =	sand.u32 $0xFFFFFFFE, s1  }
0xad: {  	p0 =	sne.s32 s1, s6  }
0xae: {  	s6 =	sshll.u32 @p0 s6, $0xE  }
0xaf: {  	s6 =	sadd.s32 @p0 $0x11B8D, s6;
	s7 =	sshll.u32 @p0 s5, $0x11  }
0xb0: {  	s6 =	sor.u32 @p0 s7, s6  }
0xb1: {  	[sflag:s6] =	ssyncadd.remote.s32 @p0 $0x1;
	_ =	sdelay $0x1  }
0xb2: {  	s6 =	simm.s32 @p0 $0x1B8D  }
0xb3: {  	_ =	swait.eq @p0 [sflag:s6], $0x1  }
0xb4: {  	[sflag:s6] =	ssyncadd.s32 @p0 $0xFFFFFFFF  }
0xb5: {  	s7 =	sshll.u32 @!p0 s1, $0xE  }
0xb6: {  	s7 =	sor.u32 @!p0 $0x4000, s7;
	s6 =	simm.s32 @!p0 $0x1B8D  }
0xb7: {  	s5 =	sshll.u32 @!p0 s5, $0x11;
	s7 =	sadd.s32 @!p0 $0x11B8D, s7;
	_ =	swait.eq @!p0 [sflag:s6], $0x1  }
0xb8: {  	s5 =	sor.u32 @!p0 s5, s7;
	[sflag:s6] =	ssyncadd.s32 @!p0 $0xFFFFFFFF  }
0xb9: {  	s25 =	simm.s32 $0x1B8E;
	s24 =	sld [smem:$0x3FFE];
	[sflag:s5] =	ssyncadd.remote.s32 @!p0 $0x1  }
0xba: {  	s26 =	simm.s32 $execute0_lowered;
	[smem:$0x3FD2] =	sst s25  }
0xbb: {  	s6 =	sshll.u32 s26, $0x1;
	_ =	strace $0x8000004C;
	[dreg:$0x1] =	wrdreg $0xFFFFFFFF  }
0xbc: {  	s28 =	simm.s32 $_size_execute0_lowered;
	s4 =	sadd.s32 s4, s6;
	[dreg:$0x0] =	wrdreg $0x0  }
0xbd: {  	s6 =	sshll.u32 s28, $0x1;
	[dreg:$0x2] =	wrdreg s4  }
0xbe: {  	[dreg:$0x3] =	wrdreg s6  }
0xbf: {  	[dreg:$0x4] =	wrdreg $0xC0  }
0xc0: {  	_ =	task [dreg:s22], $0x5FFFF  }
0xc1: {  	[dreg:$0x1] =	wrdreg $0xFFFFFFFF  }
0xc2: {  	[dreg:$0x0] =	wrdreg $0x60  }
0xc3: {  	[dreg:$0x2] =	wrdreg s17  }
0xc4: {  	[dreg:$0x3] =	wrdreg s24  }
0xc5: {  	[dreg:$0x4] =	wrdreg $0x156000  }
0xc6: {  	[dreg:$0x5] =	wrdreg $0x9  }
0xc7: {  	_ =	task.clear_ibuf [dreg:s22], $0x6FFFF;
	_ =	strace $0x9000004C  }
0xc8: {  	s29 =	simm.s32 $0x9;
	_ =	strace $0x8000004E  }
0xc9: {  	_ =	swait.ge [sflag:s29], $0x1  }
0xca: {  	[sflag:s29] =	ssyncadd.s32 $0xFFFFFFFF  }
0xcb: {  	_ =	strace $0x9000004E  }
0xcc: {  	_ =	sfence  }
0xcd: {  	s30 =	sld [smem:$0x0];
	_ =	sdelay $0x2  }
0xce: {  	s31 =	sshll.u32 s1, $0xD;
	s1 =	sshrl.u32 s1, $0x2  }
0xcf: {  	s4 =	sand.u32 $0x4000, s31;
	s1 =	sadd.s32 s1, s30  }
0xd0: {  	s0 =	sor.u32 s4, s0;
	s1 =	sshll.u32 s1, $0x11  }
0xd1: {  	s0 =	sor.u32 s1, s0  }
0xd2: {  	s0 =	sadd.s32 $0x8F2B, s0  }
0xd3: {  	[sflag:s0] =	ssyncadd.remote.s32 $0x1  }
0xd4: {  	_ =	sfence.sel $0xFFFF  }
0xd5: {  	[dreg:$0x0] =	wrdreg $0xFFFFFFFF;
	(pc) =	sbr.abs _section_cstart, $3  }
0xd6: {  	[dreg:$0x1] =	wrdreg $0xFFFFFFFF  }
0xd7: {  	_ =	task.clear_ibuf [dreg:s22], $0x2FFFF;
	_ =	strace $0x9FFFFFFF  }
0xd8: {  	(tm) =	ssettm $0x7FFFFFFF  }
0xd9: {  	_ =	shalt  }
tec
execute0_lowered:
.L_overlay_start_1:
0x0: {  	(tag) =	ssettag $0x1  }
0x1: {  	s1 =	rddreg [dreg:$0x0]  }
0x2: {  	s0 =	rddreg [dreg:$0x1]  }
0x3: {  	s2 =	srdreg.scid;
	s11 =	stileid.u32  }
0x4: {  	s3 =	rddreg [dreg:$0x2];
	s10 =	simm.s32 $0x3;
	s13 =	simm.s32 $0x80  }
0x5: {  	s22 =	simm.s32 $0x1;
	s23 =	simm.s32 $0x2;
	s25 =	simm.s32 $0x0  }
0x6: {  	s2 =	sand.u32 $0x1, s2;
	s5 =	smul.u32 $0x96, s11;
	s4 =	sshll.u32 s11, $0x3  }
0x7: {  	s9 =	smul.u32 $0x9E00, s11;
	s31 =	sshll.u32 s11, $0x6;
	p0 =	seq.s32 s2, $0x0  }
0x8: {  	s6 =	sadd.s32 $0x960, s4;
	s4 =	simm.s32 $0x0;
	s29 =	smul.u32 $0x13C00, s2  }
0x9: {  	s2 =	ssub.s32 $0x2, s2;
	s11 =	sor.u32 $0x1C03, s31;
	s6 =	smov.u32 @p0 s5  }
0xa: {  	[smem:$0x7FF] =	sst s4;
	s30 =	sshrl.u32 s2, $0x1;
	s12 =	sadd.s32 s9, s3  }
0xb: {  	s14 =	sshrl.u32 s9, $0x3;
	s5 =	sshll.u32 s6, $0x4;
	_ =	strace $0x8000004D  }
0xc: {  	s2 =	ssub.s32 s2, s30;
	s6 =	simm.s32 $0x96;
	s12 =	sshrl.u32 s12, $0x3  }
0xd: {  	s8 =	sadd.s32 s5, s0;
	s5 =	sadd.s32 $0x2A600, s0;
	s0 =	sadd.s32 s29, s0  }
0xe: {  	s6 =	simm.s32 @!p0 $0x8;
	s9 =	smax.u32 s2, $0x1;
	s0 =	sadd.s32 $0x2BA00, s0  }
0xf: {  	s7 =	sadd.s32 $0x1C00, s8;
	s8 =	sadd.s32 $0xC400, s8;
	s24 =	sadd.s32 s14, s0  }
.LBB2_1:
0x10: {  	[tilespmem:s4], [sflag:$0x3] =	stream.linear.gather [hbm4b:s7+s4], $0x4B00, $0x38;
	[tilespmem:$0x1F400] =	vst v63  }
0x11: {  	_ =	swait.ge [sflag:s10], $0x4B00  }
0x12: {  	[sflag:s10] =	ssyncset.done $0x0  }
0x13: {  	s0 =	simm.s32 $0x4B00;
	[sflag:s10] =	ssyncadd.s32 $0xFFFFB500  }
0x14: {  	[tilespmem:s0], [sflag:$0x3] =	stream.linear.gather [hbm4b:s8+s4], $0x4B00, $0x38;
	[tilespmem:$0x1F400] =	vst v63  }
0x15: {  	_ =	swait.ge [sflag:s10], $0x4B00  }
0x16: {  	[sflag:s10] =	ssyncset.done $0x0  }
0x17: {  	s2 =	simm.s32 $0x9600;
	s21 =	simm.s32 $0xB600;
	[sflag:s10] =	ssyncadd.s32 $0xFFFFB500  }
0x18: {  	[spmem:s12], [sflag:s11] =	dma.local [hbm:s5], $0x13C0  }
0x19: {  	s26 =	simm.s32 $0x100;
	s14 =	simm.s32 $0xD600;
	_ =	swait.ge [sflag:s10], $0x13C0  }
0x1a: {  	s15 =	simm.s32 $0x180;
	s16 =	simm.s32 $0xF600;
	[sflag:s10] =	ssyncset.done $0x0  }
0x1b: {  	s17 =	simm.s32 $0x200;
	s18 =	simm.s32 $0x11600;
	[sflag:s10] =	ssyncadd.s32 $0xFFFFEC40  }
0x1c: {  	s19 =	smulhi.u32 $0xAAAAAAAB, s4;
	s20 =	simm.s32 $0x13600;
	[bflag:$0x0] =	sbarrier.arrive $0xFFFF  }
0x1d: {  	[tilespmem:s2], [sflag:$0x1] =	stream.indirect.gather [hbm4b:s1+s13], $0x40, s4, s13, $0xb8;
	[tilespmem:$0x1F400] =	vst v63  }
0x1e: {  	s30 =	simm.s32 $0x7600;
	s28 =	simm.s32 $0x1;
	p1 =	sne.s32 s6, $0x1  }
0x1f: {  	[tilespmem:s21], [sflag:$0x1] =	stream.indirect.gather [hbm4b:s1+s13], $0x40, s13, s13, $0xb8;
	[tilespmem:$0x1F400] =	vst v63  }
0x20: {  	s29 =	simm.s32 $0xB600;
	p0 =	por $0x0, $0x0;
	s21 =	simm.s32 $0xFFFFFFFF  }
0x21: {  	[tilespmem:s14], [sflag:$0x1] =	stream.indirect.gather [hbm4b:s1+s13], $0x40, s26, s13, $0xb8;
	[tilespmem:$0x1F400] =	vst v63  }
0x22: {  	s31 =	simm.s32 $0x300;
	s2 =	sshrl.u32 s19, $0x2;
	s14 =	smulhi.u32 $0xAAAAAAAB, s21  }
0x23: {  	[tilespmem:s16], [sflag:$0x1] =	stream.indirect.gather [hbm4b:s1+s13], $0x40, s15, s13, $0xb8;
	[tilespmem:$0x1F400] =	vst v63  }
0x24: {  	p2 =	sle.u32 @p0 s6, $0x5;
	s2 =	smul.u32 $0xFFFD0000, s2;
	s14 =	sshrl.u32 s14, $0x2  }
0x25: {  	[tilespmem:s18], [sflag:$0x1] =	stream.indirect.gather [hbm4b:s1+s13], $0x40, s17, s13, $0xb8;
	[tilespmem:$0x1F400] =	vst v63  }
0x26: {  	p0 =	por p2, !p0;
	s26 =	simm.s32 $0x280;
	s14 =	smul.u32 $0xFFFD0000, s14  }
0x27: {  	[tilespmem:s20], [sflag:$0x1] =	stream.indirect.gather [hbm4b:s1+s13], $0x40, s26, s13, $0xb8;
	[tilespmem:$0x1F400] =	vst v63  }
.Ltmp0:
0x28: {  	s2 =	sshra.s32 s2, $0x2;
	_ =	swait.ge [sflag:s22], $0x2000;
	(pc) =	sbr.rel @!p1 .LBB2_3-.Ltmp0, $4  }
0x29: {  	s2 =	sadd.s32 $0x9600, s2;
	s16 =	simm.s32 @!p0 $0x2;
	[sflag:s22] =	ssyncset.done $0x0  }
0x2a: {  	s15 =	simm.s32 $0x0;
	s17 =	sshra.s32 s14, $0x2;
	[sflag:s22] =	ssyncadd.s32 $0xFFFFE000  }
0x2b: {  	[spmem:s3] =	stream.indirect.scatter.add.f32 [tilespmem:s2], [sflag:$0x2], $0x40, s0, s13, $0xb8;
	[tilespmem:$0x1F400] =	vst v63  }
0x2c: {  	s14 =	simm.s32 $0x0;
	s2 =	simm.s32 $0x4B80;
	s0 =	simm.s32 $0x9600  }
.LBB2_2:
0x2d: {  	s15 =	sadd.s32 $0xFFFFFFFF, s15;
	_ =	swait.ge @!p0 [sflag:s16], $0x2000;
	s18 =	smov.u32 s28  }
0x2e: {  	s28 =	sadd.s32 $0x1, s28;
	s19 =	smov.u32 s29;
	s20 =	smov.u32 s2  }
0x2f: {  	s17 =	sadd.s32 s17, s30;
	s30 =	simm.s32 @!p0 $0x80;
	[sflag:s16] =	ssyncset.done @!p0 $0x0  }
0x30: {  	s21 =	smulhi.u32 $0xAAAAAAAB, s18;
	p1 =	sne.s32 s28, s6;
	[sflag:s16] =	ssyncadd.s32 @!p0 $0xFFFFE000  }
0x31: {  	[tilespmem:s17], [sflag:$0x1] =	stream.indirect.gather @!p0 [hbm4b:s1+s30], $0x40, s26, s30, $0xb8;
	[tilespmem:$0x1F400] =	vst v63  }
0x32: {  	s26 =	smov.u32 s31;
	s30 =	smov.u32 s0  }
0x33: {  	s29 =	sadd.s32 $0x2000, s29;
	s16 =	sshrl.u32 s21, $0x2;
	s17 =	smulhi.u32 $0xAAAAAAAB, s14  }
0x34: {  	s18 =	sadd.s32 $0x5, s18;
	p0 =	sne.s32 s15, $0x0;
	s16 =	smul.u32 $0xFFFD0000, s16  }
0x35: {  	p2 =	sge.u32 @p0 s18, s6  }
0x36: {  	s17 =	sshrl.u32 s17, $0x2;
	s16 =	sshra.s32 s16, $0x2;
	_ =	swait.ge [sflag:s22], $0x2000  }
.Ltmp1:
0x37: {  	p0 =	por p2, !p0;
	s18 =	sadd.s32 s16, s19;
	(pc) =	sbr.rel @p1 .LBB2_2-.Ltmp1, $4  }
0x38: {  	s17 =	smul.u32 $0xFFFD0000, s17;
	s16 =	simm.s32 @!p0 $0x2;
	[sflag:s22] =	ssyncset.done $0x0  }
0x39: {  	s2 =	sadd.s32 $0x80, s2;
	s31 =	sadd.s32 $0x80, s31;
	[sflag:s22] =	ssyncadd.s32 $0xFFFFE000  }
0x3a: {  	s0 =	sadd.s32 $0x2000, s0;
	s14 =	sadd.s32 $0x1, s14;
	s17 =	sshra.s32 s17, $0x2  }
0x3b: {  	[spmem:s3] =	stream.indirect.scatter.add.f32 [tilespmem:s18], [sflag:$0x2], $0x40, s20, s13, $0xb8;
	[tilespmem:$0x1F400] =	vst v63  }
.LBB2_3:
0x3c: {  	_ =	swait.ge @!p0 [sflag:s16], $0x2000  }
0x3d: {  	[sflag:s16] =	ssyncset.done @!p0 $0x0  }
0x3e: {  	s0 =	sadd.s32 s17, s30;
	s2 =	simm.s32 @!p0 $0x80;
	[sflag:s16] =	ssyncadd.s32 @!p0 $0xFFFFE000  }
0x3f: {  	[tilespmem:s0], [sflag:$0x1] =	stream.indirect.gather @!p0 [hbm4b:s1+s2], $0x40, s26, s2, $0xb8;
	[tilespmem:$0x1F400] =	vst v63  }
0x40: {  	_ =	swait.ge [sflag:s23], $0x2000  }
0x41: {  	[sflag:s23] =	ssyncset.done $0x0  }
0x42: {  	[sflag:s23] =	ssyncadd.s32 $0xFFFFE000  }
0x43: {  	_ =	swait.ge [sflag:s23], $0x2000  }
0x44: {  	[sflag:s23] =	ssyncset.done $0x0  }
0x45: {  	[sflag:s23] =	ssyncadd.s32 $0xFFFFE000  }
0x46: {  	_ =	swait.ge [sflag:s23], $0x2000  }
0x47: {  	[sflag:s23] =	ssyncset.done $0x0  }
0x48: {  	[sflag:s23] =	ssyncadd.s32 $0xFFFFE000  }
0x49: {  	_ =	swait.ge [sflag:s23], $0x2000  }
0x4a: {  	[sflag:s23] =	ssyncset.done $0x0  }
0x4b: {  	[sflag:s23] =	ssyncadd.s32 $0xFFFFE000  }
0x4c: {  	_ =	swait.ge [sflag:s23], $0x2000  }
0x4d: {  	[sflag:s23] =	ssyncset.done $0x0  }
0x4e: {  	[sflag:s23] =	ssyncadd.s32 $0xFFFFE000  }
0x4f: {  	_ =	swait.ge [sflag:s23], $0x2000  }
0x50: {  	s25 =	sadd.s32 $0x1, s25;
	[sflag:s23] =	ssyncset.done $0x0  }
0x51: {  	p0 =	sne.s32 s25, s9;
	[sflag:s23] =	ssyncadd.s32 $0xFFFFE000  }
.Ltmp2:
0x52: {  	[bflag:$0x0] =	sbarrier.arrive $0xFFFF;
	(pc) =	sbr.rel @p0 .LBB2_1-.Ltmp2, $4  }
0x53: {  	[hbm:s24], [sflag:s11] =	dma.local [spmem:s12], $0x13C0  }
0x54: {  	_ =	swait.ge [sflag:s10], $0x13C0  }
0x55: {  	[sflag:s10] =	ssyncset.done $0x0  }
0x56: {  	[sflag:s10] =	ssyncadd.s32 $0xFFFFEC40  }
0x57: {  	_ =	sfence.sel $0x180000  }
0x58: {  	[bflag:$0x0] =	sbarrier.arrive $0xFFFF  }
0x59: {  	_ =	strace $0x9000004D  }
0x5a: {  	s0 =	stileid.u32;
	[bflag:$0x2] =	sbarrier.arrive $0xFFFF  }
0x5b: {  	p0 =	sne.s32 s0, $0x0;
	s0 =	rddreg [dreg:$0x3]  }
0x5c: {  	s0 =	sadd.s32 @!p0 $0x100000, s0  }
0x5d: {  	[sflag:s0] =	ssyncadd.tile.s32 @!p0 $0x1;
	_ =	shalt  }
.Lfunc_end2:
_tile_overlayer_lowered:
.L_overlay_start_2:
0x5e: {  	(tag) =	ssettag $0x2  }
0x5f: {  	s0 =	rddreg [dreg:$0x0];
	s2 =	stileid.u32  }
0x60: {  	s1 =	rddreg [dreg:$0x1];
	p0 =	sne.s32 s2, $0x0  }
0x61: {  	s3 =	rddreg [dreg:$0x2];
	[bflag:$0x3] =	sbarrier.arrive $0xFFFF;
	s2 =	simm.s32 @!p0 $0x1C03  }
0x62: {  	[timem:s3], [sflag:s2] =	dma.local @!p0 [hbm:s0], s1  }
0x63: {  	s0 =	simm.s32 @!p0 $0x3  }
0x64: {  	_ =	swait.ge @!p0 [sflag:s0], s1  }
0x65: {  	s1 =	ssub.s32 @!p0 $0x0, s1;
	[sflag:s0] =	ssyncset.done @!p0 $0x0  }
0x66: {  	[sflag:s0] =	ssyncadd.s32 @!p0 s1  }
0x67: {  	[bflag:$0x3] =	sbarrier.arrive $0xFFFF  }
0x68: {  	_ =	shalt  }

// kernel: kernel.17.cloned.1.call-start
scs
__scs_entry_jumppad:
0x0: {  	(pc) =	sbr.rel $0x88, $3  }
0x1: {  	(tag) =	ssettag $0x0;
	lr =	simm.s32 $0x1  }
0x2: {  	[smem:$0x3F9B] =	sst lr;
	_ =	strace $0xD0000000  }
0x3: {  	_ = 	snop  }
0x4: {  	_ = 	snop  }
0x5: {  	_ = 	snop  }
0x6: {  	_ = 	snop  }
0x7: {  	_ = 	snop  }
__scs_overlays_trampoline_lowered:
0x8: {  	[smem:$0x3FAA] =	sst s0  }
0x9: {  	[smem:$0x3FAB] =	sst s1  }
0xa: {  	[smem:$0x3FAC] =	sst s2  }
0xb: {  	[smem:$0x3FAD] =	sst s3  }
0xc: {  	[smem:$0x3FAE] =	sst s4  }
0xd: {  	[smem:$0x3FAF] =	sst s5  }
0xe: {  	[smem:$0x3FB0] =	sst s6  }
0xf: {  	[smem:$0x3FB1] =	sst s7  }
0x10: {  	[smem:$0x3FB2] =	sst s8  }
0x11: {  	[smem:$0x3FB3] =	sst s9;
	s0 =	simm.s32 @!p0 $0x0  }
0x12: {  	s1 =	sld [smem:$0x3F99];
	s0 =	simm.s32 @p0 $0x1  }
0x13: {  	[smem:$0x3FB4] =	sst s0;
	s0 =	simm.s32 @!p1 $0x0  }
0x14: {  	s2 =	sld [smem:$0x3F98];
	s0 =	simm.s32 @p1 $0x1  }
0x15: {  	[smem:$0x3FB5] =	sst s0;
	s0 =	simm.s32 @!p2 $0x0  }
0x16: {  	s3 =	sld [smem:$0x3FDB];
	s0 =	simm.s32 @p2 $0x1  }
0x17: {  	s4 =	simm.s32 $0x1BF5;
	[smem:$0x3FB7] =	sst s0  }
0x18: {  	s0 =	sld [smem:$0x3F9A];
	_ =	swait.ge [sflag:s4], $0x0  }
0x19: {  	s7 =	sld [smem:$0x3F9B]  }
0x1a: {  	s8 =	sadd.s32 $0xFFFFE003, lr  }
0x1b: {  	s9 =	sadd.s32 $0xFFFFFEF7, lr;
	s5 =	simm.s32 $0xFFFFFFFF;
	p2 =	slt.u32 s8, $0xFFFFF086  }
0x1c: {  	p1 =	slt.u32 s9, $0xF7A;
	s5 =	simm.s32 @!p2 $0x0  }
0x1d: {  	s5 =	simm.s32 @p1 $0x1;
	p0 =	seq.s32 s7, s2  }
0x1e: {  	s7 =	smul.u32 @!p0 $0xF7A, s2;
	p2 =	seq.s32 @!p0 s5, $0x0  }
0x1f: {  	s9 =	smul.u32 $0xF7A, s1;
	s8 =	simm.s32 @!p0 $0x1BF5;
	p2 =	por !p2, p0  }
0x20: {  	[sflag:s8] =	ssyncset.s32 @!p0 $0xFFFFF086;
	s6 =	sadd.s32 @!p0 s3, s7;
	s7 =	simm.s32 @!p0 $0x108  }
0x21: {  	s3 =	sadd.s32 s3, s9;
	s6 =	sadd.s32 @!p0 $0x88, s6;
	s7 =	simm.s32 @p2 $0x1082  }
0x22: {  	[simem:s7], [sflag:s8] =	dma.local @!p0 [hbm:s6], $0xF7A  }
0x23: {  	s9 =	sor.u32 $0xD0000000, s2;
	s6 =	simm.s32 $0x108;
	_ =	swait.ge @!p0 [sflag:s8], $0x0  }
0x24: {  	s3 =	sadd.s32 $0x88, s3;
	s6 =	simm.s32 @!p1 $0x1082;
	[sflag:s4] =	ssyncset.s32 $0xFFFFF086  }
0x25: {  	[simem:s6], [sflag:s4] =	dma.local [hbm:s3], $0xF7A  }
0x26: {  	[smem:$0x3F9B] =	sst s1;
	(tag) =	ssettag s2;
	_ =	strace s9  }
0x27: {  	s1 =	sld [smem:$0x3FAB]  }
0x28: {  	s2 =	sld [smem:$0x3FAC]  }
0x29: {  	s4 =	sld [smem:$0x3FAE]  }
0x2a: {  	p0 =	seq.s32 s5, $0x0;
	s5 =	sld [smem:$0x3FAF]  }
0x2b: {  	s6 =	sld [smem:$0x3FB0]  }
0x2c: {  	s7 =	sld [smem:$0x3FB1]  }
0x2d: {  	s3 =	simm.s32 $0x108;
	s8 =	sld [smem:$0x3FB2]  }
0x2e: {  	s3 =	simm.s32 @!p0 $0x1082;
	s9 =	sld [smem:$0x3FB3]  }
0x2f: {  	lr =	sadd.s32 s0, s3;
	s0 =	sld [smem:$0x3FAA]  }
0x30: {  	s3 =	sld [smem:$0x3FAD]  }
0x31: {  	[smem:$0x3FB6] =	sst s10  }
0x32: {  	s10 =	sld [smem:$0x3FB4];
	_ =	sdelay $0x3  }
0x33: {  	p0 =	seq.s32 s10, $0x1;
	s10 =	sld [smem:$0x3FB6];
	_ =	sdelay $0x3  }
0x34: {  	[smem:$0x3FB6] =	sst s10  }
0x35: {  	s10 =	sld [smem:$0x3FB5];
	_ =	sdelay $0x3  }
0x36: {  	p1 =	seq.s32 s10, $0x1;
	s10 =	sld [smem:$0x3FB6];
	_ =	sdelay $0x3  }
0x37: {  	[smem:$0x3FB6] =	sst s10  }
0x38: {  	s10 =	sld [smem:$0x3FB7]  }
0x39: {  	_ = 	snop;
	(pc) =	sbr.ind lr, $3  }
0x3a: {  	_ = 	snop  }
0x3b: {  	_ = 	snop  }
0x3c: {  	p2 =	seq.s32 s10, $0x1;
	s10 =	sld [smem:$0x3FB6]  }
0x3d: {  	_ =	shalt  }
0x3e: {  	_ =	shalt  }
0x3f: {  	_ =	shalt  }
0x40: {  	_ =	shalt  }
0x41: {  	_ =	shalt  }
0x42: {  	_ =	shalt  }
0x43: {  	_ =	shalt  }
0x44: {  	_ =	shalt  }
0x45: {  	_ =	shalt  }
0x46: {  	_ =	shalt  }
0x47: {  	_ =	shalt  }
0x48: {  	_ =	shalt  }
0x49: {  	_ =	shalt  }
0x4a: {  	_ =	shalt  }
0x4b: {  	_ =	shalt  }
0x4c: {  	_ =	shalt  }
0x4d: {  	_ =	shalt  }
0x4e: {  	_ =	shalt  }
0x4f: {  	_ =	shalt  }
0x50: {  	_ =	shalt  }
0x51: {  	_ =	shalt  }
0x52: {  	_ =	shalt  }
0x53: {  	_ =	shalt  }
0x54: {  	_ =	shalt  }
0x55: {  	_ =	shalt  }
0x56: {  	_ =	shalt  }
0x57: {  	_ =	shalt  }
0x58: {  	_ =	shalt  }
0x59: {  	_ =	shalt  }
0x5a: {  	_ =	shalt  }
0x5b: {  	_ =	shalt  }
0x5c: {  	_ =	shalt  }
0x5d: {  	_ =	shalt  }
0x5e: {  	_ =	shalt  }
0x5f: {  	_ =	shalt  }
0x60: {  	_ =	shalt  }
0x61: {  	_ =	shalt  }
0x62: {  	_ =	shalt  }
0x63: {  	_ =	shalt  }
0x64: {  	_ =	shalt  }
0x65: {  	_ =	shalt  }
0x66: {  	_ =	shalt  }
0x67: {  	_ =	shalt  }
0x68: {  	_ =	shalt  }
0x69: {  	_ =	shalt  }
0x6a: {  	_ =	shalt  }
0x6b: {  	_ =	shalt  }
0x6c: {  	_ =	shalt  }
0x6d: {  	_ =	shalt  }
0x6e: {  	_ =	shalt  }
0x6f: {  	_ =	shalt  }
0x70: {  	_ =	shalt  }
0x71: {  	_ =	shalt  }
0x72: {  	_ =	shalt  }
0x73: {  	_ =	shalt  }
0x74: {  	_ =	shalt  }
0x75: {  	_ =	shalt  }
0x76: {  	_ =	shalt  }
0x77: {  	_ =	shalt  }
0x78: {  	_ =	shalt  }
0x79: {  	_ =	shalt  }
0x7a: {  	_ =	shalt  }
0x7b: {  	_ =	shalt  }
0x7c: {  	_ =	shalt  }
0x7d: {  	_ =	shalt  }
0x7e: {  	_ =	shalt  }
0x7f: {  	_ =	shalt  }
0x80: {  	_ =	shalt  }
0x81: {  	_ =	shalt  }
0x82: {  	_ =	shalt  }
0x83: {  	_ =	shalt  }
0x84: {  	_ =	shalt  }
0x85: {  	_ =	shalt  }
0x86: {  	_ =	shalt  }
0x87: {  	_ =	shalt  }
.Lfunc_end0:
.L_simem_size_0:
called_computation.2_lowered:
.L_overlay_start_0:
0x88: {  	s2 =	sld [smem:$0x3FD9]  }
0x89: {  	s3 =	sld [smem:$0x3FFE];
	_ =	sdelay $0x1  }
0x8a: {  	s1 =	srdreg.scid  }
0x8b: {  	s0 =	sand.u32 $0x1, s1  }
0x8c: {  	s14 =	sshll.u32 s0, $0xA;
	s2 =	sadd.s32 s3, s2  }
0x8d: {  	s2 =	sadd.s32 s2, s14  }
0x8e: {  	[smem:$0x3FC2] =	sst s2  }
0x8f: {  	_ = 	snop  }
0x90: {  	s2 =	sld [smem:$0x3FD0];
	_ =	sdelay $0x2  }
0x91: {  	s15 =	simm.s32 $0xB;
	s4 =	simm.s32 $0x10  }
0x92: {  	[smem:s4], [sflag:s15] =	dma.local [hbm:s2], $0x1  }
0x93: {  	_ =	swait.eq [sflag:s15], $0x1  }
0x94: {  	[sflag:s15] =	ssyncset.done $0x0  }
0x95: {  	[sflag:s15] =	ssyncadd.s32 $0xFFFFFFFF  }
0x96: {  	s16 =	sld [smem:$0x11];
	(tm) =	ssettm $0x1  }
0x97: {  	s17 =	sld [smem:$0x3FFB];
	_ =	sdelay $0x3  }
0x98: {  	_ =	strace s17  }
0x99: {  	s3 =	sld [smem:$0x3FFC];
	_ =	sdelay $0x3  }
0x9a: {  	_ =	strace s3  }
0x9b: {  	s3 =	sld [smem:$0x3FFD];
	_ =	sdelay $0x3  }
0x9c: {  	_ =	strace s3  }
0x9d: {  	_ =	strace $0x8FFFFFFF  }
0x9e: {  	s18 =	sld [smem:$0x3FDB];
	_ =	sdelay $0x1  }
0x9f: {  	s19 =	simm.s32 $_scs_section_size  }
0xa0: {  	s5 =	simm.s32 $_size__tile_overlayer_lowered;
	s6 =	simm.s32 $_tile_overlayer_lowered  }
0xa1: {  	s22 =	simm.s32 $0x1BFF;
	s21 =	sshll.u32 s6, $0x1;
	s3 =	sadd.s32 s19, s18  }
0xa2: {  	s7 =	simm.s32 $0x0;
	s20 =	sshll.u32 s5, $0x1;
	s5 =	sadd.s32 s21, s3  }
0xa3: {  	[timem:s7], [sflag:s22] =	dma.local [hbm:s5], s20  }
0xa4: {  	_ =	swait.ge [sflag:s22], s20  }
0xa5: {  	s4 =	ssub.s32 $0x0, s20;
	[sflag:s22] =	ssyncset.done $0x0  }
0xa6: {  	[sflag:s22] =	ssyncadd.s32 s4;
	_ =	sdelay $0x1  }
0xa7: {  	s23 =	simm.s32 $0x1B8B  }
0xa8: {  	_ =	swait.ge [sflag:s23], $0x1  }
0xa9: {  	[sflag:s23] =	ssyncset.done $0x0  }
0xaa: {  	s25 =	simm.s32 $0x1B8E;
	s24 =	sld [smem:$0x3FFE];
	[sflag:s23] =	ssyncadd.s32 $0xFFFFFFFF  }
0xab: {  	s26 =	simm.s32 $execute0_lowered;
	[smem:$0x3FD2] =	sst s25  }
0xac: {  	s5 =	sshll.u32 s26, $0x1;
	_ =	strace $0x80000049;
	[dreg:$0x1] =	wrdreg $0xFFFFFFFF  }
0xad: {  	s28 =	simm.s32 $_size_execute0_lowered;
	s3 =	sadd.s32 s3, s5;
	[dreg:$0x0] =	wrdreg $0x0  }
0xae: {  	s5 =	sshll.u32 s28, $0x1;
	[dreg:$0x2] =	wrdreg s3  }
0xaf: {  	[dreg:$0x3] =	wrdreg s5  }
0xb0: {  	[dreg:$0x4] =	wrdreg $0xC0  }
0xb1: {  	_ =	task [dreg:s7], $0x5FFFF  }
0xb2: {  	[dreg:$0x1] =	wrdreg $0xFFFFFFFF  }
0xb3: {  	[dreg:$0x0] =	wrdreg $0x60  }
0xb4: {  	[dreg:$0x2] =	wrdreg s24  }
0xb5: {  	[dreg:$0x3] =	wrdreg s16  }
0xb6: {  	[dreg:$0x4] =	wrdreg $0x156000  }
0xb7: {  	[dreg:$0x5] =	wrdreg $0xA  }
0xb8: {  	_ =	task.clear_ibuf [dreg:s7], $0x6FFFF;
	_ =	strace $0x90000049  }
0xb9: {  	s29 =	simm.s32 $0xA;
	_ =	strace $0x8000004B  }
0xba: {  	_ =	swait.ge [sflag:s29], $0x1  }
0xbb: {  	[sflag:s29] =	ssyncadd.s32 $0xFFFFFFFF  }
0xbc: {  	_ =	strace $0x9000004B  }
0xbd: {  	_ =	sfence  }
0xbe: {  	s30 =	sld [smem:$0x0];
	_ =	sdelay $0x2  }
0xbf: {  	s31 =	sshll.u32 s1, $0xD;
	s1 =	sshrl.u32 s1, $0x2  }
0xc0: {  	s3 =	sand.u32 $0x4000, s31;
	s1 =	sadd.s32 s1, s30  }
0xc1: {  	s0 =	sor.u32 s3, s0;
	s1 =	sshll.u32 s1, $0x11  }
0xc2: {  	s0 =	sor.u32 s1, s0  }
0xc3: {  	s0 =	sadd.s32 $0x8F2B, s0  }
0xc4: {  	[sflag:s0] =	ssyncadd.remote.s32 $0x1  }
0xc5: {  	_ =	sfence.sel $0xFFFF  }
0xc6: {  	[dreg:$0x0] =	wrdreg $0xFFFFFFFF;
	(pc) =	sbr.abs _section_cstart, $3  }
0xc7: {  	[dreg:$0x1] =	wrdreg $0xFFFFFFFF  }
0xc8: {  	_ =	task.clear_ibuf [dreg:s7], $0x2FFFF;
	_ =	strace $0x9FFFFFFF  }
0xc9: {  	(tm) =	ssettm $0x7FFFFFFF  }
tec
execute0_lowered:
.L_overlay_start_1:
0x0: {  	(tag) =	ssettag $0x1  }
0x1: {  	s0 =	rddreg [dreg:$0x0]  }
0x2: {  	s1 =	rddreg [dreg:$0x1]  }
0x3: {  	s2 =	rddreg [dreg:$0x2];
	s3 =	srdreg.scid  }
0x4: {  	s11 =	stileid.u32;
	s13 =	simm.s32 $0x80;
	s22 =	simm.s32 $0x1  }
0x5: {  	s23 =	simm.s32 $0x2;
	s25 =	simm.s32 $0x0;
	s7 =	sand.u32 $0x1, s3  }
0x6: {  	s4 =	smul.u32 $0x96, s11;
	s5 =	sshll.u32 s11, $0x3;
	s3 =	simm.s32 $0x0  }
0x7: {  	s9 =	smul.u32 $0x9E00, s11;
	s31 =	sshll.u32 s11, $0x6;
	p0 =	seq.s32 s7, $0x0  }
0x8: {  	s5 =	sadd.s32 $0x960, s5;
	[smem:$0x7FF] =	sst s3;
	s6 =	ssub.s32 $0x2, s7  }
0x9: {  	s10 =	smul.u32 $0x13C00, s7;
	s11 =	sor.u32 $0x1C03, s31;
	s5 =	smov.u32 @p0 s4  }
0xa: {  	_ =	strace $0x8000004A;
	s4 =	sadd.s32 $0x16C00, s0;
	s30 =	sshrl.u32 s6, $0x1  }
0xb: {  	s12 =	sadd.s32 s9, s2;
	s14 =	sshrl.u32 s9, $0x3;
	s5 =	sshll.u32 s5, $0x4  }
0xc: {  	s1 =	sadd.s32 s1, s10;
	s10 =	simm.s32 $0x3;
	s8 =	sadd.s32 s5, s0  }
0xd: {  	s5 =	sadd.s32 $0x2A600, s0;
	s0 =	ssub.s32 s6, s30;
	s6 =	simm.s32 $0x96  }
0xe: {  	s12 =	sshrl.u32 s12, $0x3;
	s24 =	sadd.s32 s14, s1;
	s6 =	simm.s32 @!p0 $0x8  }
0xf: {  	s7 =	sadd.s32 $0x1C00, s8;
	s8 =	sadd.s32 $0xC400, s8;
	s9 =	smax.u32 s0, $0x1  }
.LBB2_1:
0x10: {  	[tilespmem:s3], [sflag:$0x3] =	stream.linear.gather [hbm4b:s7+s3], $0x4B00, $0x38;
	[tilespmem:$0x1F400] =	vst v63  }
0x11: {  	_ =	swait.ge [sflag:s10], $0x4B00  }
0x12: {  	[sflag:s10] =	ssyncset.done $0x0  }
0x13: {  	s0 =	simm.s32 $0x4B00;
	[sflag:s10] =	ssyncadd.s32 $0xFFFFB500  }
0x14: {  	[tilespmem:s0], [sflag:$0x3] =	stream.linear.gather [hbm4b:s8+s3], $0x4B00, $0x38;
	[tilespmem:$0x1F400] =	vst v63  }
0x15: {  	_ =	swait.ge [sflag:s10], $0x4B00  }
0x16: {  	[sflag:s10] =	ssyncset.done $0x0  }
0x17: {  	s1 =	simm.s32 $0x9600;
	s21 =	simm.s32 $0xB600;
	[sflag:s10] =	ssyncadd.s32 $0xFFFFB500  }
0x18: {  	[spmem:s12], [sflag:s11] =	dma.local [hbm:s5], $0x13C0  }
0x19: {  	s26 =	simm.s32 $0x100;
	s14 =	simm.s32 $0xD600;
	_ =	swait.ge [sflag:s10], $0x13C0  }
0x1a: {  	s15 =	simm.s32 $0x180;
	s16 =	simm.s32 $0xF600;
	[sflag:s10] =	ssyncset.done $0x0  }
0x1b: {  	s17 =	simm.s32 $0x200;
	s18 =	simm.s32 $0x11600;
	[sflag:s10] =	ssyncadd.s32 $0xFFFFEC40  }
0x1c: {  	s19 =	smulhi.u32 $0xAAAAAAAB, s3;
	s20 =	simm.s32 $0x13600;
	[bflag:$0x0] =	sbarrier.arrive $0xFFFF  }
0x1d: {  	[tilespmem:s1], [sflag:$0x1] =	stream.indirect.gather [hbm4b:s4+s13], $0x40, s3, s13, $0xb8;
	[tilespmem:$0x1F400] =	vst v63  }
0x1e: {  	s30 =	simm.s32 $0x7600;
	s28 =	simm.s32 $0x1;
	p1 =	sne.s32 s6, $0x1  }
0x1f: {  	[tilespmem:s21], [sflag:$0x1] =	stream.indirect.gather [hbm4b:s4+s13], $0x40, s13, s13, $0xb8;
	[tilespmem:$0x1F400] =	vst v63  }
0x20: {  	s29 =	simm.s32 $0xB600;
	p0 =	por $0x0, $0x0;
	s21 =	simm.s32 $0xFFFFFFFF  }
0x21: {  	[tilespmem:s14], [sflag:$0x1] =	stream.indirect.gather [hbm4b:s4+s13], $0x40, s26, s13, $0xb8;
	[tilespmem:$0x1F400] =	vst v63  }
0x22: {  	s31 =	simm.s32 $0x300;
	s1 =	sshrl.u32 s19, $0x2;
	s14 =	smulhi.u32 $0xAAAAAAAB, s21  }
0x23: {  	[tilespmem:s16], [sflag:$0x1] =	stream.indirect.gather [hbm4b:s4+s13], $0x40, s15, s13, $0xb8;
	[tilespmem:$0x1F400] =	vst v63  }
0x24: {  	p2 =	sle.u32 @p0 s6, $0x5;
	s1 =	smul.u32 $0xFFFD0000, s1;
	s14 =	sshrl.u32 s14, $0x2  }
0x25: {  	[tilespmem:s18], [sflag:$0x1] =	stream.indirect.gather [hbm4b:s4+s13], $0x40, s17, s13, $0xb8;
	[tilespmem:$0x1F400] =	vst v63  }
0x26: {  	p0 =	por p2, !p0;
	s26 =	simm.s32 $0x280;
	s14 =	smul.u32 $0xFFFD0000, s14  }
0x27: {  	[tilespmem:s20], [sflag:$0x1] =	stream.indirect.gather [hbm4b:s4+s13], $0x40, s26, s13, $0xb8;
	[tilespmem:$0x1F400] =	vst v63  }
.Ltmp0:
0x28: {  	s1 =	sshra.s32 s1, $0x2;
	_ =	swait.ge [sflag:s22], $0x2000;
	(pc) =	sbr.rel @!p1 .LBB2_3-.Ltmp0, $4  }
0x29: {  	s1 =	sadd.s32 $0x9600, s1;
	s16 =	simm.s32 @!p0 $0x2;
	[sflag:s22] =	ssyncset.done $0x0  }
0x2a: {  	s15 =	simm.s32 $0x0;
	s17 =	sshra.s32 s14, $0x2;
	[sflag:s22] =	ssyncadd.s32 $0xFFFFE000  }
0x2b: {  	[spmem:s2] =	stream.indirect.scatter.add.f32 [tilespmem:s1], [sflag:$0x2], $0x40, s0, s13, $0xb8;
	[tilespmem:$0x1F400] =	vst v63  }
0x2c: {  	s14 =	simm.s32 $0x0;
	s0 =	simm.s32 $0x4B80;
	s1 =	simm.s32 $0x9600  }
.LBB2_2:
0x2d: {  	s15 =	sadd.s32 $0xFFFFFFFF, s15;
	_ =	swait.ge @!p0 [sflag:s16], $0x2000;
	s18 =	smov.u32 s28  }
0x2e: {  	s28 =	sadd.s32 $0x1, s28;
	s19 =	smov.u32 s29;
	s20 =	smov.u32 s0  }
0x2f: {  	s17 =	sadd.s32 s17, s30;
	s30 =	simm.s32 @!p0 $0x80;
	[sflag:s16] =	ssyncset.done @!p0 $0x0  }
0x30: {  	s21 =	smulhi.u32 $0xAAAAAAAB, s18;
	p1 =	sne.s32 s28, s6;
	[sflag:s16] =	ssyncadd.s32 @!p0 $0xFFFFE000  }
0x31: {  	[tilespmem:s17], [sflag:$0x1] =	stream.indirect.gather @!p0 [hbm4b:s4+s30], $0x40, s26, s30, $0xb8;
	[tilespmem:$0x1F400] =	vst v63  }
0x32: {  	s26 =	smov.u32 s31;
	s30 =	smov.u32 s1  }
0x33: {  	s29 =	sadd.s32 $0x2000, s29;
	s16 =	sshrl.u32 s21, $0x2;
	s17 =	smulhi.u32 $0xAAAAAAAB, s14  }
0x34: {  	s18 =	sadd.s32 $0x5, s18;
	p0 =	sne.s32 s15, $0x0;
	s16 =	smul.u32 $0xFFFD0000, s16  }
0x35: {  	p2 =	sge.u32 @p0 s18, s6  }
0x36: {  	s17 =	sshrl.u32 s17, $0x2;
	s16 =	sshra.s32 s16, $0x2;
	_ =	swait.ge [sflag:s22], $0x2000  }
.Ltmp1:
0x37: {  	p0 =	por p2, !p0;
	s18 =	sadd.s32 s16, s19;
	(pc) =	sbr.rel @p1 .LBB2_2-.Ltmp1, $4  }
0x38: {  	s17 =	smul.u32 $0xFFFD0000, s17;
	s16 =	simm.s32 @!p0 $0x2;
	[sflag:s22] =	ssyncset.done $0x0  }
0x39: {  	s0 =	sadd.s32 $0x80, s0;
	s31 =	sadd.s32 $0x80, s31;
	[sflag:s22] =	ssyncadd.s32 $0xFFFFE000  }
0x3a: {  	s1 =	sadd.s32 $0x2000, s1;
	s14 =	sadd.s32 $0x1, s14;
	s17 =	sshra.s32 s17, $0x2  }
0x3b: {  	[spmem:s2] =	stream.indirect.scatter.add.f32 [tilespmem:s18], [sflag:$0x2], $0x40, s20, s13, $0xb8;
	[tilespmem:$0x1F400] =	vst v63  }
.LBB2_3:
0x3c: {  	_ =	swait.ge @!p0 [sflag:s16], $0x2000  }
0x3d: {  	[sflag:s16] =	ssyncset.done @!p0 $0x0  }
0x3e: {  	s0 =	sadd.s32 s17, s30;
	s1 =	simm.s32 @!p0 $0x80;
	[sflag:s16] =	ssyncadd.s32 @!p0 $0xFFFFE000  }
0x3f: {  	[tilespmem:s0], [sflag:$0x1] =	stream.indirect.gather @!p0 [hbm4b:s4+s1], $0x40, s26, s1, $0xb8;
	[tilespmem:$0x1F400] =	vst v63  }
0x40: {  	_ =	swait.ge [sflag:s23], $0x2000  }
0x41: {  	[sflag:s23] =	ssyncset.done $0x0  }
0x42: {  	[sflag:s23] =	ssyncadd.s32 $0xFFFFE000  }
0x43: {  	_ =	swait.ge [sflag:s23], $0x2000  }
0x44: {  	[sflag:s23] =	ssyncset.done $0x0  }
0x45: {  	[sflag:s23] =	ssyncadd.s32 $0xFFFFE000  }
0x46: {  	_ =	swait.ge [sflag:s23], $0x2000  }
0x47: {  	[sflag:s23] =	ssyncset.done $0x0  }
0x48: {  	[sflag:s23] =	ssyncadd.s32 $0xFFFFE000  }
0x49: {  	_ =	swait.ge [sflag:s23], $0x2000  }
0x4a: {  	[sflag:s23] =	ssyncset.done $0x0  }
0x4b: {  	[sflag:s23] =	ssyncadd.s32 $0xFFFFE000  }
0x4c: {  	_ =	swait.ge [sflag:s23], $0x2000  }
0x4d: {  	[sflag:s23] =	ssyncset.done $0x0  }
0x4e: {  	[sflag:s23] =	ssyncadd.s32 $0xFFFFE000  }
0x4f: {  	_ =	swait.ge [sflag:s23], $0x2000  }
0x50: {  	s25 =	sadd.s32 $0x1, s25;
	[sflag:s23] =	ssyncset.done $0x0  }
0x51: {  	p0 =	sne.s32 s25, s9;
	[sflag:s23] =	ssyncadd.s32 $0xFFFFE000  }
.Ltmp2:
0x52: {  	[bflag:$0x0] =	sbarrier.arrive $0xFFFF;
	(pc) =	sbr.rel @p0 .LBB2_1-.Ltmp2, $4  }
0x53: {  	[hbm:s24], [sflag:s11] =	dma.local [spmem:s12], $0x13C0  }
0x54: {  	_ =	swait.ge [sflag:s10], $0x13C0  }
0x55: {  	[sflag:s10] =	ssyncset.done $0x0  }
0x56: {  	[sflag:s10] =	ssyncadd.s32 $0xFFFFEC40  }
0x57: {  	_ =	sfence.sel $0x180000  }
0x58: {  	[bflag:$0x0] =	sbarrier.arrive $0xFFFF  }
0x59: {  	_ =	strace $0x9000004A  }
0x5a: {  	s0 =	stileid.u32;
	[bflag:$0x2] =	sbarrier.arrive $0xFFFF  }
0x5b: {  	p0 =	sne.s32 s0, $0x0;
	s0 =	rddreg [dreg:$0x3]  }
0x5c: {  	s0 =	sadd.s32 @!p0 $0x100000, s0  }
0x5d: {  	[sflag:s0] =	ssyncadd.tile.s32 @!p0 $0x1;
	_ =	shalt  }
.Lfunc_end2:
_tile_overlayer_lowered:
.L_overlay_start_2:
0x5e: {  	(tag) =	ssettag $0x2  }
0x5f: {  	s0 =	rddreg [dreg:$0x0];
	s2 =	stileid.u32  }
0x60: {  	s1 =	rddreg [dreg:$0x1];
	p0 =	sne.s32 s2, $0x0  }
0x61: {  	s3 =	rddreg [dreg:$0x2];
	[bflag:$0x3] =	sbarrier.arrive $0xFFFF;
	s2 =	simm.s32 @!p0 $0x1C03  }
0x62: {  	[timem:s3], [sflag:s2] =	dma.local @!p0 [hbm:s0], s1  }
0x63: {  	s0 =	simm.s32 @!p0 $0x3  }
0x64: {  	_ =	swait.ge @!p0 [sflag:s0], s1  }
0x65: {  	s1 =	ssub.s32 @!p0 $0x0, s1;
	[sflag:s0] =	ssyncset.done @!p0 $0x0  }
0x66: {  	[sflag:s0] =	ssyncadd.s32 @!p0 s1  }
0x67: {  	[bflag:$0x3] =	sbarrier.arrive $0xFFFF  }
0x68: {  	_ =	shalt  }

// kernel: kernel.20.cloned.1.call-start
scs
__scs_entry_jumppad:
0x0: {  	(pc) =	sbr.rel $0x88, $3  }
0x1: {  	(tag) =	ssettag $0x0;
	lr =	simm.s32 $0x1  }
0x2: {  	[smem:$0x3F9B] =	sst lr;
	_ =	strace $0xD0000000  }
0x3: {  	_ = 	snop  }
0x4: {  	_ = 	snop  }
0x5: {  	_ = 	snop  }
0x6: {  	_ = 	snop  }
0x7: {  	_ = 	snop  }
__scs_overlays_trampoline_lowered:
0x8: {  	[smem:$0x3FAA] =	sst s0  }
0x9: {  	[smem:$0x3FAB] =	sst s1  }
0xa: {  	[smem:$0x3FAC] =	sst s2  }
0xb: {  	[smem:$0x3FAD] =	sst s3  }
0xc: {  	[smem:$0x3FAE] =	sst s4  }
0xd: {  	[smem:$0x3FAF] =	sst s5  }
0xe: {  	[smem:$0x3FB0] =	sst s6  }
0xf: {  	[smem:$0x3FB1] =	sst s7  }
0x10: {  	[smem:$0x3FB2] =	sst s8  }
0x11: {  	[smem:$0x3FB3] =	sst s9;
	s0 =	simm.s32 @!p0 $0x0  }
0x12: {  	s1 =	sld [smem:$0x3F99];
	s0 =	simm.s32 @p0 $0x1  }
0x13: {  	[smem:$0x3FB4] =	sst s0;
	s0 =	simm.s32 @!p1 $0x0  }
0x14: {  	s2 =	sld [smem:$0x3F98];
	s0 =	simm.s32 @p1 $0x1  }
0x15: {  	[smem:$0x3FB5] =	sst s0;
	s0 =	simm.s32 @!p2 $0x0  }
0x16: {  	s3 =	sld [smem:$0x3FDB];
	s0 =	simm.s32 @p2 $0x1  }
0x17: {  	s4 =	simm.s32 $0x1BF5;
	[smem:$0x3FB7] =	sst s0  }
0x18: {  	s0 =	sld [smem:$0x3F9A];
	_ =	swait.ge [sflag:s4], $0x0  }
0x19: {  	s7 =	sld [smem:$0x3F9B]  }
0x1a: {  	s8 =	sadd.s32 $0xFFFFE003, lr  }
0x1b: {  	s9 =	sadd.s32 $0xFFFFFEF7, lr;
	s5 =	simm.s32 $0xFFFFFFFF;
	p2 =	slt.u32 s8, $0xFFFFF086  }
0x1c: {  	p1 =	slt.u32 s9, $0xF7A;
	s5 =	simm.s32 @!p2 $0x0  }
0x1d: {  	s5 =	simm.s32 @p1 $0x1;
	p0 =	seq.s32 s7, s2  }
0x1e: {  	s7 =	smul.u32 @!p0 $0xF7A, s2;
	p2 =	seq.s32 @!p0 s5, $0x0  }
0x1f: {  	s9 =	smul.u32 $0xF7A, s1;
	s8 =	simm.s32 @!p0 $0x1BF5;
	p2 =	por !p2, p0  }
0x20: {  	[sflag:s8] =	ssyncset.s32 @!p0 $0xFFFFF086;
	s6 =	sadd.s32 @!p0 s3, s7;
	s7 =	simm.s32 @!p0 $0x108  }
0x21: {  	s3 =	sadd.s32 s3, s9;
	s6 =	sadd.s32 @!p0 $0x88, s6;
	s7 =	simm.s32 @p2 $0x1082  }
0x22: {  	[simem:s7], [sflag:s8] =	dma.local @!p0 [hbm:s6], $0xF7A  }
0x23: {  	s9 =	sor.u32 $0xD0000000, s2;
	s6 =	simm.s32 $0x108;
	_ =	swait.ge @!p0 [sflag:s8], $0x0  }
0x24: {  	s3 =	sadd.s32 $0x88, s3;
	s6 =	simm.s32 @!p1 $0x1082;
	[sflag:s4] =	ssyncset.s32 $0xFFFFF086  }
0x25: {  	[simem:s6], [sflag:s4] =	dma.local [hbm:s3], $0xF7A  }
0x26: {  	[smem:$0x3F9B] =	sst s1;
	(tag) =	ssettag s2;
	_ =	strace s9  }
0x27: {  	s1 =	sld [smem:$0x3FAB]  }
0x28: {  	s2 =	sld [smem:$0x3FAC]  }
0x29: {  	s4 =	sld [smem:$0x3FAE]  }
0x2a: {  	p0 =	seq.s32 s5, $0x0;
	s5 =	sld [smem:$0x3FAF]  }
0x2b: {  	s6 =	sld [smem:$0x3FB0]  }
0x2c: {  	s7 =	sld [smem:$0x3FB1]  }
0x2d: {  	s3 =	simm.s32 $0x108;
	s8 =	sld [smem:$0x3FB2]  }
0x2e: {  	s3 =	simm.s32 @!p0 $0x1082;
	s9 =	sld [smem:$0x3FB3]  }
0x2f: {  	lr =	sadd.s32 s0, s3;
	s0 =	sld [smem:$0x3FAA]  }
0x30: {  	s3 =	sld [smem:$0x3FAD]  }
0x31: {  	[smem:$0x3FB6] =	sst s10  }
0x32: {  	s10 =	sld [smem:$0x3FB4];
	_ =	sdelay $0x3  }
0x33: {  	p0 =	seq.s32 s10, $0x1;
	s10 =	sld [smem:$0x3FB6];
	_ =	sdelay $0x3  }
0x34: {  	[smem:$0x3FB6] =	sst s10  }
0x35: {  	s10 =	sld [smem:$0x3FB5];
	_ =	sdelay $0x3  }
0x36: {  	p1 =	seq.s32 s10, $0x1;
	s10 =	sld [smem:$0x3FB6];
	_ =	sdelay $0x3  }
0x37: {  	[smem:$0x3FB6] =	sst s10  }
0x38: {  	s10 =	sld [smem:$0x3FB7]  }
0x39: {  	_ = 	snop;
	(pc) =	sbr.ind lr, $3  }
0x3a: {  	_ = 	snop  }
0x3b: {  	_ = 	snop  }
0x3c: {  	p2 =	seq.s32 s10, $0x1;
	s10 =	sld [smem:$0x3FB6]  }
0x3d: {  	_ =	shalt  }
0x3e: {  	_ =	shalt  }
0x3f: {  	_ =	shalt  }
0x40: {  	_ =	shalt  }
0x41: {  	_ =	shalt  }
0x42: {  	_ =	shalt  }
0x43: {  	_ =	shalt  }
0x44: {  	_ =	shalt  }
0x45: {  	_ =	shalt  }
0x46: {  	_ =	shalt  }
0x47: {  	_ =	shalt  }
0x48: {  	_ =	shalt  }
0x49: {  	_ =	shalt  }
0x4a: {  	_ =	shalt  }
0x4b: {  	_ =	shalt  }
0x4c: {  	_ =	shalt  }
0x4d: {  	_ =	shalt  }
0x4e: {  	_ =	shalt  }
0x4f: {  	_ =	shalt  }
0x50: {  	_ =	shalt  }
0x51: {  	_ =	shalt  }
0x52: {  	_ =	shalt  }
0x53: {  	_ =	shalt  }
0x54: {  	_ =	shalt  }
0x55: {  	_ =	shalt  }
0x56: {  	_ =	shalt  }
0x57: {  	_ =	shalt  }
0x58: {  	_ =	shalt  }
0x59: {  	_ =	shalt  }
0x5a: {  	_ =	shalt  }
0x5b: {  	_ =	shalt  }
0x5c: {  	_ =	shalt  }
0x5d: {  	_ =	shalt  }
0x5e: {  	_ =	shalt  }
0x5f: {  	_ =	shalt  }
0x60: {  	_ =	shalt  }
0x61: {  	_ =	shalt  }
0x62: {  	_ =	shalt  }
0x63: {  	_ =	shalt  }
0x64: {  	_ =	shalt  }
0x65: {  	_ =	shalt  }
0x66: {  	_ =	shalt  }
0x67: {  	_ =	shalt  }
0x68: {  	_ =	shalt  }
0x69: {  	_ =	shalt  }
0x6a: {  	_ =	shalt  }
0x6b: {  	_ =	shalt  }
0x6c: {  	_ =	shalt  }
0x6d: {  	_ =	shalt  }
0x6e: {  	_ =	shalt  }
0x6f: {  	_ =	shalt  }
0x70: {  	_ =	shalt  }
0x71: {  	_ =	shalt  }
0x72: {  	_ =	shalt  }
0x73: {  	_ =	shalt  }
0x74: {  	_ =	shalt  }
0x75: {  	_ =	shalt  }
0x76: {  	_ =	shalt  }
0x77: {  	_ =	shalt  }
0x78: {  	_ =	shalt  }
0x79: {  	_ =	shalt  }
0x7a: {  	_ =	shalt  }
0x7b: {  	_ =	shalt  }
0x7c: {  	_ =	shalt  }
0x7d: {  	_ =	shalt  }
0x7e: {  	_ =	shalt  }
0x7f: {  	_ =	shalt  }
0x80: {  	_ =	shalt  }
0x81: {  	_ =	shalt  }
0x82: {  	_ =	shalt  }
0x83: {  	_ =	shalt  }
0x84: {  	_ =	shalt  }
0x85: {  	_ =	shalt  }
0x86: {  	_ =	shalt  }
0x87: {  	_ =	shalt  }
.Lfunc_end0:
.L_simem_size_0:
called_computation.3_lowered:
.L_overlay_start_0:
0x88: {  	s2 =	sld [smem:$0x3FD9]  }
0x89: {  	s3 =	sld [smem:$0x3FFE];
	_ =	sdelay $0x1  }
0x8a: {  	s1 =	srdreg.scid  }
0x8b: {  	s0 =	sand.u32 $0x1, s1  }
0x8c: {  	s14 =	sshll.u32 s0, $0xA;
	s2 =	sadd.s32 s3, s2  }
0x8d: {  	s2 =	sadd.s32 s2, s14  }
0x8e: {  	[smem:$0x3FC2] =	sst s2  }
0x8f: {  	_ = 	snop  }
0x90: {  	s2 =	sld [smem:$0x3FD0];
	_ =	sdelay $0x2  }
0x91: {  	s15 =	simm.s32 $0xB;
	s4 =	simm.s32 $0x10  }
0x92: {  	[smem:s4], [sflag:s15] =	dma.local [hbm:s2], $0x1  }
0x93: {  	_ =	swait.eq [sflag:s15], $0x1  }
0x94: {  	[sflag:s15] =	ssyncset.done $0x0  }
0x95: {  	[sflag:s15] =	ssyncadd.s32 $0xFFFFFFFF  }
0x96: {  	s16 =	sld [smem:$0x10];
	(tm) =	ssettm $0x1  }
0x97: {  	s17 =	sld [smem:$0x3FFB];
	_ =	sdelay $0x3  }
0x98: {  	_ =	strace s17  }
0x99: {  	s3 =	sld [smem:$0x3FFC];
	_ =	sdelay $0x3  }
0x9a: {  	_ =	strace s3  }
0x9b: {  	s3 =	sld [smem:$0x3FFD];
	_ =	sdelay $0x3  }
0x9c: {  	_ =	strace s3  }
0x9d: {  	_ =	strace $0x8FFFFFFF  }
0x9e: {  	s18 =	sld [smem:$0x3FDB];
	_ =	sdelay $0x1  }
0x9f: {  	s19 =	simm.s32 $_scs_section_size  }
0xa0: {  	s5 =	simm.s32 $_size__tile_overlayer_lowered;
	s6 =	simm.s32 $_tile_overlayer_lowered  }
0xa1: {  	s22 =	simm.s32 $0x1BFF;
	s21 =	sshll.u32 s6, $0x1;
	s3 =	sadd.s32 s19, s18  }
0xa2: {  	s7 =	simm.s32 $0x0;
	s20 =	sshll.u32 s5, $0x1;
	s5 =	sadd.s32 s21, s3  }
0xa3: {  	[timem:s7], [sflag:s22] =	dma.local [hbm:s5], s20  }
0xa4: {  	_ =	swait.ge [sflag:s22], s20  }
0xa5: {  	s4 =	ssub.s32 $0x0, s20;
	[sflag:s22] =	ssyncset.done $0x0  }
0xa6: {  	[sflag:s22] =	ssyncadd.s32 s4;
	_ =	sdelay $0x1  }
0xa7: {  	s23 =	simm.s32 $0x1B8B  }
0xa8: {  	_ =	swait.ge [sflag:s23], $0x1  }
0xa9: {  	[sflag:s23] =	ssyncset.done $0x0  }
0xaa: {  	s25 =	simm.s32 $0x1B8E;
	s24 =	sld [smem:$0x3FFE];
	[sflag:s23] =	ssyncadd.s32 $0xFFFFFFFF  }
0xab: {  	s26 =	simm.s32 $execute0_lowered;
	[smem:$0x3FD2] =	sst s25  }
0xac: {  	s5 =	sshll.u32 s26, $0x1;
	_ =	strace $0x8000004F;
	[dreg:$0x1] =	wrdreg $0xFFFFFFFF  }
0xad: {  	s28 =	simm.s32 $_size_execute0_lowered;
	s3 =	sadd.s32 s3, s5;
	[dreg:$0x0] =	wrdreg $0x0  }
0xae: {  	s5 =	sshll.u32 s28, $0x1;
	[dreg:$0x2] =	wrdreg s3  }
0xaf: {  	[dreg:$0x3] =	wrdreg s5  }
0xb0: {  	[dreg:$0x4] =	wrdreg $0xC0  }
0xb1: {  	_ =	task [dreg:s7], $0x5FFFF  }
0xb2: {  	[dreg:$0x1] =	wrdreg $0xFFFFFFFF  }
0xb3: {  	[dreg:$0x0] =	wrdreg $0x60  }
0xb4: {  	[dreg:$0x2] =	wrdreg s16  }
0xb5: {  	[dreg:$0x3] =	wrdreg s24  }
0xb6: {  	[dreg:$0x4] =	wrdreg $0x156000  }
0xb7: {  	[dreg:$0x5] =	wrdreg $0x9  }
0xb8: {  	_ =	task.clear_ibuf [dreg:s7], $0x6FFFF;
	_ =	strace $0x9000004F  }
0xb9: {  	s29 =	simm.s32 $0x9;
	_ =	strace $0x80000051  }
0xba: {  	_ =	swait.ge [sflag:s29], $0x1  }
0xbb: {  	[sflag:s29] =	ssyncadd.s32 $0xFFFFFFFF  }
0xbc: {  	_ =	strace $0x90000051  }
0xbd: {  	_ =	sfence  }
0xbe: {  	s30 =	sld [smem:$0x0];
	_ =	sdelay $0x2  }
0xbf: {  	s31 =	sshll.u32 s1, $0xD;
	s1 =	sshrl.u32 s1, $0x2  }
0xc0: {  	s3 =	sand.u32 $0x4000, s31;
	s1 =	sadd.s32 s1, s30  }
0xc1: {  	s0 =	sor.u32 s3, s0;
	s1 =	sshll.u32 s1, $0x11  }
0xc2: {  	s0 =	sor.u32 s1, s0  }
0xc3: {  	s0 =	sadd.s32 $0x8F2B, s0  }
0xc4: {  	[sflag:s0] =	ssyncadd.remote.s32 $0x1  }
0xc5: {  	_ =	sfence.sel $0xFFFF  }
0xc6: {  	[dreg:$0x0] =	wrdreg $0xFFFFFFFF;
	(pc) =	sbr.abs _section_cstart, $3  }
0xc7: {  	[dreg:$0x1] =	wrdreg $0xFFFFFFFF  }
0xc8: {  	_ =	task.clear_ibuf [dreg:s7], $0x2FFFF;
	_ =	strace $0x9FFFFFFF  }
0xc9: {  	(tm) =	ssettm $0x7FFFFFFF  }
tec
execute0_lowered:
.L_overlay_start_1:
0x0: {  	(tag) =	ssettag $0x1  }
0x1: {  	s1 =	rddreg [dreg:$0x0]  }
0x2: {  	s0 =	rddreg [dreg:$0x1]  }
0x3: {  	s2 =	srdreg.scid;
	s11 =	stileid.u32  }
0x4: {  	s3 =	rddreg [dreg:$0x2];
	s10 =	simm.s32 $0x3;
	s13 =	simm.s32 $0x80  }
0x5: {  	s22 =	simm.s32 $0x1;
	s23 =	simm.s32 $0x2;
	s25 =	simm.s32 $0x0  }
0x6: {  	s2 =	sand.u32 $0x1, s2;
	s5 =	smul.u32 $0x96, s11;
	s4 =	sshll.u32 s11, $0x3  }
0x7: {  	s9 =	smul.u32 $0x9E00, s11;
	s31 =	sshll.u32 s11, $0x6;
	p0 =	seq.s32 s2, $0x0  }
0x8: {  	s6 =	sadd.s32 $0x960, s4;
	s4 =	simm.s32 $0x0;
	s29 =	smul.u32 $0x13C00, s2  }
0x9: {  	s2 =	ssub.s32 $0x2, s2;
	s11 =	sor.u32 $0x1C03, s31;
	s6 =	smov.u32 @p0 s5  }
0xa: {  	[smem:$0x7FF] =	sst s4;
	s30 =	sshrl.u32 s2, $0x1;
	s12 =	sadd.s32 s9, s3  }
0xb: {  	s14 =	sshrl.u32 s9, $0x3;
	s5 =	sshll.u32 s6, $0x4;
	_ =	strace $0x80000050  }
0xc: {  	s2 =	ssub.s32 s2, s30;
	s6 =	simm.s32 $0x96;
	s12 =	sshrl.u32 s12, $0x3  }
0xd: {  	s8 =	sadd.s32 s5, s0;
	s5 =	sadd.s32 $0x2A600, s0;
	s0 =	sadd.s32 s29, s0  }
0xe: {  	s6 =	simm.s32 @!p0 $0x8;
	s9 =	smax.u32 s2, $0x1;
	s0 =	sadd.s32 $0x2BA00, s0  }
0xf: {  	s7 =	sadd.s32 $0x1C00, s8;
	s8 =	sadd.s32 $0xC400, s8;
	s24 =	sadd.s32 s14, s0  }
.LBB2_1:
0x10: {  	[tilespmem:s4], [sflag:$0x3] =	stream.linear.gather [hbm4b:s7+s4], $0x4B00, $0x38;
	[tilespmem:$0x1F400] =	vst v63  }
0x11: {  	_ =	swait.ge [sflag:s10], $0x4B00  }
0x12: {  	[sflag:s10] =	ssyncset.done $0x0  }
0x13: {  	s0 =	simm.s32 $0x4B00;
	[sflag:s10] =	ssyncadd.s32 $0xFFFFB500  }
0x14: {  	[tilespmem:s0], [sflag:$0x3] =	stream.linear.gather [hbm4b:s8+s4], $0x4B00, $0x38;
	[tilespmem:$0x1F400] =	vst v63  }
0x15: {  	_ =	swait.ge [sflag:s10], $0x4B00  }
0x16: {  	[sflag:s10] =	ssyncset.done $0x0  }
0x17: {  	s2 =	simm.s32 $0x9600;
	s21 =	simm.s32 $0xB600;
	[sflag:s10] =	ssyncadd.s32 $0xFFFFB500  }
0x18: {  	[spmem:s12], [sflag:s11] =	dma.local [hbm:s5], $0x13C0  }
0x19: {  	s26 =	simm.s32 $0x100;
	s14 =	simm.s32 $0xD600;
	_ =	swait.ge [sflag:s10], $0x13C0  }
0x1a: {  	s15 =	simm.s32 $0x180;
	s16 =	simm.s32 $0xF600;
	[sflag:s10] =	ssyncset.done $0x0  }
0x1b: {  	s17 =	simm.s32 $0x200;
	s18 =	simm.s32 $0x11600;
	[sflag:s10] =	ssyncadd.s32 $0xFFFFEC40  }
0x1c: {  	s19 =	smulhi.u32 $0xAAAAAAAB, s4;
	s20 =	simm.s32 $0x13600;
	[bflag:$0x0] =	sbarrier.arrive $0xFFFF  }
0x1d: {  	[tilespmem:s2], [sflag:$0x1] =	stream.indirect.gather [hbm4b:s1+s13], $0x40, s4, s13, $0xb8;
	[tilespmem:$0x1F400] =	vst v63  }
0x1e: {  	s30 =	simm.s32 $0x7600;
	s28 =	simm.s32 $0x1;
	p1 =	sne.s32 s6, $0x1  }
0x1f: {  	[tilespmem:s21], [sflag:$0x1] =	stream.indirect.gather [hbm4b:s1+s13], $0x40, s13, s13, $0xb8;
	[tilespmem:$0x1F400] =	vst v63  }
0x20: {  	s29 =	simm.s32 $0xB600;
	p0 =	por $0x0, $0x0;
	s21 =	simm.s32 $0xFFFFFFFF  }
0x21: {  	[tilespmem:s14], [sflag:$0x1] =	stream.indirect.gather [hbm4b:s1+s13], $0x40, s26, s13, $0xb8;
	[tilespmem:$0x1F400] =	vst v63  }
0x22: {  	s31 =	simm.s32 $0x300;
	s2 =	sshrl.u32 s19, $0x2;
	s14 =	smulhi.u32 $0xAAAAAAAB, s21  }
0x23: {  	[tilespmem:s16], [sflag:$0x1] =	stream.indirect.gather [hbm4b:s1+s13], $0x40, s15, s13, $0xb8;
	[tilespmem:$0x1F400] =	vst v63  }
0x24: {  	p2 =	sle.u32 @p0 s6, $0x5;
	s2 =	smul.u32 $0xFFFD0000, s2;
	s14 =	sshrl.u32 s14, $0x2  }
0x25: {  	[tilespmem:s18], [sflag:$0x1] =	stream.indirect.gather [hbm4b:s1+s13], $0x40, s17, s13, $0xb8;
	[tilespmem:$0x1F400] =	vst v63  }
0x26: {  	p0 =	por p2, !p0;
	s26 =	simm.s32 $0x280;
	s14 =	smul.u32 $0xFFFD0000, s14  }
0x27: {  	[tilespmem:s20], [sflag:$0x1] =	stream.indirect.gather [hbm4b:s1+s13], $0x40, s26, s13, $0xb8;
	[tilespmem:$0x1F400] =	vst v63  }
.Ltmp0:
0x28: {  	s2 =	sshra.s32 s2, $0x2;
	_ =	swait.ge [sflag:s22], $0x2000;
	(pc) =	sbr.rel @!p1 .LBB2_3-.Ltmp0, $4  }
0x29: {  	s2 =	sadd.s32 $0x9600, s2;
	s16 =	simm.s32 @!p0 $0x2;
	[sflag:s22] =	ssyncset.done $0x0  }
0x2a: {  	s15 =	simm.s32 $0x0;
	s17 =	sshra.s32 s14, $0x2;
	[sflag:s22] =	ssyncadd.s32 $0xFFFFE000  }
0x2b: {  	[spmem:s3] =	stream.indirect.scatter.add.f32 [tilespmem:s2], [sflag:$0x2], $0x40, s0, s13, $0xb8;
	[tilespmem:$0x1F400] =	vst v63  }
0x2c: {  	s14 =	simm.s32 $0x0;
	s2 =	simm.s32 $0x4B80;
	s0 =	simm.s32 $0x9600  }
.LBB2_2:
0x2d: {  	s15 =	sadd.s32 $0xFFFFFFFF, s15;
	_ =	swait.ge @!p0 [sflag:s16], $0x2000;
	s18 =	smov.u32 s28  }
0x2e: {  	s28 =	sadd.s32 $0x1, s28;
	s19 =	smov.u32 s29;
	s20 =	smov.u32 s2  }
0x2f: {  	s17 =	sadd.s32 s17, s30;
	s30 =	simm.s32 @!p0 $0x80;
	[sflag:s16] =	ssyncset.done @!p0 $0x0  }
0x30: {  	s21 =	smulhi.u32 $0xAAAAAAAB, s18;
	p1 =	sne.s32 s28, s6;
	[sflag:s16] =	ssyncadd.s32 @!p0 $0xFFFFE000  }
0x31: {  	[tilespmem:s17], [sflag:$0x1] =	stream.indirect.gather @!p0 [hbm4b:s1+s30], $0x40, s26, s30, $0xb8;
	[tilespmem:$0x1F400] =	vst v63  }
0x32: {  	s26 =	smov.u32 s31;
	s30 =	smov.u32 s0  }
0x33: {  	s29 =	sadd.s32 $0x2000, s29;
	s16 =	sshrl.u32 s21, $0x2;
	s17 =	smulhi.u32 $0xAAAAAAAB, s14  }
0x34: {  	s18 =	sadd.s32 $0x5, s18;
	p0 =	sne.s32 s15, $0x0;
	s16 =	smul.u32 $0xFFFD0000, s16  }
0x35: {  	p2 =	sge.u32 @p0 s18, s6  }
0x36: {  	s17 =	sshrl.u32 s17, $0x2;
	s16 =	sshra.s32 s16, $0x2;
	_ =	swait.ge [sflag:s22], $0x2000  }
.Ltmp1:
0x37: {  	p0 =	por p2, !p0;
	s18 =	sadd.s32 s16, s19;
	(pc) =	sbr.rel @p1 .LBB2_2-.Ltmp1, $4  }
0x38: {  	s17 =	smul.u32 $0xFFFD0000, s17;
	s16 =	simm.s32 @!p0 $0x2;
	[sflag:s22] =	ssyncset.done $0x0  }
0x39: {  	s2 =	sadd.s32 $0x80, s2;
	s31 =	sadd.s32 $0x80, s31;
	[sflag:s22] =	ssyncadd.s32 $0xFFFFE000  }
0x3a: {  	s0 =	sadd.s32 $0x2000, s0;
	s14 =	sadd.s32 $0x1, s14;
	s17 =	sshra.s32 s17, $0x2  }
0x3b: {  	[spmem:s3] =	stream.indirect.scatter.add.f32 [tilespmem:s18], [sflag:$0x2], $0x40, s20, s13, $0xb8;
	[tilespmem:$0x1F400] =	vst v63  }
.LBB2_3:
0x3c: {  	_ =	swait.ge @!p0 [sflag:s16], $0x2000  }
0x3d: {  	[sflag:s16] =	ssyncset.done @!p0 $0x0  }
0x3e: {  	s0 =	sadd.s32 s17, s30;
	s2 =	simm.s32 @!p0 $0x80;
	[sflag:s16] =	ssyncadd.s32 @!p0 $0xFFFFE000  }
0x3f: {  	[tilespmem:s0], [sflag:$0x1] =	stream.indirect.gather @!p0 [hbm4b:s1+s2], $0x40, s26, s2, $0xb8;
	[tilespmem:$0x1F400] =	vst v63  }
0x40: {  	_ =	swait.ge [sflag:s23], $0x2000  }
0x41: {  	[sflag:s23] =	ssyncset.done $0x0  }
0x42: {  	[sflag:s23] =	ssyncadd.s32 $0xFFFFE000  }
0x43: {  	_ =	swait.ge [sflag:s23], $0x2000  }
0x44: {  	[sflag:s23] =	ssyncset.done $0x0  }
0x45: {  	[sflag:s23] =	ssyncadd.s32 $0xFFFFE000  }
0x46: {  	_ =	swait.ge [sflag:s23], $0x2000  }
0x47: {  	[sflag:s23] =	ssyncset.done $0x0  }
0x48: {  	[sflag:s23] =	ssyncadd.s32 $0xFFFFE000  }
0x49: {  	_ =	swait.ge [sflag:s23], $0x2000  }
0x4a: {  	[sflag:s23] =	ssyncset.done $0x0  }
0x4b: {  	[sflag:s23] =	ssyncadd.s32 $0xFFFFE000  }
0x4c: {  	_ =	swait.ge [sflag:s23], $0x2000  }
0x4d: {  	[sflag:s23] =	ssyncset.done $0x0  }
0x4e: {  	[sflag:s23] =	ssyncadd.s32 $0xFFFFE000  }
0x4f: {  	_ =	swait.ge [sflag:s23], $0x2000  }
0x50: {  	s25 =	sadd.s32 $0x1, s25;
	[sflag:s23] =	ssyncset.done $0x0  }
0x51: {  	p0 =	sne.s32 s25, s9;
	[sflag:s23] =	ssyncadd.s32 $0xFFFFE000  }
.Ltmp2:
0x52: {  	[bflag:$0x0] =	sbarrier.arrive $0xFFFF;
	(pc) =	sbr.rel @p0 .LBB2_1-.Ltmp2, $4  }
0x53: {  	[hbm:s24], [sflag:s11] =	dma.local [spmem:s12], $0x13C0  }
0x54: {  	_ =	swait.ge [sflag:s10], $0x13C0  }
0x55: {  	[sflag:s10] =	ssyncset.done $0x0  }
0x56: {  	[sflag:s10] =	ssyncadd.s32 $0xFFFFEC40  }
0x57: {  	_ =	sfence.sel $0x180000  }
0x58: {  	[bflag:$0x0] =	sbarrier.arrive $0xFFFF  }
0x59: {  	_ =	strace $0x90000050  }
0x5a: {  	s0 =	stileid.u32;
	[bflag:$0x2] =	sbarrier.arrive $0xFFFF  }
0x5b: {  	p0 =	sne.s32 s0, $0x0;
	s0 =	rddreg [dreg:$0x3]  }
0x5c: {  	s0 =	sadd.s32 @!p0 $0x100000, s0  }
0x5d: {  	[sflag:s0] =	ssyncadd.tile.s32 @!p0 $0x1;
	_ =	shalt  }
.Lfunc_end2:
_tile_overlayer_lowered:
.L_overlay_start_2:
0x5e: {  	(tag) =	ssettag $0x2  }
0x5f: {  	s0 =	rddreg [dreg:$0x0];
	s2 =	stileid.u32  }
0x60: {  	s1 =	rddreg [dreg:$0x1];
	p0 =	sne.s32 s2, $0x0  }
0x61: {  	s3 =	rddreg [dreg:$0x2];
	[bflag:$0x3] =	sbarrier.arrive $0xFFFF;
	s2 =	simm.s32 @!p0 $0x1C03  }
0x62: {  	[timem:s3], [sflag:s2] =	dma.local @!p0 [hbm:s0], s1  }
0x63: {  	s0 =	simm.s32 @!p0 $0x3  }
0x64: {  	_ =	swait.ge @!p0 [sflag:s0], s1  }
0x65: {  	s1 =	ssub.s32 @!p0 $0x0, s1;
	[sflag:s0] =	ssyncset.done @!p0 $0x0  }
0x66: {  	[sflag:s0] =	ssyncadd.s32 @!p0 s1  }
0x67: {  	[bflag:$0x3] =	sbarrier.arrive $0xFFFF  }
0x68: {  	_ =	shalt  }

</sc_bundles>
